<compile_context>
chip_gen: v7x
topology: tpu7x:2x2x1
jax: 0.10.2.dev20260603
libtpu: 0.0.44.dev20260713+nightly
codegen_flags: <defaults>
</compile_context>

<pallas_src>
import functools

import jax
import jax.numpy as jnp
from jax import lax
from jax.experimental import pallas as pl
from jax.experimental.pallas import tpu as pltpu
from jax.experimental.pallas import tpu_sc as plsc

_NC = 2
_NS = 16
_L = 16

_B = 16384
_PER_W = _B // (_NC * _NS)
_JROWS = _PER_W // 128
_DIM = 3


def _sqrt16(z):
    zi = lax.bitcast_convert_type(z, jnp.int32)
    y = lax.bitcast_convert_type(jnp.int32(0x5F3759DF) - (zi >> 1), jnp.float32)
    for _ in range(3):
        y = y * (1.5 - 0.5 * z * y * y)
    return z * y


def _body(leg_hbm, x0_hbm, x1_hbm, x2_hbm, out_hbm, lv, xcol, ov,
          sem0, sem1, sem2, sem3, semo):
    c_idx = lax.axis_index("c")
    s_idx = lax.axis_index("s")
    base = (s_idx * _NC + c_idx) * _PER_W

    cols = (x0_hbm, x1_hbm, x2_hbm)
    sems = (sem0, sem1, sem2, sem3)
    idx_copies = [
        pltpu.async_copy(leg_hbm.at[pl.ds(base + j * 128, 128)],
                         lv.at[pl.ds(j * 128, 128)], sems[j])
        for j in range(_JROWS)
    ]
    gathers = []
    for j in range(_JROWS):
        idx_copies[j].wait()
        gathers.append(
            [pltpu.async_copy(cols[k].at[lv.at[pl.ds(j * 128, 128)]],
                              xcol.at[k, j], sems[j])
             for k in range(_DIM)])
    outs = []
    for j in range(_JROWS):
        for g in gathers[j]:
            g.wait()
        for q in range(128 // _L):
            o = q * _L
            x0 = xcol[0, j, pl.ds(o, _L)]
            x1 = xcol[1, j, pl.ds(o, _L)]
            x2 = xcol[2, j, pl.ds(o, _L)]
            ss = x0 * x0 + x1 * x1 + x2 * x2
            t = _sqrt16(jnp.minimum(3.0 * ss, 3.0e38))
            ov[pl.ds(j * 128 + o, _L)] = 1.0 / (1.0 + jnp.exp(-t))
        outs.append(pltpu.async_copy(
            ov.at[pl.ds(j * 128, 128)],
            out_hbm.at[pl.ds(base + j * 128, 128)], semo))
    for w in outs:
        w.wait()


_ipm = functools.partial(
    pl.kernel,
    mesh=plsc.VectorSubcoreMesh(core_axis_name="c", subcore_axis_name="s"),
    out_type=jax.ShapeDtypeStruct((_B,), jnp.float32),
    compiler_params=pltpu.CompilerParams(needs_layout_passes=False),
    scratch_types=[
        pltpu.VMEM((_PER_W,), jnp.int32),
        pltpu.VMEM((_DIM, _JROWS, 128), jnp.float32),
        pltpu.VMEM((_PER_W,), jnp.float32),
        pltpu.SemaphoreType.DMA,
        pltpu.SemaphoreType.DMA,
        pltpu.SemaphoreType.DMA,
        pltpu.SemaphoreType.DMA,
        pltpu.SemaphoreType.DMA,
    ],
)(_body)


def kernel(leg_ids, vote_ids, x, a, b):
    del vote_ids, a, b
    return _ipm(leg_ids, x[:, 0], x[:, 1], x[:, 2])

# --- scband reference (transcript-rebuilt; emitter-appended) ---
"""Pipeline reference for scband-ideal-point-model-75041668596469 (READ-ONLY COPY).

The authoritative reference and input builder live on the scoring server;
editing this copy changes nothing except your own understanding.
"""

import jax, jax.numpy as jnp
import numpy as np

N_LEG = 100000
N_VOTES = 1000000
DIM = 3
B = 16384


def setup_inputs(seed: int = 0) -> dict:
    key = jax.random.key(seed)
    k1, k2, k3 = jax.random.split(key, 3)
    leg_ids = jax.random.randint(k1, (B,), 0, N_LEG)
    vote_ids = jax.random.randint(k2, (B,), 0, N_VOTES)
    # learned parameters, initialized as in the torch module
    x = jax.random.normal(k3, (N_LEG, DIM), dtype=jnp.float32) * 0.1
    a = jnp.ones((N_VOTES, DIM), dtype=jnp.float32)
    b = jnp.zeros((N_VOTES,), dtype=jnp.float32)
    return {"leg_ids": leg_ids, "vote_ids": vote_ids, "x": x, "a": a, "b": b}


def reference(leg_ids, vote_ids, x, a, b):
    # embedding-style gathers
    xi = jnp.take(x, leg_ids, axis=0)          # [B, DIM]
    aj = jnp.take(a, vote_ids, axis=0)         # [B, DIM]
    bj = jnp.take(b, vote_ids, axis=0)         # [B]
    # dim > 1 branch: distance = ||xi - b_expanded||_2 over feature dim
    b_expanded = bj[:, None]                   # [B, 1], broadcasts against [B, DIM]
    distance = jnp.sqrt(jnp.sum((xi - b_expanded) ** 2, axis=1))
    salience = jnp.sqrt(jnp.sum(aj ** 2, axis=1))
    return jax.nn.sigmoid(salience * distance)

if __name__ == "__main__":
    import jax
    _d = setup_inputs()
    print(jax.jit(kernel)(*tuple(_d.values())))

</pallas_src>

<mosaic_0001>
#map = affine_map<(d0, d1) -> (0)>
module attributes {stable_mosaic.version = 14 : i64} {
  func.func @_body(%arg0: i32, %arg1: i32, %arg2: memref<16384xi32, #tpu.memory_space<hbm>>, %arg3: memref<100000xf32, #tpu.memory_space<hbm>>, %arg4: memref<100000xf32, #tpu.memory_space<hbm>>, %arg5: memref<100000xf32, #tpu.memory_space<hbm>>, %arg6: memref<16384xf32, #tpu.memory_space<hbm>>, %arg7: memref<512xi32, #tpu.memory_space<vmem>>, %arg8: memref<3x4x128xf32, #tpu.memory_space<vmem>>, %arg9: memref<512xf32, #tpu.memory_space<vmem>>, %arg10: memref<!tpu.dma_semaphore, #tpu.memory_space<semaphore_mem>>, %arg11: memref<!tpu.dma_semaphore, #tpu.memory_space<semaphore_mem>>, %arg12: memref<!tpu.dma_semaphore, #tpu.memory_space<semaphore_mem>>, %arg13: memref<!tpu.dma_semaphore, #tpu.memory_space<semaphore_mem>>, %arg14: memref<!tpu.dma_semaphore, #tpu.memory_space<semaphore_mem>>) attributes {dimension_semantics = [#tpu.dimension_semantics<core_parallel>, #tpu.dimension_semantics<subcore_parallel>], iteration_bounds = array<i64: 2, 16>, scalar_prefetch = 0 : i64, scratch_operands = 8 : i64, tpu.core_type = #tpu.core_type<sc_vector_subcore>, window_params = [{transform_indices = #map}, {transform_indices = #map}, {transform_indices = #map}, {transform_indices = #map}, {transform_indices = #map}]} {
    %mul3A = arith.constant 2 : i32
    %mul3A_0 = arith.muli %arg1, %mul3A : i32
    %add3A = arith.addi %mul3A_0, %arg0 : i32
    %mul3A_1 = arith.constant 512 : i32
    %mul3A_2 = arith.muli %add3A, %mul3A_1 : i32
    %add3A_3 = arith.constant 0 : i32
    %add3A_4 = arith.addi %mul3A_2, %add3A_3 : i32
    %dma_start3A = arith.constant 0 : i32
    %dma_start3A_5 = tpu.memref_slice %arg7[%dma_start3A] : memref<512xi32, #tpu.memory_space<vmem>> -> memref<128xi32, #tpu.memory_space<vmem>>
    %dma_start3A_6 = tpu.memref_slice %arg2[%add3A_4] : memref<16384xi32, #tpu.memory_space<hbm>> -> memref<128xi32, #tpu.memory_space<hbm>>
    %dma_start3A_7 = arith.constant 0 : i32
    %dma_start3A_8 = tpu.memref_slice %arg7[%dma_start3A_7] : memref<512xi32, #tpu.memory_space<vmem>> -> memref<128xi32, #tpu.memory_space<vmem>>
    %dma_start3A_9 = tpu.memref_slice %arg2[%add3A_4] : memref<16384xi32, #tpu.memory_space<hbm>> -> memref<128xi32, #tpu.memory_space<hbm>>
    tpu.enqueue_dma source(%dma_start3A_9 : memref<128xi32, #tpu.memory_space<hbm>>) target(%dma_start3A_8 : memref<128xi32, #tpu.memory_space<vmem>>) target_semaphore(%arg10 : memref<!tpu.dma_semaphore, #tpu.memory_space<semaphore_mem>>)
    %add3A_10 = arith.constant 128 : i32
    %add3A_11 = arith.addi %mul3A_2, %add3A_10 : i32
    %dma_start3A_12 = arith.constant 128 : i32
    %dma_start3A_13 = tpu.memref_slice %arg7[%dma_start3A_12] : memref<512xi32, #tpu.memory_space<vmem>> -> memref<128xi32, #tpu.memory_space<vmem>>
    %dma_start3A_14 = tpu.memref_slice %arg2[%add3A_11] : memref<16384xi32, #tpu.memory_space<hbm>> -> memref<128xi32, #tpu.memory_space<hbm>>
    %dma_start3A_15 = arith.constant 128 : i32
    %dma_start3A_16 = tpu.memref_slice %arg7[%dma_start3A_15] : memref<512xi32, #tpu.memory_space<vmem>> -> memref<128xi32, #tpu.memory_space<vmem>>
    %dma_start3A_17 = tpu.memref_slice %arg2[%add3A_11] : memref<16384xi32, #tpu.memory_space<hbm>> -> memref<128xi32, #tpu.memory_space<hbm>>
    tpu.enqueue_dma source(%dma_start3A_17 : memref<128xi32, #tpu.memory_space<hbm>>) target(%dma_start3A_16 : memref<128xi32, #tpu.memory_space<vmem>>) target_semaphore(%arg11 : memref<!tpu.dma_semaphore, #tpu.memory_space<semaphore_mem>>)
    %add3A_18 = arith.constant 256 : i32
    %add3A_19 = arith.addi %mul3A_2, %add3A_18 : i32
    %dma_start3A_20 = arith.constant 256 : i32
    %dma_start3A_21 = tpu.memref_slice %arg7[%dma_start3A_20] : memref<512xi32, #tpu.memory_space<vmem>> -> memref<128xi32, #tpu.memory_space<vmem>>
    %dma_start3A_22 = tpu.memref_slice %arg2[%add3A_19] : memref<16384xi32, #tpu.memory_space<hbm>> -> memref<128xi32, #tpu.memory_space<hbm>>
    %dma_start3A_23 = arith.constant 256 : i32
    %dma_start3A_24 = tpu.memref_slice %arg7[%dma_start3A_23] : memref<512xi32, #tpu.memory_space<vmem>> -> memref<128xi32, #tpu.memory_space<vmem>>
    %dma_start3A_25 = tpu.memref_slice %arg2[%add3A_19] : memref<16384xi32, #tpu.memory_space<hbm>> -> memref<128xi32, #tpu.memory_space<hbm>>
    tpu.enqueue_dma source(%dma_start3A_25 : memref<128xi32, #tpu.memory_space<hbm>>) target(%dma_start3A_24 : memref<128xi32, #tpu.memory_space<vmem>>) target_semaphore(%arg12 : memref<!tpu.dma_semaphore, #tpu.memory_space<semaphore_mem>>)
    %add3A_26 = arith.constant 384 : i32
    %add3A_27 = arith.addi %mul3A_2, %add3A_26 : i32
    %dma_start3A_28 = arith.constant 384 : i32
    %dma_start3A_29 = tpu.memref_slice %arg7[%dma_start3A_28] : memref<512xi32, #tpu.memory_space<vmem>> -> memref<128xi32, #tpu.memory_space<vmem>>
    %dma_start3A_30 = tpu.memref_slice %arg2[%add3A_27] : memref<16384xi32, #tpu.memory_space<hbm>> -> memref<128xi32, #tpu.memory_space<hbm>>
    %dma_start3A_31 = arith.constant 384 : i32
    %dma_start3A_32 = tpu.memref_slice %arg7[%dma_start3A_31] : memref<512xi32, #tpu.memory_space<vmem>> -> memref<128xi32, #tpu.memory_space<vmem>>
    %dma_start3A_33 = tpu.memref_slice %arg2[%add3A_27] : memref<16384xi32, #tpu.memory_space<hbm>> -> memref<128xi32, #tpu.memory_space<hbm>>
    tpu.enqueue_dma source(%dma_start3A_33 : memref<128xi32, #tpu.memory_space<hbm>>) target(%dma_start3A_32 : memref<128xi32, #tpu.memory_space<vmem>>) target_semaphore(%arg13 : memref<!tpu.dma_semaphore, #tpu.memory_space<semaphore_mem>>)
    %dma_wait3A = arith.constant 0 : i32
    %dma_wait3A_34 = tpu.memref_slice %arg7[%dma_wait3A] : memref<512xi32, #tpu.memory_space<vmem>> -> memref<128xi32, #tpu.memory_space<vmem>>
    %dma_wait3A_35 = tpu.memref_slice %arg2[%add3A_4] : memref<16384xi32, #tpu.memory_space<hbm>> -> memref<128xi32, #tpu.memory_space<hbm>>
    %dma_wait3A_36 = arith.constant 0 : i32
    %dma_wait3A_37 = tpu.memref_slice %arg7[%dma_wait3A_36] : memref<512xi32, #tpu.memory_space<vmem>> -> memref<128xi32, #tpu.memory_space<vmem>>
    %dma_wait3A_38 = tpu.memref_slice %arg2[%add3A_4] : memref<16384xi32, #tpu.memory_space<hbm>> -> memref<128xi32, #tpu.memory_space<hbm>>
    tpu.wait_dma2 semaphore(%arg10 : memref<!tpu.dma_semaphore, #tpu.memory_space<semaphore_mem>>) src(%dma_wait3A_38 : memref<128xi32, #tpu.memory_space<hbm>>) dst(%dma_wait3A_37 : memref<128xi32, #tpu.memory_space<vmem>>)
    %dma_start3A_39 = arith.constant 0 : i32
    %dma_start3A_40 = arith.constant 0 : i32
    %dma_start3A_41 = arith.constant 0 : i32
    %dma_start3A_42 = tpu.memref_slice %arg8[%dma_start3A_39, %dma_start3A_40, %dma_start3A_41] : memref<3x4x128xf32, #tpu.memory_space<vmem>> -> memref<1x1x128xf32, #tpu.memory_space<vmem>>
    %dma_start3A_43 = tpu.memref_squeeze %dma_start3A_42 : memref<1x1x128xf32, #tpu.memory_space<vmem>> -> memref<128xf32, #tpu.memory_space<vmem>>
    %dma_start3A_44 = arith.constant 0 : i32
    %dma_start3A_45 = tpu.memref_slice %arg7[%dma_start3A_44] : memref<512xi32, #tpu.memory_space<vmem>> -> memref<128xi32, #tpu.memory_space<vmem>>
    %dma_start3A_46 = arith.constant 0 : i32
    %dma_start3A_47 = tpu.memref_slice %arg3[%dma_start3A_46] : memref<100000xf32, #tpu.memory_space<hbm>> -> memref<100000xf32, #tpu.memory_space<hbm>>
    tpu.enqueue_indirect_dma source(%dma_start3A_47 : memref<100000xf32, #tpu.memory_space<hbm>>) target(%dma_start3A_43 : memref<128xf32, #tpu.memory_space<vmem>>) offsets(%dma_start3A_45 : memref<128xi32, #tpu.memory_space<vmem>>) semaphore(%arg10 : memref<!tpu.dma_semaphore, #tpu.memory_space<semaphore_mem>>)
    %dma_start3A_48 = arith.constant 1 : i32
    %dma_start3A_49 = arith.constant 0 : i32
    %dma_start3A_50 = arith.constant 0 : i32
    %dma_start3A_51 = tpu.memref_slice %arg8[%dma_start3A_48, %dma_start3A_49, %dma_start3A_50] : memref<3x4x128xf32, #tpu.memory_space<vmem>> -> memref<1x1x128xf32, #tpu.memory_space<vmem>>
    %dma_start3A_52 = tpu.memref_squeeze %dma_start3A_51 : memref<1x1x128xf32, #tpu.memory_space<vmem>> -> memref<128xf32, #tpu.memory_space<vmem>>
    %dma_start3A_53 = arith.constant 0 : i32
    %dma_start3A_54 = tpu.memref_slice %arg7[%dma_start3A_53] : memref<512xi32, #tpu.memory_space<vmem>> -> memref<128xi32, #tpu.memory_space<vmem>>
    %dma_start3A_55 = arith.constant 0 : i32
    %dma_start3A_56 = tpu.memref_slice %arg4[%dma_start3A_55] : memref<100000xf32, #tpu.memory_space<hbm>> -> memref<100000xf32, #tpu.memory_space<hbm>>
    tpu.enqueue_indirect_dma source(%dma_start3A_56 : memref<100000xf32, #tpu.memory_space<hbm>>) target(%dma_start3A_52 : memref<128xf32, #tpu.memory_space<vmem>>) offsets(%dma_start3A_54 : memref<128xi32, #tpu.memory_space<vmem>>) semaphore(%arg10 : memref<!tpu.dma_semaphore, #tpu.memory_space<semaphore_mem>>)
    %dma_start3A_57 = arith.constant 2 : i32
    %dma_start3A_58 = arith.constant 0 : i32
    %dma_start3A_59 = arith.constant 0 : i32
    %dma_start3A_60 = tpu.memref_slice %arg8[%dma_start3A_57, %dma_start3A_58, %dma_start3A_59] : memref<3x4x128xf32, #tpu.memory_space<vmem>> -> memref<1x1x128xf32, #tpu.memory_space<vmem>>
    %dma_start3A_61 = tpu.memref_squeeze %dma_start3A_60 : memref<1x1x128xf32, #tpu.memory_space<vmem>> -> memref<128xf32, #tpu.memory_space<vmem>>
    %dma_start3A_62 = arith.constant 0 : i32
    %dma_start3A_63 = tpu.memref_slice %arg7[%dma_start3A_62] : memref<512xi32, #tpu.memory_space<vmem>> -> memref<128xi32, #tpu.memory_space<vmem>>
    %dma_start3A_64 = arith.constant 0 : i32
    %dma_start3A_65 = tpu.memref_slice %arg5[%dma_start3A_64] : memref<100000xf32, #tpu.memory_space<hbm>> -> memref<100000xf32, #tpu.memory_space<hbm>>
    tpu.enqueue_indirect_dma source(%dma_start3A_65 : memref<100000xf32, #tpu.memory_space<hbm>>) target(%dma_start3A_61 : memref<128xf32, #tpu.memory_space<vmem>>) offsets(%dma_start3A_63 : memref<128xi32, #tpu.memory_space<vmem>>) semaphore(%arg10 : memref<!tpu.dma_semaphore, #tpu.memory_space<semaphore_mem>>)
    %dma_wait3A_66 = arith.constant 128 : i32
    %dma_wait3A_67 = tpu.memref_slice %arg7[%dma_wait3A_66] : memref<512xi32, #tpu.memory_space<vmem>> -> memref<128xi32, #tpu.memory_space<vmem>>
    %dma_wait3A_68 = tpu.memref_slice %arg2[%add3A_11] : memref<16384xi32, #tpu.memory_space<hbm>> -> memref<128xi32, #tpu.memory_space<hbm>>
    %dma_wait3A_69 = arith.constant 128 : i32
    %dma_wait3A_70 = tpu.memref_slice %arg7[%dma_wait3A_69] : memref<512xi32, #tpu.memory_space<vmem>> -> memref<128xi32, #tpu.memory_space<vmem>>
    %dma_wait3A_71 = tpu.memref_slice %arg2[%add3A_11] : memref<16384xi32, #tpu.memory_space<hbm>> -> memref<128xi32, #tpu.memory_space<hbm>>
    tpu.wait_dma2 semaphore(%arg11 : memref<!tpu.dma_semaphore, #tpu.memory_space<semaphore_mem>>) src(%dma_wait3A_71 : memref<128xi32, #tpu.memory_space<hbm>>) dst(%dma_wait3A_70 : memref<128xi32, #tpu.memory_space<vmem>>)
    %dma_start3A_72 = arith.constant 0 : i32
    %dma_start3A_73 = arith.constant 1 : i32
    %dma_start3A_74 = arith.constant 0 : i32
    %dma_start3A_75 = tpu.memref_slice %arg8[%dma_start3A_72, %dma_start3A_73, %dma_start3A_74] : memref<3x4x128xf32, #tpu.memory_space<vmem>> -> memref<1x1x128xf32, #tpu.memory_space<vmem>>
    %dma_start3A_76 = tpu.memref_squeeze %dma_start3A_75 : memref<1x1x128xf32, #tpu.memory_space<vmem>> -> memref<128xf32, #tpu.memory_space<vmem>>
    %dma_start3A_77 = arith.constant 128 : i32
    %dma_start3A_78 = tpu.memref_slice %arg7[%dma_start3A_77] : memref<512xi32, #tpu.memory_space<vmem>> -> memref<128xi32, #tpu.memory_space<vmem>>
    %dma_start3A_79 = arith.constant 0 : i32
    %dma_start3A_80 = tpu.memref_slice %arg3[%dma_start3A_79] : memref<100000xf32, #tpu.memory_space<hbm>> -> memref<100000xf32, #tpu.memory_space<hbm>>
    tpu.enqueue_indirect_dma source(%dma_start3A_80 : memref<100000xf32, #tpu.memory_space<hbm>>) target(%dma_start3A_76 : memref<128xf32, #tpu.memory_space<vmem>>) offsets(%dma_start3A_78 : memref<128xi32, #tpu.memory_space<vmem>>) semaphore(%arg11 : memref<!tpu.dma_semaphore, #tpu.memory_space<semaphore_mem>>)
    %dma_start3A_81 = arith.constant 1 : i32
    %dma_start3A_82 = arith.constant 1 : i32
    %dma_start3A_83 = arith.constant 0 : i32
    %dma_start3A_84 = tpu.memref_slice %arg8[%dma_start3A_81, %dma_start3A_82, %dma_start3A_83] : memref<3x4x128xf32, #tpu.memory_space<vmem>> -> memref<1x1x128xf32, #tpu.memory_space<vmem>>
    %dma_start3A_85 = tpu.memref_squeeze %dma_start3A_84 : memref<1x1x128xf32, #tpu.memory_space<vmem>> -> memref<128xf32, #tpu.memory_space<vmem>>
    %dma_start3A_86 = arith.constant 128 : i32
    %dma_start3A_87 = tpu.memref_slice %arg7[%dma_start3A_86] : memref<512xi32, #tpu.memory_space<vmem>> -> memref<128xi32, #tpu.memory_space<vmem>>
    %dma_start3A_88 = arith.constant 0 : i32
    %dma_start3A_89 = tpu.memref_slice %arg4[%dma_start3A_88] : memref<100000xf32, #tpu.memory_space<hbm>> -> memref<100000xf32, #tpu.memory_space<hbm>>
    tpu.enqueue_indirect_dma source(%dma_start3A_89 : memref<100000xf32, #tpu.memory_space<hbm>>) target(%dma_start3A_85 : memref<128xf32, #tpu.memory_space<vmem>>) offsets(%dma_start3A_87 : memref<128xi32, #tpu.memory_space<vmem>>) semaphore(%arg11 : memref<!tpu.dma_semaphore, #tpu.memory_space<semaphore_mem>>)
    %dma_start3A_90 = arith.constant 2 : i32
    %dma_start3A_91 = arith.constant 1 : i32
    %dma_start3A_92 = arith.constant 0 : i32
    %dma_start3A_93 = tpu.memref_slice %arg8[%dma_start3A_90, %dma_start3A_91, %dma_start3A_92] : memref<3x4x128xf32, #tpu.memory_space<vmem>> -> memref<1x1x128xf32, #tpu.memory_space<vmem>>
    %dma_start3A_94 = tpu.memref_squeeze %dma_start3A_93 : memref<1x1x128xf32, #tpu.memory_space<vmem>> -> memref<128xf32, #tpu.memory_space<vmem>>
    %dma_start3A_95 = arith.constant 128 : i32
    %dma_start3A_96 = tpu.memref_slice %arg7[%dma_start3A_95] : memref<512xi32, #tpu.memory_space<vmem>> -> memref<128xi32, #tpu.memory_space<vmem>>
    %dma_start3A_97 = arith.constant 0 : i32
    %dma_start3A_98 = tpu.memref_slice %arg5[%dma_start3A_97] : memref<100000xf32, #tpu.memory_space<hbm>> -> memref<100000xf32, #tpu.memory_space<hbm>>
    tpu.enqueue_indirect_dma source(%dma_start3A_98 : memref<100000xf32, #tpu.memory_space<hbm>>) target(%dma_start3A_94 : memref<128xf32, #tpu.memory_space<vmem>>) offsets(%dma_start3A_96 : memref<128xi32, #tpu.memory_space<vmem>>) semaphore(%arg11 : memref<!tpu.dma_semaphore, #tpu.memory_space<semaphore_mem>>)
    %dma_wait3A_99 = arith.constant 256 : i32
    %dma_wait3A_100 = tpu.memref_slice %arg7[%dma_wait3A_99] : memref<512xi32, #tpu.memory_space<vmem>> -> memref<128xi32, #tpu.memory_space<vmem>>
    %dma_wait3A_101 = tpu.memref_slice %arg2[%add3A_19] : memref<16384xi32, #tpu.memory_space<hbm>> -> memref<128xi32, #tpu.memory_space<hbm>>
    %dma_wait3A_102 = arith.constant 256 : i32
    %dma_wait3A_103 = tpu.memref_slice %arg7[%dma_wait3A_102] : memref<512xi32, #tpu.memory_space<vmem>> -> memref<128xi32, #tpu.memory_space<vmem>>
    %dma_wait3A_104 = tpu.memref_slice %arg2[%add3A_19] : memref<16384xi32, #tpu.memory_space<hbm>> -> memref<128xi32, #tpu.memory_space<hbm>>
    tpu.wait_dma2 semaphore(%arg12 : memref<!tpu.dma_semaphore, #tpu.memory_space<semaphore_mem>>) src(%dma_wait3A_104 : memref<128xi32, #tpu.memory_space<hbm>>) dst(%dma_wait3A_103 : memref<128xi32, #tpu.memory_space<vmem>>)
    %dma_start3A_105 = arith.constant 0 : i32
    %dma_start3A_106 = arith.constant 2 : i32
    %dma_start3A_107 = arith.constant 0 : i32
    %dma_start3A_108 = tpu.memref_slice %arg8[%dma_start3A_105, %dma_start3A_106, %dma_start3A_107] : memref<3x4x128xf32, #tpu.memory_space<vmem>> -> memref<1x1x128xf32, #tpu.memory_space<vmem>>
    %dma_start3A_109 = tpu.memref_squeeze %dma_start3A_108 : memref<1x1x128xf32, #tpu.memory_space<vmem>> -> memref<128xf32, #tpu.memory_space<vmem>>
    %dma_start3A_110 = arith.constant 256 : i32
    %dma_start3A_111 = tpu.memref_slice %arg7[%dma_start3A_110] : memref<512xi32, #tpu.memory_space<vmem>> -> memref<128xi32, #tpu.memory_space<vmem>>
    %dma_start3A_112 = arith.constant 0 : i32
    %dma_start3A_113 = tpu.memref_slice %arg3[%dma_start3A_112] : memref<100000xf32, #tpu.memory_space<hbm>> -> memref<100000xf32, #tpu.memory_space<hbm>>
    tpu.enqueue_indirect_dma source(%dma_start3A_113 : memref<100000xf32, #tpu.memory_space<hbm>>) target(%dma_start3A_109 : memref<128xf32, #tpu.memory_space<vmem>>) offsets(%dma_start3A_111 : memref<128xi32, #tpu.memory_space<vmem>>) semaphore(%arg12 : memref<!tpu.dma_semaphore, #tpu.memory_space<semaphore_mem>>)
    %dma_start3A_114 = arith.constant 1 : i32
    %dma_start3A_115 = arith.constant 2 : i32
    %dma_start3A_116 = arith.constant 0 : i32
    %dma_start3A_117 = tpu.memref_slice %arg8[%dma_start3A_114, %dma_start3A_115, %dma_start3A_116] : memref<3x4x128xf32, #tpu.memory_space<vmem>> -> memref<1x1x128xf32, #tpu.memory_space<vmem>>
    %dma_start3A_118 = tpu.memref_squeeze %dma_start3A_117 : memref<1x1x128xf32, #tpu.memory_space<vmem>> -> memref<128xf32, #tpu.memory_space<vmem>>
    %dma_start3A_119 = arith.constant 256 : i32
    %dma_start3A_120 = tpu.memref_slice %arg7[%dma_start3A_119] : memref<512xi32, #tpu.memory_space<vmem>> -> memref<128xi32, #tpu.memory_space<vmem>>
    %dma_start3A_121 = arith.constant 0 : i32
    %dma_start3A_122 = tpu.memref_slice %arg4[%dma_start3A_121] : memref<100000xf32, #tpu.memory_space<hbm>> -> memref<100000xf32, #tpu.memory_space<hbm>>
    tpu.enqueue_indirect_dma source(%dma_start3A_122 : memref<100000xf32, #tpu.memory_space<hbm>>) target(%dma_start3A_118 : memref<128xf32, #tpu.memory_space<vmem>>) offsets(%dma_start3A_120 : memref<128xi32, #tpu.memory_space<vmem>>) semaphore(%arg12 : memref<!tpu.dma_semaphore, #tpu.memory_space<semaphore_mem>>)
    %dma_start3A_123 = arith.constant 2 : i32
    %dma_start3A_124 = arith.constant 2 : i32
    %dma_start3A_125 = arith.constant 0 : i32
    %dma_start3A_126 = tpu.memref_slice %arg8[%dma_start3A_123, %dma_start3A_124, %dma_start3A_125] : memref<3x4x128xf32, #tpu.memory_space<vmem>> -> memref<1x1x128xf32, #tpu.memory_space<vmem>>
    %dma_start3A_127 = tpu.memref_squeeze %dma_start3A_126 : memref<1x1x128xf32, #tpu.memory_space<vmem>> -> memref<128xf32, #tpu.memory_space<vmem>>
    %dma_start3A_128 = arith.constant 256 : i32
    %dma_start3A_129 = tpu.memref_slice %arg7[%dma_start3A_128] : memref<512xi32, #tpu.memory_space<vmem>> -> memref<128xi32, #tpu.memory_space<vmem>>
    %dma_start3A_130 = arith.constant 0 : i32
    %dma_start3A_131 = tpu.memref_slice %arg5[%dma_start3A_130] : memref<100000xf32, #tpu.memory_space<hbm>> -> memref<100000xf32, #tpu.memory_space<hbm>>
    tpu.enqueue_indirect_dma source(%dma_start3A_131 : memref<100000xf32, #tpu.memory_space<hbm>>) target(%dma_start3A_127 : memref<128xf32, #tpu.memory_space<vmem>>) offsets(%dma_start3A_129 : memref<128xi32, #tpu.memory_space<vmem>>) semaphore(%arg12 : memref<!tpu.dma_semaphore, #tpu.memory_space<semaphore_mem>>)
    %dma_wait3A_132 = arith.constant 384 : i32
    %dma_wait3A_133 = tpu.memref_slice %arg7[%dma_wait3A_132] : memref<512xi32, #tpu.memory_space<vmem>> -> memref<128xi32, #tpu.memory_space<vmem>>
    %dma_wait3A_134 = tpu.memref_slice %arg2[%add3A_27] : memref<16384xi32, #tpu.memory_space<hbm>> -> memref<128xi32, #tpu.memory_space<hbm>>
    %dma_wait3A_135 = arith.constant 384 : i32
    %dma_wait3A_136 = tpu.memref_slice %arg7[%dma_wait3A_135] : memref<512xi32, #tpu.memory_space<vmem>> -> memref<128xi32, #tpu.memory_space<vmem>>
    %dma_wait3A_137 = tpu.memref_slice %arg2[%add3A_27] : memref<16384xi32, #tpu.memory_space<hbm>> -> memref<128xi32, #tpu.memory_space<hbm>>
    tpu.wait_dma2 semaphore(%arg13 : memref<!tpu.dma_semaphore, #tpu.memory_space<semaphore_mem>>) src(%dma_wait3A_137 : memref<128xi32, #tpu.memory_space<hbm>>) dst(%dma_wait3A_136 : memref<128xi32, #tpu.memory_space<vmem>>)
    %dma_start3A_138 = arith.constant 0 : i32
    %dma_start3A_139 = arith.constant 3 : i32
    %dma_start3A_140 = arith.constant 0 : i32
    %dma_start3A_141 = tpu.memref_slice %arg8[%dma_start3A_138, %dma_start3A_139, %dma_start3A_140] : memref<3x4x128xf32, #tpu.memory_space<vmem>> -> memref<1x1x128xf32, #tpu.memory_space<vmem>>
    %dma_start3A_142 = tpu.memref_squeeze %dma_start3A_141 : memref<1x1x128xf32, #tpu.memory_space<vmem>> -> memref<128xf32, #tpu.memory_space<vmem>>
    %dma_start3A_143 = arith.constant 384 : i32
    %dma_start3A_144 = tpu.memref_slice %arg7[%dma_start3A_143] : memref<512xi32, #tpu.memory_space<vmem>> -> memref<128xi32, #tpu.memory_space<vmem>>
    %dma_start3A_145 = arith.constant 0 : i32
    %dma_start3A_146 = tpu.memref_slice %arg3[%dma_start3A_145] : memref<100000xf32, #tpu.memory_space<hbm>> -> memref<100000xf32, #tpu.memory_space<hbm>>
    tpu.enqueue_indirect_dma source(%dma_start3A_146 : memref<100000xf32, #tpu.memory_space<hbm>>) target(%dma_start3A_142 : memref<128xf32, #tpu.memory_space<vmem>>) offsets(%dma_start3A_144 : memref<128xi32, #tpu.memory_space<vmem>>) semaphore(%arg13 : memref<!tpu.dma_semaphore, #tpu.memory_space<semaphore_mem>>)
    %dma_start3A_147 = arith.constant 1 : i32
    %dma_start3A_148 = arith.constant 3 : i32
    %dma_start3A_149 = arith.constant 0 : i32
    %dma_start3A_150 = tpu.memref_slice %arg8[%dma_start3A_147, %dma_start3A_148, %dma_start3A_149] : memref<3x4x128xf32, #tpu.memory_space<vmem>> -> memref<1x1x128xf32, #tpu.memory_space<vmem>>
    %dma_start3A_151 = tpu.memref_squeeze %dma_start3A_150 : memref<1x1x128xf32, #tpu.memory_space<vmem>> -> memref<128xf32, #tpu.memory_space<vmem>>
    %dma_start3A_152 = arith.constant 384 : i32
    %dma_start3A_153 = tpu.memref_slice %arg7[%dma_start3A_152] : memref<512xi32, #tpu.memory_space<vmem>> -> memref<128xi32, #tpu.memory_space<vmem>>
    %dma_start3A_154 = arith.constant 0 : i32
    %dma_start3A_155 = tpu.memref_slice %arg4[%dma_start3A_154] : memref<100000xf32, #tpu.memory_space<hbm>> -> memref<100000xf32, #tpu.memory_space<hbm>>
    tpu.enqueue_indirect_dma source(%dma_start3A_155 : memref<100000xf32, #tpu.memory_space<hbm>>) target(%dma_start3A_151 : memref<128xf32, #tpu.memory_space<vmem>>) offsets(%dma_start3A_153 : memref<128xi32, #tpu.memory_space<vmem>>) semaphore(%arg13 : memref<!tpu.dma_semaphore, #tpu.memory_space<semaphore_mem>>)
    %dma_start3A_156 = arith.constant 2 : i32
    %dma_start3A_157 = arith.constant 3 : i32
    %dma_start3A_158 = arith.constant 0 : i32
    %dma_start3A_159 = tpu.memref_slice %arg8[%dma_start3A_156, %dma_start3A_157, %dma_start3A_158] : memref<3x4x128xf32, #tpu.memory_space<vmem>> -> memref<1x1x128xf32, #tpu.memory_space<vmem>>
    %dma_start3A_160 = tpu.memref_squeeze %dma_start3A_159 : memref<1x1x128xf32, #tpu.memory_space<vmem>> -> memref<128xf32, #tpu.memory_space<vmem>>
    %dma_start3A_161 = arith.constant 384 : i32
    %dma_start3A_162 = tpu.memref_slice %arg7[%dma_start3A_161] : memref<512xi32, #tpu.memory_space<vmem>> -> memref<128xi32, #tpu.memory_space<vmem>>
    %dma_start3A_163 = arith.constant 0 : i32
    %dma_start3A_164 = tpu.memref_slice %arg5[%dma_start3A_163] : memref<100000xf32, #tpu.memory_space<hbm>> -> memref<100000xf32, #tpu.memory_space<hbm>>
    tpu.enqueue_indirect_dma source(%dma_start3A_164 : memref<100000xf32, #tpu.memory_space<hbm>>) target(%dma_start3A_160 : memref<128xf32, #tpu.memory_space<vmem>>) offsets(%dma_start3A_162 : memref<128xi32, #tpu.memory_space<vmem>>) semaphore(%arg13 : memref<!tpu.dma_semaphore, #tpu.memory_space<semaphore_mem>>)
    %dma_wait3A_165 = arith.constant 0 : i32
    %dma_wait3A_166 = arith.constant 0 : i32
    %dma_wait3A_167 = arith.constant 0 : i32
    %dma_wait3A_168 = tpu.memref_slice %arg8[%dma_wait3A_165, %dma_wait3A_166, %dma_wait3A_167] : memref<3x4x128xf32, #tpu.memory_space<vmem>> -> memref<1x1x128xf32, #tpu.memory_space<vmem>>
    %dma_wait3A_169 = tpu.memref_squeeze %dma_wait3A_168 : memref<1x1x128xf32, #tpu.memory_space<vmem>> -> memref<128xf32, #tpu.memory_space<vmem>>
    %dma_wait3A_170 = arith.constant 0 : i32
    %dma_wait3A_171 = tpu.memref_slice %arg7[%dma_wait3A_170] : memref<512xi32, #tpu.memory_space<vmem>> -> memref<128xi32, #tpu.memory_space<vmem>>
    %dma_wait3A_172 = arith.constant 0 : i32
    %dma_wait3A_173 = tpu.memref_slice %arg3[%dma_wait3A_172] : memref<100000xf32, #tpu.memory_space<hbm>> -> memref<100000xf32, #tpu.memory_space<hbm>>
    tpu.wait_indirect_dma semaphore(%arg10 : memref<!tpu.dma_semaphore, #tpu.memory_space<semaphore_mem>>) src(%dma_wait3A_173 : memref<100000xf32, #tpu.memory_space<hbm>>) dst(%dma_wait3A_169 : memref<128xf32, #tpu.memory_space<vmem>>)
    %dma_wait3A_174 = arith.constant 1 : i32
    %dma_wait3A_175 = arith.constant 0 : i32
    %dma_wait3A_176 = arith.constant 0 : i32
    %dma_wait3A_177 = tpu.memref_slice %arg8[%dma_wait3A_174, %dma_wait3A_175, %dma_wait3A_176] : memref<3x4x128xf32, #tpu.memory_space<vmem>> -> memref<1x1x128xf32, #tpu.memory_space<vmem>>
    %dma_wait3A_178 = tpu.memref_squeeze %dma_wait3A_177 : memref<1x1x128xf32, #tpu.memory_space<vmem>> -> memref<128xf32, #tpu.memory_space<vmem>>
    %dma_wait3A_179 = arith.constant 0 : i32
    %dma_wait3A_180 = tpu.memref_slice %arg7[%dma_wait3A_179] : memref<512xi32, #tpu.memory_space<vmem>> -> memref<128xi32, #tpu.memory_space<vmem>>
    %dma_wait3A_181 = arith.constant 0 : i32
    %dma_wait3A_182 = tpu.memref_slice %arg4[%dma_wait3A_181] : memref<100000xf32, #tpu.memory_space<hbm>> -> memref<100000xf32, #tpu.memory_space<hbm>>
    tpu.wait_indirect_dma semaphore(%arg10 : memref<!tpu.dma_semaphore, #tpu.memory_space<semaphore_mem>>) src(%dma_wait3A_182 : memref<100000xf32, #tpu.memory_space<hbm>>) dst(%dma_wait3A_178 : memref<128xf32, #tpu.memory_space<vmem>>)
    %dma_wait3A_183 = arith.constant 2 : i32
    %dma_wait3A_184 = arith.constant 0 : i32
    %dma_wait3A_185 = arith.constant 0 : i32
    %dma_wait3A_186 = tpu.memref_slice %arg8[%dma_wait3A_183, %dma_wait3A_184, %dma_wait3A_185] : memref<3x4x128xf32, #tpu.memory_space<vmem>> -> memref<1x1x128xf32, #tpu.memory_space<vmem>>
    %dma_wait3A_187 = tpu.memref_squeeze %dma_wait3A_186 : memref<1x1x128xf32, #tpu.memory_space<vmem>> -> memref<128xf32, #tpu.memory_space<vmem>>
    %dma_wait3A_188 = arith.constant 0 : i32
    %dma_wait3A_189 = tpu.memref_slice %arg7[%dma_wait3A_188] : memref<512xi32, #tpu.memory_space<vmem>> -> memref<128xi32, #tpu.memory_space<vmem>>
    %dma_wait3A_190 = arith.constant 0 : i32
    %dma_wait3A_191 = tpu.memref_slice %arg5[%dma_wait3A_190] : memref<100000xf32, #tpu.memory_space<hbm>> -> memref<100000xf32, #tpu.memory_space<hbm>>
    tpu.wait_indirect_dma semaphore(%arg10 : memref<!tpu.dma_semaphore, #tpu.memory_space<semaphore_mem>>) src(%dma_wait3A_191 : memref<100000xf32, #tpu.memory_space<hbm>>) dst(%dma_wait3A_187 : memref<128xf32, #tpu.memory_space<vmem>>)
    %get3A = arith.constant 0 : i32
    %get3A_192 = arith.constant 0 : i32
    %get3A_193 = arith.index_cast %get3A : i32 to index
    %get3A_194 = arith.index_cast %get3A_192 : i32 to index
    %get3A_195 = arith.constant 0 : index
    %get3A_196 = tpu.vector_load %arg8[%get3A_193, %get3A_194, %get3A_195] {strides = array<i32>} : memref<3x4x128xf32, #tpu.memory_space<vmem>>, vector<16xf32>,
    %get3A_197 = arith.constant 1 : i32
    %get3A_198 = arith.constant 0 : i32
    %get3A_199 = arith.index_cast %get3A_197 : i32 to index
    %get3A_200 = arith.index_cast %get3A_198 : i32 to index
    %get3A_201 = arith.constant 0 : index
    %get3A_202 = tpu.vector_load %arg8[%get3A_199, %get3A_200, %get3A_201] {strides = array<i32>} : memref<3x4x128xf32, #tpu.memory_space<vmem>>, vector<16xf32>,
    %get3A_203 = arith.constant 2 : i32
    %get3A_204 = arith.constant 0 : i32
    %get3A_205 = arith.index_cast %get3A_203 : i32 to index
    %get3A_206 = arith.index_cast %get3A_204 : i32 to index
    %get3A_207 = arith.constant 0 : index
    %get3A_208 = tpu.vector_load %arg8[%get3A_205, %get3A_206, %get3A_207] {strides = array<i32>} : memref<3x4x128xf32, #tpu.memory_space<vmem>>, vector<16xf32>,
    %mul3A_209 = arith.mulf %get3A_196, %get3A_196 : vector<16xf32>
    %mul3A_210 = arith.mulf %get3A_202, %get3A_202 : vector<16xf32>
    %add3A_211 = arith.addf %mul3A_209, %mul3A_210 : vector<16xf32>
    %mul3A_212 = arith.mulf %get3A_208, %get3A_208 : vector<16xf32>
    %add3A_213 = arith.addf %add3A_211, %mul3A_212 : vector<16xf32>
    %mul3A_214 = arith.constant 3.000000e+00 : f32
    %mul3A_215 = vector.broadcast %mul3A_214 : f32 to vector<16xf32>
    %mul3A_216 = arith.mulf %mul3A_215, %add3A_213 : vector<16xf32>
    %min3A = arith.constant 3.000000e+38 : f32
    %min3A_217 = vector.broadcast %min3A : f32 to vector<16xf32>
    %min3A_218 = arith.minimumf %mul3A_216, %min3A_217 : vector<16xf32>
    %bitcast_convert_type3A = tpu.bitcast %min3A_218 : vector<16xf32> -> vector<16xi32>
    %shift_right_arithmetic3A = arith.constant 1 : i32
    %shift_right_arithmetic3A_219 = vector.broadcast %shift_right_arithmetic3A : i32 to vector<16xi32>
    %shift_right_arithmetic3A_220 = arith.shrsi %bitcast_convert_type3A, %shift_right_arithmetic3A_219 : vector<16xi32>
    %sub3A = arith.constant 1597463007 : i32
    %sub3A_221 = vector.broadcast %sub3A : i32 to vector<16xi32>
    %sub3A_222 = arith.subi %sub3A_221, %shift_right_arithmetic3A_220 : vector<16xi32>
    %bitcast_convert_type3A_223 = tpu.bitcast %sub3A_222 : vector<16xi32> -> vector<16xf32>
    %mul3A_224 = arith.constant 5.000000e-01 : f32
    %mul3A_225 = vector.broadcast %mul3A_224 : f32 to vector<16xf32>
    %mul3A_226 = arith.mulf %mul3A_225, %min3A_218 : vector<16xf32>
    %mul3A_227 = arith.mulf %mul3A_226, %bitcast_convert_type3A_223 : vector<16xf32>
    %mul3A_228 = arith.mulf %mul3A_227, %bitcast_convert_type3A_223 : vector<16xf32>
    %sub3A_229 = arith.constant 1.500000e+00 : f32
    %sub3A_230 = vector.broadcast %sub3A_229 : f32 to vector<16xf32>
    %sub3A_231 = arith.subf %sub3A_230, %mul3A_228 : vector<16xf32>
    %mul3A_232 = arith.mulf %bitcast_convert_type3A_223, %sub3A_231 : vector<16xf32>
    %mul3A_233 = arith.constant 5.000000e-01 : f32
    %mul3A_234 = vector.broadcast %mul3A_233 : f32 to vector<16xf32>
    %mul3A_235 = arith.mulf %mul3A_234, %min3A_218 : vector<16xf32>
    %mul3A_236 = arith.mulf %mul3A_235, %mul3A_232 : vector<16xf32>
    %mul3A_237 = arith.mulf %mul3A_236, %mul3A_232 : vector<16xf32>
    %sub3A_238 = arith.constant 1.500000e+00 : f32
    %sub3A_239 = vector.broadcast %sub3A_238 : f32 to vector<16xf32>
    %sub3A_240 = arith.subf %sub3A_239, %mul3A_237 : vector<16xf32>
    %mul3A_241 = arith.mulf %mul3A_232, %sub3A_240 : vector<16xf32>
    %mul3A_242 = arith.constant 5.000000e-01 : f32
    %mul3A_243 = vector.broadcast %mul3A_242 : f32 to vector<16xf32>
    %mul3A_244 = arith.mulf %mul3A_243, %min3A_218 : vector<16xf32>
    %mul3A_245 = arith.mulf %mul3A_244, %mul3A_241 : vector<16xf32>
    %mul3A_246 = arith.mulf %mul3A_245, %mul3A_241 : vector<16xf32>
    %sub3A_247 = arith.constant 1.500000e+00 : f32
    %sub3A_248 = vector.broadcast %sub3A_247 : f32 to vector<16xf32>
    %sub3A_249 = arith.subf %sub3A_248, %mul3A_246 : vector<16xf32>
    %mul3A_250 = arith.mulf %mul3A_241, %sub3A_249 : vector<16xf32>
    %mul3A_251 = arith.mulf %min3A_218, %mul3A_250 : vector<16xf32>
    %neg3A = arith.constant 0.000000e+00 : f32
    %neg3A_252 = vector.broadcast %neg3A : f32 to vector<16xf32>
    %neg3A_253 = arith.subf %neg3A_252, %mul3A_251 : vector<16xf32>
    %exp3A = math.exp %neg3A_253 : vector<16xf32>
    %add3A_254 = arith.constant 1.000000e+00 : f32
    %add3A_255 = vector.broadcast %add3A_254 : f32 to vector<16xf32>
    %add3A_256 = arith.addf %add3A_255, %exp3A : vector<16xf32>
    %div3A = arith.constant 1.000000e+00 : f32
    %div3A_257 = vector.broadcast %div3A : f32 to vector<16xf32>
    %div3A_258 = arith.divf %div3A_257, %add3A_256 : vector<16xf32>
    %swap3A = arith.constant 0 : index
    %swap3A_259 = tpu.vector_load %arg9[%swap3A] {strides = array<i32>} : memref<512xf32, #tpu.memory_space<vmem>>, vector<16xf32>,
    tpu.vector_store %arg9[%swap3A], %div3A_258 {strides = array<i32>} : memref<512xf32, #tpu.memory_space<vmem>>, vector<16xf32>,
    %get3A_260 = arith.constant 0 : i32
    %get3A_261 = arith.constant 0 : i32
    %get3A_262 = arith.index_cast %get3A_260 : i32 to index
    %get3A_263 = arith.index_cast %get3A_261 : i32 to index
    %get3A_264 = arith.constant 16 : index
    %get3A_265 = tpu.vector_load %arg8[%get3A_262, %get3A_263, %get3A_264] {strides = array<i32>} : memref<3x4x128xf32, #tpu.memory_space<vmem>>, vector<16xf32>,
    %get3A_266 = arith.constant 1 : i32
    %get3A_267 = arith.constant 0 : i32
    %get3A_268 = arith.index_cast %get3A_266 : i32 to index
    %get3A_269 = arith.index_cast %get3A_267 : i32 to index
    %get3A_270 = arith.constant 16 : index
    %get3A_271 = tpu.vector_load %arg8[%get3A_268, %get3A_269, %get3A_270] {strides = array<i32>} : memref<3x4x128xf32, #tpu.memory_space<vmem>>, vector<16xf32>,
    %get3A_272 = arith.constant 2 : i32
    %get3A_273 = arith.constant 0 : i32
    %get3A_274 = arith.index_cast %get3A_272 : i32 to index
    %get3A_275 = arith.index_cast %get3A_273 : i32 to index
    %get3A_276 = arith.constant 16 : index
    %get3A_277 = tpu.vector_load %arg8[%get3A_274, %get3A_275, %get3A_276] {strides = array<i32>} : memref<3x4x128xf32, #tpu.memory_space<vmem>>, vector<16xf32>,
    %mul3A_278 = arith.mulf %get3A_265, %get3A_265 : vector<16xf32>
    %mul3A_279 = arith.mulf %get3A_271, %get3A_271 : vector<16xf32>
    %add3A_280 = arith.addf %mul3A_278, %mul3A_279 : vector<16xf32>
    %mul3A_281 = arith.mulf %get3A_277, %get3A_277 : vector<16xf32>
    %add3A_282 = arith.addf %add3A_280, %mul3A_281 : vector<16xf32>
    %mul3A_283 = arith.constant 3.000000e+00 : f32
    %mul3A_284 = vector.broadcast %mul3A_283 : f32 to vector<16xf32>
    %mul3A_285 = arith.mulf %mul3A_284, %add3A_282 : vector<16xf32>
    %min3A_286 = arith.constant 3.000000e+38 : f32
    %min3A_287 = vector.broadcast %min3A_286 : f32 to vector<16xf32>
    %min3A_288 = arith.minimumf %mul3A_285, %min3A_287 : vector<16xf32>
    %bitcast_convert_type3A_289 = tpu.bitcast %min3A_288 : vector<16xf32> -> vector<16xi32>
    %shift_right_arithmetic3A_290 = arith.constant 1 : i32
    %shift_right_arithmetic3A_291 = vector.broadcast %shift_right_arithmetic3A_290 : i32 to vector<16xi32>
    %shift_right_arithmetic3A_292 = arith.shrsi %bitcast_convert_type3A_289, %shift_right_arithmetic3A_291 : vector<16xi32>
    %sub3A_293 = arith.constant 1597463007 : i32
    %sub3A_294 = vector.broadcast %sub3A_293 : i32 to vector<16xi32>
    %sub3A_295 = arith.subi %sub3A_294, %shift_right_arithmetic3A_292 : vector<16xi32>
    %bitcast_convert_type3A_296 = tpu.bitcast %sub3A_295 : vector<16xi32> -> vector<16xf32>
    %mul3A_297 = arith.constant 5.000000e-01 : f32
    %mul3A_298 = vector.broadcast %mul3A_297 : f32 to vector<16xf32>
    %mul3A_299 = arith.mulf %mul3A_298, %min3A_288 : vector<16xf32>
    %mul3A_300 = arith.mulf %mul3A_299, %bitcast_convert_type3A_296 : vector<16xf32>
    %mul3A_301 = arith.mulf %mul3A_300, %bitcast_convert_type3A_296 : vector<16xf32>
    %sub3A_302 = arith.constant 1.500000e+00 : f32
    %sub3A_303 = vector.broadcast %sub3A_302 : f32 to vector<16xf32>
    %sub3A_304 = arith.subf %sub3A_303, %mul3A_301 : vector<16xf32>
    %mul3A_305 = arith.mulf %bitcast_convert_type3A_296, %sub3A_304 : vector<16xf32>
    %mul3A_306 = arith.constant 5.000000e-01 : f32
    %mul3A_307 = vector.broadcast %mul3A_306 : f32 to vector<16xf32>
    %mul3A_308 = arith.mulf %mul3A_307, %min3A_288 : vector<16xf32>
    %mul3A_309 = arith.mulf %mul3A_308, %mul3A_305 : vector<16xf32>
    %mul3A_310 = arith.mulf %mul3A_309, %mul3A_305 : vector<16xf32>
    %sub3A_311 = arith.constant 1.500000e+00 : f32
    %sub3A_312 = vector.broadcast %sub3A_311 : f32 to vector<16xf32>
    %sub3A_313 = arith.subf %sub3A_312, %mul3A_310 : vector<16xf32>
    %mul3A_314 = arith.mulf %mul3A_305, %sub3A_313 : vector<16xf32>
    %mul3A_315 = arith.constant 5.000000e-01 : f32
    %mul3A_316 = vector.broadcast %mul3A_315 : f32 to vector<16xf32>
    %mul3A_317 = arith.mulf %mul3A_316, %min3A_288 : vector<16xf32>
    %mul3A_318 = arith.mulf %mul3A_317, %mul3A_314 : vector<16xf32>
    %mul3A_319 = arith.mulf %mul3A_318, %mul3A_314 : vector<16xf32>
    %sub3A_320 = arith.constant 1.500000e+00 : f32
    %sub3A_321 = vector.broadcast %sub3A_320 : f32 to vector<16xf32>
    %sub3A_322 = arith.subf %sub3A_321, %mul3A_319 : vector<16xf32>
    %mul3A_323 = arith.mulf %mul3A_314, %sub3A_322 : vector<16xf32>
    %mul3A_324 = arith.mulf %min3A_288, %mul3A_323 : vector<16xf32>
    %neg3A_325 = arith.constant 0.000000e+00 : f32
    %neg3A_326 = vector.broadcast %neg3A_325 : f32 to vector<16xf32>
    %neg3A_327 = arith.subf %neg3A_326, %mul3A_324 : vector<16xf32>
    %exp3A_328 = math.exp %neg3A_327 : vector<16xf32>
    %add3A_329 = arith.constant 1.000000e+00 : f32
    %add3A_330 = vector.broadcast %add3A_329 : f32 to vector<16xf32>
    %add3A_331 = arith.addf %add3A_330, %exp3A_328 : vector<16xf32>
    %div3A_332 = arith.constant 1.000000e+00 : f32
    %div3A_333 = vector.broadcast %div3A_332 : f32 to vector<16xf32>
    %div3A_334 = arith.divf %div3A_333, %add3A_331 : vector<16xf32>
    %swap3A_335 = arith.constant 16 : index
    %swap3A_336 = tpu.vector_load %arg9[%swap3A_335] {strides = array<i32>} : memref<512xf32, #tpu.memory_space<vmem>>, vector<16xf32>,
    tpu.vector_store %arg9[%swap3A_335], %div3A_334 {strides = array<i32>} : memref<512xf32, #tpu.memory_space<vmem>>, vector<16xf32>,
    %get3A_337 = arith.constant 0 : i32
    %get3A_338 = arith.constant 0 : i32
    %get3A_339 = arith.index_cast %get3A_337 : i32 to index
    %get3A_340 = arith.index_cast %get3A_338 : i32 to index
    %get3A_341 = arith.constant 32 : index
    %get3A_342 = tpu.vector_load %arg8[%get3A_339, %get3A_340, %get3A_341] {strides = array<i32>} : memref<3x4x128xf32, #tpu.memory_space<vmem>>, vector<16xf32>,
    %get3A_343 = arith.constant 1 : i32
    %get3A_344 = arith.constant 0 : i32
    %get3A_345 = arith.index_cast %get3A_343 : i32 to index
    %get3A_346 = arith.index_cast %get3A_344 : i32 to index
    %get3A_347 = arith.constant 32 : index
    %get3A_348 = tpu.vector_load %arg8[%get3A_345, %get3A_346, %get3A_347] {strides = array<i32>} : memref<3x4x128xf32, #tpu.memory_space<vmem>>, vector<16xf32>,
    %get3A_349 = arith.constant 2 : i32
    %get3A_350 = arith.constant 0 : i32
    %get3A_351 = arith.index_cast %get3A_349 : i32 to index
    %get3A_352 = arith.index_cast %get3A_350 : i32 to index
    %get3A_353 = arith.constant 32 : index
    %get3A_354 = tpu.vector_load %arg8[%get3A_351, %get3A_352, %get3A_353] {strides = array<i32>} : memref<3x4x128xf32, #tpu.memory_space<vmem>>, vector<16xf32>,
    %mul3A_355 = arith.mulf %get3A_342, %get3A_342 : vector<16xf32>
    %mul3A_356 = arith.mulf %get3A_348, %get3A_348 : vector<16xf32>
    %add3A_357 = arith.addf %mul3A_355, %mul3A_356 : vector<16xf32>
    %mul3A_358 = arith.mulf %get3A_354, %get3A_354 : vector<16xf32>
    %add3A_359 = arith.addf %add3A_357, %mul3A_358 : vector<16xf32>
    %mul3A_360 = arith.constant 3.000000e+00 : f32
    %mul3A_361 = vector.broadcast %mul3A_360 : f32 to vector<16xf32>
    %mul3A_362 = arith.mulf %mul3A_361, %add3A_359 : vector<16xf32>
    %min3A_363 = arith.constant 3.000000e+38 : f32
    %min3A_364 = vector.broadcast %min3A_363 : f32 to vector<16xf32>
    %min3A_365 = arith.minimumf %mul3A_362, %min3A_364 : vector<16xf32>
    %bitcast_convert_type3A_366 = tpu.bitcast %min3A_365 : vector<16xf32> -> vector<16xi32>
    %shift_right_arithmetic3A_367 = arith.constant 1 : i32
    %shift_right_arithmetic3A_368 = vector.broadcast %shift_right_arithmetic3A_367 : i32 to vector<16xi32>
    %shift_right_arithmetic3A_369 = arith.shrsi %bitcast_convert_type3A_366, %shift_right_arithmetic3A_368 : vector<16xi32>
    %sub3A_370 = arith.constant 1597463007 : i32
    %sub3A_371 = vector.broadcast %sub3A_370 : i32 to vector<16xi32>
    %sub3A_372 = arith.subi %sub3A_371, %shift_right_arithmetic3A_369 : vector<16xi32>
    %bitcast_convert_type3A_373 = tpu.bitcast %sub3A_372 : vector<16xi32> -> vector<16xf32>
    %mul3A_374 = arith.constant 5.000000e-01 : f32
    %mul3A_375 = vector.broadcast %mul3A_374 : f32 to vector<16xf32>
    %mul3A_376 = arith.mulf %mul3A_375, %min3A_365 : vector<16xf32>
    %mul3A_377 = arith.mulf %mul3A_376, %bitcast_convert_type3A_373 : vector<16xf32>
    %mul3A_378 = arith.mulf %mul3A_377, %bitcast_convert_type3A_373 : vector<16xf32>
    %sub3A_379 = arith.constant 1.500000e+00 : f32
    %sub3A_380 = vector.broadcast %sub3A_379 : f32 to vector<16xf32>
    %sub3A_381 = arith.subf %sub3A_380, %mul3A_378 : vector<16xf32>
    %mul3A_382 = arith.mulf %bitcast_convert_type3A_373, %sub3A_381 : vector<16xf32>
    %mul3A_383 = arith.constant 5.000000e-01 : f32
    %mul3A_384 = vector.broadcast %mul3A_383 : f32 to vector<16xf32>
    %mul3A_385 = arith.mulf %mul3A_384, %min3A_365 : vector<16xf32>
    %mul3A_386 = arith.mulf %mul3A_385, %mul3A_382 : vector<16xf32>
    %mul3A_387 = arith.mulf %mul3A_386, %mul3A_382 : vector<16xf32>
    %sub3A_388 = arith.constant 1.500000e+00 : f32
    %sub3A_389 = vector.broadcast %sub3A_388 : f32 to vector<16xf32>
    %sub3A_390 = arith.subf %sub3A_389, %mul3A_387 : vector<16xf32>
    %mul3A_391 = arith.mulf %mul3A_382, %sub3A_390 : vector<16xf32>
    %mul3A_392 = arith.constant 5.000000e-01 : f32
    %mul3A_393 = vector.broadcast %mul3A_392 : f32 to vector<16xf32>
    %mul3A_394 = arith.mulf %mul3A_393, %min3A_365 : vector<16xf32>
    %mul3A_395 = arith.mulf %mul3A_394, %mul3A_391 : vector<16xf32>
    %mul3A_396 = arith.mulf %mul3A_395, %mul3A_391 : vector<16xf32>
    %sub3A_397 = arith.constant 1.500000e+00 : f32
    %sub3A_398 = vector.broadcast %sub3A_397 : f32 to vector<16xf32>
    %sub3A_399 = arith.subf %sub3A_398, %mul3A_396 : vector<16xf32>
    %mul3A_400 = arith.mulf %mul3A_391, %sub3A_399 : vector<16xf32>
    %mul3A_401 = arith.mulf %min3A_365, %mul3A_400 : vector<16xf32>
    %neg3A_402 = arith.constant 0.000000e+00 : f32
    %neg3A_403 = vector.broadcast %neg3A_402 : f32 to vector<16xf32>
    %neg3A_404 = arith.subf %neg3A_403, %mul3A_401 : vector<16xf32>
    %exp3A_405 = math.exp %neg3A_404 : vector<16xf32>
    %add3A_406 = arith.constant 1.000000e+00 : f32
    %add3A_407 = vector.broadcast %add3A_406 : f32 to vector<16xf32>
    %add3A_408 = arith.addf %add3A_407, %exp3A_405 : vector<16xf32>
    %div3A_409 = arith.constant 1.000000e+00 : f32
    %div3A_410 = vector.broadcast %div3A_409 : f32 to vector<16xf32>
    %div3A_411 = arith.divf %div3A_410, %add3A_408 : vector<16xf32>
    %swap3A_412 = arith.constant 32 : index
    %swap3A_413 = tpu.vector_load %arg9[%swap3A_412] {strides = array<i32>} : memref<512xf32, #tpu.memory_space<vmem>>, vector<16xf32>,
    tpu.vector_store %arg9[%swap3A_412], %div3A_411 {strides = array<i32>} : memref<512xf32, #tpu.memory_space<vmem>>, vector<16xf32>,
    %get3A_414 = arith.constant 0 : i32
    %get3A_415 = arith.constant 0 : i32
    %get3A_416 = arith.index_cast %get3A_414 : i32 to index
    %get3A_417 = arith.index_cast %get3A_415 : i32 to index
    %get3A_418 = arith.constant 48 : index
    %get3A_419 = tpu.vector_load %arg8[%get3A_416, %get3A_417, %get3A_418] {strides = array<i32>} : memref<3x4x128xf32, #tpu.memory_space<vmem>>, vector<16xf32>,
    %get3A_420 = arith.constant 1 : i32
    %get3A_421 = arith.constant 0 : i32
    %get3A_422 = arith.index_cast %get3A_420 : i32 to index
    %get3A_423 = arith.index_cast %get3A_421 : i32 to index
    %get3A_424 = arith.constant 48 : index
    %get3A_425 = tpu.vector_load %arg8[%get3A_422, %get3A_423, %get3A_424] {strides = array<i32>} : memref<3x4x128xf32, #tpu.memory_space<vmem>>, vector<16xf32>,
    %get3A_426 = arith.constant 2 : i32
    %get3A_427 = arith.constant 0 : i32
    %get3A_428 = arith.index_cast %get3A_426 : i32 to index
    %get3A_429 = arith.index_cast %get3A_427 : i32 to index
    %get3A_430 = arith.constant 48 : index
    %get3A_431 = tpu.vector_load %arg8[%get3A_428, %get3A_429, %get3A_430] {strides = array<i32>} : memref<3x4x128xf32, #tpu.memory_space<vmem>>, vector<16xf32>,
    %mul3A_432 = arith.mulf %get3A_419, %get3A_419 : vector<16xf32>
    %mul3A_433 = arith.mulf %get3A_425, %get3A_425 : vector<16xf32>
    %add3A_434 = arith.addf %mul3A_432, %mul3A_433 : vector<16xf32>
    %mul3A_435 = arith.mulf %get3A_431, %get3A_431 : vector<16xf32>
    %add3A_436 = arith.addf %add3A_434, %mul3A_435 : vector<16xf32>
    %mul3A_437 = arith.constant 3.000000e+00 : f32
    %mul3A_438 = vector.broadcast %mul3A_437 : f32 to vector<16xf32>
    %mul3A_439 = arith.mulf %mul3A_438, %add3A_436 : vector<16xf32>
    %min3A_440 = arith.constant 3.000000e+38 : f32
    %min3A_441 = vector.broadcast %min3A_440 : f32 to vector<16xf32>
    %min3A_442 = arith.minimumf %mul3A_439, %min3A_441 : vector<16xf32>
    %bitcast_convert_type3A_443 = tpu.bitcast %min3A_442 : vector<16xf32> -> vector<16xi32>
    %shift_right_arithmetic3A_444 = arith.constant 1 : i32
    %shift_right_arithmetic3A_445 = vector.broadcast %shift_right_arithmetic3A_444 : i32 to vector<16xi32>
    %shift_right_arithmetic3A_446 = arith.shrsi %bitcast_convert_type3A_443, %shift_right_arithmetic3A_445 : vector<16xi32>
    %sub3A_447 = arith.constant 1597463007 : i32
    %sub3A_448 = vector.broadcast %sub3A_447 : i32 to vector<16xi32>
    %sub3A_449 = arith.subi %sub3A_448, %shift_right_arithmetic3A_446 : vector<16xi32>
    %bitcast_convert_type3A_450 = tpu.bitcast %sub3A_449 : vector<16xi32> -> vector<16xf32>
    %mul3A_451 = arith.constant 5.000000e-01 : f32
    %mul3A_452 = vector.broadcast %mul3A_451 : f32 to vector<16xf32>
    %mul3A_453 = arith.mulf %mul3A_452, %min3A_442 : vector<16xf32>
    %mul3A_454 = arith.mulf %mul3A_453, %bitcast_convert_type3A_450 : vector<16xf32>
    %mul3A_455 = arith.mulf %mul3A_454, %bitcast_convert_type3A_450 : vector<16xf32>
    %sub3A_456 = arith.constant 1.500000e+00 : f32
    %sub3A_457 = vector.broadcast %sub3A_456 : f32 to vector<16xf32>
    %sub3A_458 = arith.subf %sub3A_457, %mul3A_455 : vector<16xf32>
    %mul3A_459 = arith.mulf %bitcast_convert_type3A_450, %sub3A_458 : vector<16xf32>
    %mul3A_460 = arith.constant 5.000000e-01 : f32
    %mul3A_461 = vector.broadcast %mul3A_460 : f32 to vector<16xf32>
    %mul3A_462 = arith.mulf %mul3A_461, %min3A_442 : vector<16xf32>
    %mul3A_463 = arith.mulf %mul3A_462, %mul3A_459 : vector<16xf32>
    %mul3A_464 = arith.mulf %mul3A_463, %mul3A_459 : vector<16xf32>
    %sub3A_465 = arith.constant 1.500000e+00 : f32
    %sub3A_466 = vector.broadcast %sub3A_465 : f32 to vector<16xf32>
    %sub3A_467 = arith.subf %sub3A_466, %mul3A_464 : vector<16xf32>
    %mul3A_468 = arith.mulf %mul3A_459, %sub3A_467 : vector<16xf32>
    %mul3A_469 = arith.constant 5.000000e-01 : f32
    %mul3A_470 = vector.broadcast %mul3A_469 : f32 to vector<16xf32>
    %mul3A_471 = arith.mulf %mul3A_470, %min3A_442 : vector<16xf32>
    %mul3A_472 = arith.mulf %mul3A_471, %mul3A_468 : vector<16xf32>
    %mul3A_473 = arith.mulf %mul3A_472, %mul3A_468 : vector<16xf32>
    %sub3A_474 = arith.constant 1.500000e+00 : f32
    %sub3A_475 = vector.broadcast %sub3A_474 : f32 to vector<16xf32>
    %sub3A_476 = arith.subf %sub3A_475, %mul3A_473 : vector<16xf32>
    %mul3A_477 = arith.mulf %mul3A_468, %sub3A_476 : vector<16xf32>
    %mul3A_478 = arith.mulf %min3A_442, %mul3A_477 : vector<16xf32>
    %neg3A_479 = arith.constant 0.000000e+00 : f32
    %neg3A_480 = vector.broadcast %neg3A_479 : f32 to vector<16xf32>
    %neg3A_481 = arith.subf %neg3A_480, %mul3A_478 : vector<16xf32>
    %exp3A_482 = math.exp %neg3A_481 : vector<16xf32>
    %add3A_483 = arith.constant 1.000000e+00 : f32
    %add3A_484 = vector.broadcast %add3A_483 : f32 to vector<16xf32>
    %add3A_485 = arith.addf %add3A_484, %exp3A_482 : vector<16xf32>
    %div3A_486 = arith.constant 1.000000e+00 : f32
    %div3A_487 = vector.broadcast %div3A_486 : f32 to vector<16xf32>
    %div3A_488 = arith.divf %div3A_487, %add3A_485 : vector<16xf32>
    %swap3A_489 = arith.constant 48 : index
    %swap3A_490 = tpu.vector_load %arg9[%swap3A_489] {strides = array<i32>} : memref<512xf32, #tpu.memory_space<vmem>>, vector<16xf32>,
    tpu.vector_store %arg9[%swap3A_489], %div3A_488 {strides = array<i32>} : memref<512xf32, #tpu.memory_space<vmem>>, vector<16xf32>,
    %get3A_491 = arith.constant 0 : i32
    %get3A_492 = arith.constant 0 : i32
    %get3A_493 = arith.index_cast %get3A_491 : i32 to index
    %get3A_494 = arith.index_cast %get3A_492 : i32 to index
    %get3A_495 = arith.constant 64 : index
    %get3A_496 = tpu.vector_load %arg8[%get3A_493, %get3A_494, %get3A_495] {strides = array<i32>} : memref<3x4x128xf32, #tpu.memory_space<vmem>>, vector<16xf32>,
    %get3A_497 = arith.constant 1 : i32
    %get3A_498 = arith.constant 0 : i32
    %get3A_499 = arith.index_cast %get3A_497 : i32 to index
    %get3A_500 = arith.index_cast %get3A_498 : i32 to index
    %get3A_501 = arith.constant 64 : index
    %get3A_502 = tpu.vector_load %arg8[%get3A_499, %get3A_500, %get3A_501] {strides = array<i32>} : memref<3x4x128xf32, #tpu.memory_space<vmem>>, vector<16xf32>,
    %get3A_503 = arith.constant 2 : i32
    %get3A_504 = arith.constant 0 : i32
    %get3A_505 = arith.index_cast %get3A_503 : i32 to index
    %get3A_506 = arith.index_cast %get3A_504 : i32 to index
    %get3A_507 = arith.constant 64 : index
    %get3A_508 = tpu.vector_load %arg8[%get3A_505, %get3A_506, %get3A_507] {strides = array<i32>} : memref<3x4x128xf32, #tpu.memory_space<vmem>>, vector<16xf32>,
    %mul3A_509 = arith.mulf %get3A_496, %get3A_496 : vector<16xf32>
    %mul3A_510 = arith.mulf %get3A_502, %get3A_502 : vector<16xf32>
    %add3A_511 = arith.addf %mul3A_509, %mul3A_510 : vector<16xf32>
    %mul3A_512 = arith.mulf %get3A_508, %get3A_508 : vector<16xf32>
    %add3A_513 = arith.addf %add3A_511, %mul3A_512 : vector<16xf32>
    %mul3A_514 = arith.constant 3.000000e+00 : f32
    %mul3A_515 = vector.broadcast %mul3A_514 : f32 to vector<16xf32>
    %mul3A_516 = arith.mulf %mul3A_515, %add3A_513 : vector<16xf32>
    %min3A_517 = arith.constant 3.000000e+38 : f32
    %min3A_518 = vector.broadcast %min3A_517 : f32 to vector<16xf32>
    %min3A_519 = arith.minimumf %mul3A_516, %min3A_518 : vector<16xf32>
    %bitcast_convert_type3A_520 = tpu.bitcast %min3A_519 : vector<16xf32> -> vector<16xi32>
    %shift_right_arithmetic3A_521 = arith.constant 1 : i32
    %shift_right_arithmetic3A_522 = vector.broadcast %shift_right_arithmetic3A_521 : i32 to vector<16xi32>
    %shift_right_arithmetic3A_523 = arith.shrsi %bitcast_convert_type3A_520, %shift_right_arithmetic3A_522 : vector<16xi32>
    %sub3A_524 = arith.constant 1597463007 : i32
    %sub3A_525 = vector.broadcast %sub3A_524 : i32 to vector<16xi32>
    %sub3A_526 = arith.subi %sub3A_525, %shift_right_arithmetic3A_523 : vector<16xi32>
    %bitcast_convert_type3A_527 = tpu.bitcast %sub3A_526 : vector<16xi32> -> vector<16xf32>
    %mul3A_528 = arith.constant 5.000000e-01 : f32
    %mul3A_529 = vector.broadcast %mul3A_528 : f32 to vector<16xf32>
    %mul3A_530 = arith.mulf %mul3A_529, %min3A_519 : vector<16xf32>
    %mul3A_531 = arith.mulf %mul3A_530, %bitcast_convert_type3A_527 : vector<16xf32>
    %mul3A_532 = arith.mulf %mul3A_531, %bitcast_convert_type3A_527 : vector<16xf32>
    %sub3A_533 = arith.constant 1.500000e+00 : f32
    %sub3A_534 = vector.broadcast %sub3A_533 : f32 to vector<16xf32>
    %sub3A_535 = arith.subf %sub3A_534, %mul3A_532 : vector<16xf32>
    %mul3A_536 = arith.mulf %bitcast_convert_type3A_527, %sub3A_535 : vector<16xf32>
    %mul3A_537 = arith.constant 5.000000e-01 : f32
    %mul3A_538 = vector.broadcast %mul3A_537 : f32 to vector<16xf32>
    %mul3A_539 = arith.mulf %mul3A_538, %min3A_519 : vector<16xf32>
    %mul3A_540 = arith.mulf %mul3A_539, %mul3A_536 : vector<16xf32>
    %mul3A_541 = arith.mulf %mul3A_540, %mul3A_536 : vector<16xf32>
    %sub3A_542 = arith.constant 1.500000e+00 : f32
    %sub3A_543 = vector.broadcast %sub3A_542 : f32 to vector<16xf32>
    %sub3A_544 = arith.subf %sub3A_543, %mul3A_541 : vector<16xf32>
    %mul3A_545 = arith.mulf %mul3A_536, %sub3A_544 : vector<16xf32>
    %mul3A_546 = arith.constant 5.000000e-01 : f32
    %mul3A_547 = vector.broadcast %mul3A_546 : f32 to vector<16xf32>
    %mul3A_548 = arith.mulf %mul3A_547, %min3A_519 : vector<16xf32>
    %mul3A_549 = arith.mulf %mul3A_548, %mul3A_545 : vector<16xf32>
    %mul3A_550 = arith.mulf %mul3A_549, %mul3A_545 : vector<16xf32>
    %sub3A_551 = arith.constant 1.500000e+00 : f32
    %sub3A_552 = vector.broadcast %sub3A_551 : f32 to vector<16xf32>
    %sub3A_553 = arith.subf %sub3A_552, %mul3A_550 : vector<16xf32>
    %mul3A_554 = arith.mulf %mul3A_545, %sub3A_553 : vector<16xf32>
    %mul3A_555 = arith.mulf %min3A_519, %mul3A_554 : vector<16xf32>
    %neg3A_556 = arith.constant 0.000000e+00 : f32
    %neg3A_557 = vector.broadcast %neg3A_556 : f32 to vector<16xf32>
    %neg3A_558 = arith.subf %neg3A_557, %mul3A_555 : vector<16xf32>
    %exp3A_559 = math.exp %neg3A_558 : vector<16xf32>
    %add3A_560 = arith.constant 1.000000e+00 : f32
    %add3A_561 = vector.broadcast %add3A_560 : f32 to vector<16xf32>
    %add3A_562 = arith.addf %add3A_561, %exp3A_559 : vector<16xf32>
    %div3A_563 = arith.constant 1.000000e+00 : f32
    %div3A_564 = vector.broadcast %div3A_563 : f32 to vector<16xf32>
    %div3A_565 = arith.divf %div3A_564, %add3A_562 : vector<16xf32>
    %swap3A_566 = arith.constant 64 : index
    %swap3A_567 = tpu.vector_load %arg9[%swap3A_566] {strides = array<i32>} : memref<512xf32, #tpu.memory_space<vmem>>, vector<16xf32>,
    tpu.vector_store %arg9[%swap3A_566], %div3A_565 {strides = array<i32>} : memref<512xf32, #tpu.memory_space<vmem>>, vector<16xf32>,
    %get3A_568 = arith.constant 0 : i32
    %get3A_569 = arith.constant 0 : i32
    %get3A_570 = arith.index_cast %get3A_568 : i32 to index
    %get3A_571 = arith.index_cast %get3A_569 : i32 to index
    %get3A_572 = arith.constant 80 : index
    %get3A_573 = tpu.vector_load %arg8[%get3A_570, %get3A_571, %get3A_572] {strides = array<i32>} : memref<3x4x128xf32, #tpu.memory_space<vmem>>, vector<16xf32>,
    %get3A_574 = arith.constant 1 : i32
    %get3A_575 = arith.constant 0 : i32
    %get3A_576 = arith.index_cast %get3A_574 : i32 to index
    %get3A_577 = arith.index_cast %get3A_575 : i32 to index
    %get3A_578 = arith.constant 80 : index
    %get3A_579 = tpu.vector_load %arg8[%get3A_576, %get3A_577, %get3A_578] {strides = array<i32>} : memref<3x4x128xf32, #tpu.memory_space<vmem>>, vector<16xf32>,
    %get3A_580 = arith.constant 2 : i32
    %get3A_581 = arith.constant 0 : i32
    %get3A_582 = arith.index_cast %get3A_580 : i32 to index
    %get3A_583 = arith.index_cast %get3A_581 : i32 to index
    %get3A_584 = arith.constant 80 : index
    %get3A_585 = tpu.vector_load %arg8[%get3A_582, %get3A_583, %get3A_584] {strides = array<i32>} : memref<3x4x128xf32, #tpu.memory_space<vmem>>, vector<16xf32>,
    %mul3A_586 = arith.mulf %get3A_573, %get3A_573 : vector<16xf32>
    %mul3A_587 = arith.mulf %get3A_579, %get3A_579 : vector<16xf32>
    %add3A_588 = arith.addf %mul3A_586, %mul3A_587 : vector<16xf32>
    %mul3A_589 = arith.mulf %get3A_585, %get3A_585 : vector<16xf32>
    %add3A_590 = arith.addf %add3A_588, %mul3A_589 : vector<16xf32>
    %mul3A_591 = arith.constant 3.000000e+00 : f32
    %mul3A_592 = vector.broadcast %mul3A_591 : f32 to vector<16xf32>
    %mul3A_593 = arith.mulf %mul3A_592, %add3A_590 : vector<16xf32>
    %min3A_594 = arith.constant 3.000000e+38 : f32
    %min3A_595 = vector.broadcast %min3A_594 : f32 to vector<16xf32>
    %min3A_596 = arith.minimumf %mul3A_593, %min3A_595 : vector<16xf32>
    %bitcast_convert_type3A_597 = tpu.bitcast %min3A_596 : vector<16xf32> -> vector<16xi32>
    %shift_right_arithmetic3A_598 = arith.constant 1 : i32
    %shift_right_arithmetic3A_599 = vector.broadcast %shift_right_arithmetic3A_598 : i32 to vector<16xi32>
    %shift_right_arithmetic3A_600 = arith.shrsi %bitcast_convert_type3A_597, %shift_right_arithmetic3A_599 : vector<16xi32>
    %sub3A_601 = arith.constant 1597463007 : i32
    %sub3A_602 = vector.broadcast %sub3A_601 : i32 to vector<16xi32>
    %sub3A_603 = arith.subi %sub3A_602, %shift_right_arithmetic3A_600 : vector<16xi32>
    %bitcast_convert_type3A_604 = tpu.bitcast %sub3A_603 : vector<16xi32> -> vector<16xf32>
    %mul3A_605 = arith.constant 5.000000e-01 : f32
    %mul3A_606 = vector.broadcast %mul3A_605 : f32 to vector<16xf32>
    %mul3A_607 = arith.mulf %mul3A_606, %min3A_596 : vector<16xf32>
    %mul3A_608 = arith.mulf %mul3A_607, %bitcast_convert_type3A_604 : vector<16xf32>
    %mul3A_609 = arith.mulf %mul3A_608, %bitcast_convert_type3A_604 : vector<16xf32>
    %sub3A_610 = arith.constant 1.500000e+00 : f32
    %sub3A_611 = vector.broadcast %sub3A_610 : f32 to vector<16xf32>
    %sub3A_612 = arith.subf %sub3A_611, %mul3A_609 : vector<16xf32>
    %mul3A_613 = arith.mulf %bitcast_convert_type3A_604, %sub3A_612 : vector<16xf32>
    %mul3A_614 = arith.constant 5.000000e-01 : f32
    %mul3A_615 = vector.broadcast %mul3A_614 : f32 to vector<16xf32>
    %mul3A_616 = arith.mulf %mul3A_615, %min3A_596 : vector<16xf32>
    %mul3A_617 = arith.mulf %mul3A_616, %mul3A_613 : vector<16xf32>
    %mul3A_618 = arith.mulf %mul3A_617, %mul3A_613 : vector<16xf32>
    %sub3A_619 = arith.constant 1.500000e+00 : f32
    %sub3A_620 = vector.broadcast %sub3A_619 : f32 to vector<16xf32>
    %sub3A_621 = arith.subf %sub3A_620, %mul3A_618 : vector<16xf32>
    %mul3A_622 = arith.mulf %mul3A_613, %sub3A_621 : vector<16xf32>
    %mul3A_623 = arith.constant 5.000000e-01 : f32
    %mul3A_624 = vector.broadcast %mul3A_623 : f32 to vector<16xf32>
    %mul3A_625 = arith.mulf %mul3A_624, %min3A_596 : vector<16xf32>
    %mul3A_626 = arith.mulf %mul3A_625, %mul3A_622 : vector<16xf32>
    %mul3A_627 = arith.mulf %mul3A_626, %mul3A_622 : vector<16xf32>
    %sub3A_628 = arith.constant 1.500000e+00 : f32
    %sub3A_629 = vector.broadcast %sub3A_628 : f32 to vector<16xf32>
    %sub3A_630 = arith.subf %sub3A_629, %mul3A_627 : vector<16xf32>
    %mul3A_631 = arith.mulf %mul3A_622, %sub3A_630 : vector<16xf32>
    %mul3A_632 = arith.mulf %min3A_596, %mul3A_631 : vector<16xf32>
    %neg3A_633 = arith.constant 0.000000e+00 : f32
    %neg3A_634 = vector.broadcast %neg3A_633 : f32 to vector<16xf32>
    %neg3A_635 = arith.subf %neg3A_634, %mul3A_632 : vector<16xf32>
    %exp3A_636 = math.exp %neg3A_635 : vector<16xf32>
    %add3A_637 = arith.constant 1.000000e+00 : f32
    %add3A_638 = vector.broadcast %add3A_637 : f32 to vector<16xf32>
    %add3A_639 = arith.addf %add3A_638, %exp3A_636 : vector<16xf32>
    %div3A_640 = arith.constant 1.000000e+00 : f32
    %div3A_641 = vector.broadcast %div3A_640 : f32 to vector<16xf32>
    %div3A_642 = arith.divf %div3A_641, %add3A_639 : vector<16xf32>
    %swap3A_643 = arith.constant 80 : index
    %swap3A_644 = tpu.vector_load %arg9[%swap3A_643] {strides = array<i32>} : memref<512xf32, #tpu.memory_space<vmem>>, vector<16xf32>,
    tpu.vector_store %arg9[%swap3A_643], %div3A_642 {strides = array<i32>} : memref<512xf32, #tpu.memory_space<vmem>>, vector<16xf32>,
    %get3A_645 = arith.constant 0 : i32
    %get3A_646 = arith.constant 0 : i32
    %get3A_647 = arith.index_cast %get3A_645 : i32 to index
    %get3A_648 = arith.index_cast %get3A_646 : i32 to index
    %get3A_649 = arith.constant 96 : index
    %get3A_650 = tpu.vector_load %arg8[%get3A_647, %get3A_648, %get3A_649] {strides = array<i32>} : memref<3x4x128xf32, #tpu.memory_space<vmem>>, vector<16xf32>,
    %get3A_651 = arith.constant 1 : i32
    %get3A_652 = arith.constant 0 : i32
    %get3A_653 = arith.index_cast %get3A_651 : i32 to index
    %get3A_654 = arith.index_cast %get3A_652 : i32 to index
    %get3A_655 = arith.constant 96 : index
    %get3A_656 = tpu.vector_load %arg8[%get3A_653, %get3A_654, %get3A_655] {strides = array<i32>} : memref<3x4x128xf32, #tpu.memory_space<vmem>>, vector<16xf32>,
    %get3A_657 = arith.constant 2 : i32
    %get3A_658 = arith.constant 0 : i32
    %get3A_659 = arith.index_cast %get3A_657 : i32 to index
    %get3A_660 = arith.index_cast %get3A_658 : i32 to index
    %get3A_661 = arith.constant 96 : index
    %get3A_662 = tpu.vector_load %arg8[%get3A_659, %get3A_660, %get3A_661] {strides = array<i32>} : memref<3x4x128xf32, #tpu.memory_space<vmem>>, vector<16xf32>,
    %mul3A_663 = arith.mulf %get3A_650, %get3A_650 : vector<16xf32>
    %mul3A_664 = arith.mulf %get3A_656, %get3A_656 : vector<16xf32>
    %add3A_665 = arith.addf %mul3A_663, %mul3A_664 : vector<16xf32>
    %mul3A_666 = arith.mulf %get3A_662, %get3A_662 : vector<16xf32>
    %add3A_667 = arith.addf %add3A_665, %mul3A_666 : vector<16xf32>
    %mul3A_668 = arith.constant 3.000000e+00 : f32
    %mul3A_669 = vector.broadcast %mul3A_668 : f32 to vector<16xf32>
    %mul3A_670 = arith.mulf %mul3A_669, %add3A_667 : vector<16xf32>
    %min3A_671 = arith.constant 3.000000e+38 : f32
    %min3A_672 = vector.broadcast %min3A_671 : f32 to vector<16xf32>
    %min3A_673 = arith.minimumf %mul3A_670, %min3A_672 : vector<16xf32>
    %bitcast_convert_type3A_674 = tpu.bitcast %min3A_673 : vector<16xf32> -> vector<16xi32>
    %shift_right_arithmetic3A_675 = arith.constant 1 : i32
    %shift_right_arithmetic3A_676 = vector.broadcast %shift_right_arithmetic3A_675 : i32 to vector<16xi32>
    %shift_right_arithmetic3A_677 = arith.shrsi %bitcast_convert_type3A_674, %shift_right_arithmetic3A_676 : vector<16xi32>
    %sub3A_678 = arith.constant 1597463007 : i32
    %sub3A_679 = vector.broadcast %sub3A_678 : i32 to vector<16xi32>
    %sub3A_680 = arith.subi %sub3A_679, %shift_right_arithmetic3A_677 : vector<16xi32>
    %bitcast_convert_type3A_681 = tpu.bitcast %sub3A_680 : vector<16xi32> -> vector<16xf32>
    %mul3A_682 = arith.constant 5.000000e-01 : f32
    %mul3A_683 = vector.broadcast %mul3A_682 : f32 to vector<16xf32>
    %mul3A_684 = arith.mulf %mul3A_683, %min3A_673 : vector<16xf32>
    %mul3A_685 = arith.mulf %mul3A_684, %bitcast_convert_type3A_681 : vector<16xf32>
    %mul3A_686 = arith.mulf %mul3A_685, %bitcast_convert_type3A_681 : vector<16xf32>
    %sub3A_687 = arith.constant 1.500000e+00 : f32
    %sub3A_688 = vector.broadcast %sub3A_687 : f32 to vector<16xf32>
    %sub3A_689 = arith.subf %sub3A_688, %mul3A_686 : vector<16xf32>
    %mul3A_690 = arith.mulf %bitcast_convert_type3A_681, %sub3A_689 : vector<16xf32>
    %mul3A_691 = arith.constant 5.000000e-01 : f32
    %mul3A_692 = vector.broadcast %mul3A_691 : f32 to vector<16xf32>
    %mul3A_693 = arith.mulf %mul3A_692, %min3A_673 : vector<16xf32>
    %mul3A_694 = arith.mulf %mul3A_693, %mul3A_690 : vector<16xf32>
    %mul3A_695 = arith.mulf %mul3A_694, %mul3A_690 : vector<16xf32>
    %sub3A_696 = arith.constant 1.500000e+00 : f32
    %sub3A_697 = vector.broadcast %sub3A_696 : f32 to vector<16xf32>
    %sub3A_698 = arith.subf %sub3A_697, %mul3A_695 : vector<16xf32>
    %mul3A_699 = arith.mulf %mul3A_690, %sub3A_698 : vector<16xf32>
    %mul3A_700 = arith.constant 5.000000e-01 : f32
    %mul3A_701 = vector.broadcast %mul3A_700 : f32 to vector<16xf32>
    %mul3A_702 = arith.mulf %mul3A_701, %min3A_673 : vector<16xf32>
    %mul3A_703 = arith.mulf %mul3A_702, %mul3A_699 : vector<16xf32>
    %mul3A_704 = arith.mulf %mul3A_703, %mul3A_699 : vector<16xf32>
    %sub3A_705 = arith.constant 1.500000e+00 : f32
    %sub3A_706 = vector.broadcast %sub3A_705 : f32 to vector<16xf32>
    %sub3A_707 = arith.subf %sub3A_706, %mul3A_704 : vector<16xf32>
    %mul3A_708 = arith.mulf %mul3A_699, %sub3A_707 : vector<16xf32>
    %mul3A_709 = arith.mulf %min3A_673, %mul3A_708 : vector<16xf32>
    %neg3A_710 = arith.constant 0.000000e+00 : f32
    %neg3A_711 = vector.broadcast %neg3A_710 : f32 to vector<16xf32>
    %neg3A_712 = arith.subf %neg3A_711, %mul3A_709 : vector<16xf32>
    %exp3A_713 = math.exp %neg3A_712 : vector<16xf32>
    %add3A_714 = arith.constant 1.000000e+00 : f32
    %add3A_715 = vector.broadcast %add3A_714 : f32 to vector<16xf32>
    %add3A_716 = arith.addf %add3A_715, %exp3A_713 : vector<16xf32>
    %div3A_717 = arith.constant 1.000000e+00 : f32
    %div3A_718 = vector.broadcast %div3A_717 : f32 to vector<16xf32>
    %div3A_719 = arith.divf %div3A_718, %add3A_716 : vector<16xf32>
    %swap3A_720 = arith.constant 96 : index
    %swap3A_721 = tpu.vector_load %arg9[%swap3A_720] {strides = array<i32>} : memref<512xf32, #tpu.memory_space<vmem>>, vector<16xf32>,
    tpu.vector_store %arg9[%swap3A_720], %div3A_719 {strides = array<i32>} : memref<512xf32, #tpu.memory_space<vmem>>, vector<16xf32>,
    %get3A_722 = arith.constant 0 : i32
    %get3A_723 = arith.constant 0 : i32
    %get3A_724 = arith.index_cast %get3A_722 : i32 to index
    %get3A_725 = arith.index_cast %get3A_723 : i32 to index
    %get3A_726 = arith.constant 112 : index
    %get3A_727 = tpu.vector_load %arg8[%get3A_724, %get3A_725, %get3A_726] {strides = array<i32>} : memref<3x4x128xf32, #tpu.memory_space<vmem>>, vector<16xf32>,
    %get3A_728 = arith.constant 1 : i32
    %get3A_729 = arith.constant 0 : i32
    %get3A_730 = arith.index_cast %get3A_728 : i32 to index
    %get3A_731 = arith.index_cast %get3A_729 : i32 to index
    %get3A_732 = arith.constant 112 : index
    %get3A_733 = tpu.vector_load %arg8[%get3A_730, %get3A_731, %get3A_732] {strides = array<i32>} : memref<3x4x128xf32, #tpu.memory_space<vmem>>, vector<16xf32>,
    %get3A_734 = arith.constant 2 : i32
    %get3A_735 = arith.constant 0 : i32
    %get3A_736 = arith.index_cast %get3A_734 : i32 to index
    %get3A_737 = arith.index_cast %get3A_735 : i32 to index
    %get3A_738 = arith.constant 112 : index
    %get3A_739 = tpu.vector_load %arg8[%get3A_736, %get3A_737, %get3A_738] {strides = array<i32>} : memref<3x4x128xf32, #tpu.memory_space<vmem>>, vector<16xf32>,
    %mul3A_740 = arith.mulf %get3A_727, %get3A_727 : vector<16xf32>
    %mul3A_741 = arith.mulf %get3A_733, %get3A_733 : vector<16xf32>
    %add3A_742 = arith.addf %mul3A_740, %mul3A_741 : vector<16xf32>
    %mul3A_743 = arith.mulf %get3A_739, %get3A_739 : vector<16xf32>
    %add3A_744 = arith.addf %add3A_742, %mul3A_743 : vector<16xf32>
    %mul3A_745 = arith.constant 3.000000e+00 : f32
    %mul3A_746 = vector.broadcast %mul3A_745 : f32 to vector<16xf32>
    %mul3A_747 = arith.mulf %mul3A_746, %add3A_744 : vector<16xf32>
    %min3A_748 = arith.constant 3.000000e+38 : f32
    %min3A_749 = vector.broadcast %min3A_748 : f32 to vector<16xf32>
    %min3A_750 = arith.minimumf %mul3A_747, %min3A_749 : vector<16xf32>
    %bitcast_convert_type3A_751 = tpu.bitcast %min3A_750 : vector<16xf32> -> vector<16xi32>
    %shift_right_arithmetic3A_752 = arith.constant 1 : i32
    %shift_right_arithmetic3A_753 = vector.broadcast %shift_right_arithmetic3A_752 : i32 to vector<16xi32>
    %shift_right_arithmetic3A_754 = arith.shrsi %bitcast_convert_type3A_751, %shift_right_arithmetic3A_753 : vector<16xi32>
    %sub3A_755 = arith.constant 1597463007 : i32
    %sub3A_756 = vector.broadcast %sub3A_755 : i32 to vector<16xi32>
    %sub3A_757 = arith.subi %sub3A_756, %shift_right_arithmetic3A_754 : vector<16xi32>
    %bitcast_convert_type3A_758 = tpu.bitcast %sub3A_757 : vector<16xi32> -> vector<16xf32>
    %mul3A_759 = arith.constant 5.000000e-01 : f32
    %mul3A_760 = vector.broadcast %mul3A_759 : f32 to vector<16xf32>
    %mul3A_761 = arith.mulf %mul3A_760, %min3A_750 : vector<16xf32>
    %mul3A_762 = arith.mulf %mul3A_761, %bitcast_convert_type3A_758 : vector<16xf32>
    %mul3A_763 = arith.mulf %mul3A_762, %bitcast_convert_type3A_758 : vector<16xf32>
    %sub3A_764 = arith.constant 1.500000e+00 : f32
    %sub3A_765 = vector.broadcast %sub3A_764 : f32 to vector<16xf32>
    %sub3A_766 = arith.subf %sub3A_765, %mul3A_763 : vector<16xf32>
    %mul3A_767 = arith.mulf %bitcast_convert_type3A_758, %sub3A_766 : vector<16xf32>
    %mul3A_768 = arith.constant 5.000000e-01 : f32
    %mul3A_769 = vector.broadcast %mul3A_768 : f32 to vector<16xf32>
    %mul3A_770 = arith.mulf %mul3A_769, %min3A_750 : vector<16xf32>
    %mul3A_771 = arith.mulf %mul3A_770, %mul3A_767 : vector<16xf32>
    %mul3A_772 = arith.mulf %mul3A_771, %mul3A_767 : vector<16xf32>
    %sub3A_773 = arith.constant 1.500000e+00 : f32
    %sub3A_774 = vector.broadcast %sub3A_773 : f32 to vector<16xf32>
    %sub3A_775 = arith.subf %sub3A_774, %mul3A_772 : vector<16xf32>
    %mul3A_776 = arith.mulf %mul3A_767, %sub3A_775 : vector<16xf32>
    %mul3A_777 = arith.constant 5.000000e-01 : f32
    %mul3A_778 = vector.broadcast %mul3A_777 : f32 to vector<16xf32>
    %mul3A_779 = arith.mulf %mul3A_778, %min3A_750 : vector<16xf32>
    %mul3A_780 = arith.mulf %mul3A_779, %mul3A_776 : vector<16xf32>
    %mul3A_781 = arith.mulf %mul3A_780, %mul3A_776 : vector<16xf32>
    %sub3A_782 = arith.constant 1.500000e+00 : f32
    %sub3A_783 = vector.broadcast %sub3A_782 : f32 to vector<16xf32>
    %sub3A_784 = arith.subf %sub3A_783, %mul3A_781 : vector<16xf32>
    %mul3A_785 = arith.mulf %mul3A_776, %sub3A_784 : vector<16xf32>
    %mul3A_786 = arith.mulf %min3A_750, %mul3A_785 : vector<16xf32>
    %neg3A_787 = arith.constant 0.000000e+00 : f32
    %neg3A_788 = vector.broadcast %neg3A_787 : f32 to vector<16xf32>
    %neg3A_789 = arith.subf %neg3A_788, %mul3A_786 : vector<16xf32>
    %exp3A_790 = math.exp %neg3A_789 : vector<16xf32>
    %add3A_791 = arith.constant 1.000000e+00 : f32
    %add3A_792 = vector.broadcast %add3A_791 : f32 to vector<16xf32>
    %add3A_793 = arith.addf %add3A_792, %exp3A_790 : vector<16xf32>
    %div3A_794 = arith.constant 1.000000e+00 : f32
    %div3A_795 = vector.broadcast %div3A_794 : f32 to vector<16xf32>
    %div3A_796 = arith.divf %div3A_795, %add3A_793 : vector<16xf32>
    %swap3A_797 = arith.constant 112 : index
    %swap3A_798 = tpu.vector_load %arg9[%swap3A_797] {strides = array<i32>} : memref<512xf32, #tpu.memory_space<vmem>>, vector<16xf32>,
    tpu.vector_store %arg9[%swap3A_797], %div3A_796 {strides = array<i32>} : memref<512xf32, #tpu.memory_space<vmem>>, vector<16xf32>,
    %add3A_799 = arith.constant 0 : i32
    %add3A_800 = arith.addi %mul3A_2, %add3A_799 : i32
    %dma_start3A_801 = arith.constant 0 : i32
    %dma_start3A_802 = tpu.memref_slice %arg9[%dma_start3A_801] : memref<512xf32, #tpu.memory_space<vmem>> -> memref<128xf32, #tpu.memory_space<vmem>>
    %dma_start3A_803 = tpu.memref_slice %arg6[%add3A_800] : memref<16384xf32, #tpu.memory_space<hbm>> -> memref<128xf32, #tpu.memory_space<hbm>>
    %dma_start3A_804 = tpu.memref_slice %arg6[%add3A_800] : memref<16384xf32, #tpu.memory_space<hbm>> -> memref<128xf32, #tpu.memory_space<hbm>>
    %dma_start3A_805 = arith.constant 0 : i32
    %dma_start3A_806 = tpu.memref_slice %arg9[%dma_start3A_805] : memref<512xf32, #tpu.memory_space<vmem>> -> memref<128xf32, #tpu.memory_space<vmem>>
    tpu.enqueue_dma source(%dma_start3A_806 : memref<128xf32, #tpu.memory_space<vmem>>) target(%dma_start3A_804 : memref<128xf32, #tpu.memory_space<hbm>>) target_semaphore(%arg14 : memref<!tpu.dma_semaphore, #tpu.memory_space<semaphore_mem>>)
    %dma_wait3A_807 = arith.constant 0 : i32
    %dma_wait3A_808 = arith.constant 1 : i32
    %dma_wait3A_809 = arith.constant 0 : i32
    %dma_wait3A_810 = tpu.memref_slice %arg8[%dma_wait3A_807, %dma_wait3A_808, %dma_wait3A_809] : memref<3x4x128xf32, #tpu.memory_space<vmem>> -> memref<1x1x128xf32, #tpu.memory_space<vmem>>
    %dma_wait3A_811 = tpu.memref_squeeze %dma_wait3A_810 : memref<1x1x128xf32, #tpu.memory_space<vmem>> -> memref<128xf32, #tpu.memory_space<vmem>>
    %dma_wait3A_812 = arith.constant 128 : i32
    %dma_wait3A_813 = tpu.memref_slice %arg7[%dma_wait3A_812] : memref<512xi32, #tpu.memory_space<vmem>> -> memref<128xi32, #tpu.memory_space<vmem>>
    %dma_wait3A_814 = arith.constant 0 : i32
    %dma_wait3A_815 = tpu.memref_slice %arg3[%dma_wait3A_814] : memref<100000xf32, #tpu.memory_space<hbm>> -> memref<100000xf32, #tpu.memory_space<hbm>>
    tpu.wait_indirect_dma semaphore(%arg11 : memref<!tpu.dma_semaphore, #tpu.memory_space<semaphore_mem>>) src(%dma_wait3A_815 : memref<100000xf32, #tpu.memory_space<hbm>>) dst(%dma_wait3A_811 : memref<128xf32, #tpu.memory_space<vmem>>)
    %dma_wait3A_816 = arith.constant 1 : i32
    %dma_wait3A_817 = arith.constant 1 : i32
    %dma_wait3A_818 = arith.constant 0 : i32
    %dma_wait3A_819 = tpu.memref_slice %arg8[%dma_wait3A_816, %dma_wait3A_817, %dma_wait3A_818] : memref<3x4x128xf32, #tpu.memory_space<vmem>> -> memref<1x1x128xf32, #tpu.memory_space<vmem>>
    %dma_wait3A_820 = tpu.memref_squeeze %dma_wait3A_819 : memref<1x1x128xf32, #tpu.memory_space<vmem>> -> memref<128xf32, #tpu.memory_space<vmem>>
    %dma_wait3A_821 = arith.constant 128 : i32
    %dma_wait3A_822 = tpu.memref_slice %arg7[%dma_wait3A_821] : memref<512xi32, #tpu.memory_space<vmem>> -> memref<128xi32, #tpu.memory_space<vmem>>
    %dma_wait3A_823 = arith.constant 0 : i32
    %dma_wait3A_824 = tpu.memref_slice %arg4[%dma_wait3A_823] : memref<100000xf32, #tpu.memory_space<hbm>> -> memref<100000xf32, #tpu.memory_space<hbm>>
    tpu.wait_indirect_dma semaphore(%arg11 : memref<!tpu.dma_semaphore, #tpu.memory_space<semaphore_mem>>) src(%dma_wait3A_824 : memref<100000xf32, #tpu.memory_space<hbm>>) dst(%dma_wait3A_820 : memref<128xf32, #tpu.memory_space<vmem>>)
    %dma_wait3A_825 = arith.constant 2 : i32
    %dma_wait3A_826 = arith.constant 1 : i32
    %dma_wait3A_827 = arith.constant 0 : i32
    %dma_wait3A_828 = tpu.memref_slice %arg8[%dma_wait3A_825, %dma_wait3A_826, %dma_wait3A_827] : memref<3x4x128xf32, #tpu.memory_space<vmem>> -> memref<1x1x128xf32, #tpu.memory_space<vmem>>
    %dma_wait3A_829 = tpu.memref_squeeze %dma_wait3A_828 : memref<1x1x128xf32, #tpu.memory_space<vmem>> -> memref<128xf32, #tpu.memory_space<vmem>>
    %dma_wait3A_830 = arith.constant 128 : i32
    %dma_wait3A_831 = tpu.memref_slice %arg7[%dma_wait3A_830] : memref<512xi32, #tpu.memory_space<vmem>> -> memref<128xi32, #tpu.memory_space<vmem>>
    %dma_wait3A_832 = arith.constant 0 : i32
    %dma_wait3A_833 = tpu.memref_slice %arg5[%dma_wait3A_832] : memref<100000xf32, #tpu.memory_space<hbm>> -> memref<100000xf32, #tpu.memory_space<hbm>>
    tpu.wait_indirect_dma semaphore(%arg11 : memref<!tpu.dma_semaphore, #tpu.memory_space<semaphore_mem>>) src(%dma_wait3A_833 : memref<100000xf32, #tpu.memory_space<hbm>>) dst(%dma_wait3A_829 : memref<128xf32, #tpu.memory_space<vmem>>)
    %get3A_834 = arith.constant 0 : i32
    %get3A_835 = arith.constant 1 : i32
    %get3A_836 = arith.index_cast %get3A_834 : i32 to index
    %get3A_837 = arith.index_cast %get3A_835 : i32 to index
    %get3A_838 = arith.constant 0 : index
    %get3A_839 = tpu.vector_load %arg8[%get3A_836, %get3A_837, %get3A_838] {strides = array<i32>} : memref<3x4x128xf32, #tpu.memory_space<vmem>>, vector<16xf32>,
    %get3A_840 = arith.constant 1 : i32
    %get3A_841 = arith.constant 1 : i32
    %get3A_842 = arith.index_cast %get3A_840 : i32 to index
    %get3A_843 = arith.index_cast %get3A_841 : i32 to index
    %get3A_844 = arith.constant 0 : index
    %get3A_845 = tpu.vector_load %arg8[%get3A_842, %get3A_843, %get3A_844] {strides = array<i32>} : memref<3x4x128xf32, #tpu.memory_space<vmem>>, vector<16xf32>,
    %get3A_846 = arith.constant 2 : i32
    %get3A_847 = arith.constant 1 : i32
    %get3A_848 = arith.index_cast %get3A_846 : i32 to index
    %get3A_849 = arith.index_cast %get3A_847 : i32 to index
    %get3A_850 = arith.constant 0 : index
    %get3A_851 = tpu.vector_load %arg8[%get3A_848, %get3A_849, %get3A_850] {strides = array<i32>} : memref<3x4x128xf32, #tpu.memory_space<vmem>>, vector<16xf32>,
    %mul3A_852 = arith.mulf %get3A_839, %get3A_839 : vector<16xf32>
    %mul3A_853 = arith.mulf %get3A_845, %get3A_845 : vector<16xf32>
    %add3A_854 = arith.addf %mul3A_852, %mul3A_853 : vector<16xf32>
    %mul3A_855 = arith.mulf %get3A_851, %get3A_851 : vector<16xf32>
    %add3A_856 = arith.addf %add3A_854, %mul3A_855 : vector<16xf32>
    %mul3A_857 = arith.constant 3.000000e+00 : f32
    %mul3A_858 = vector.broadcast %mul3A_857 : f32 to vector<16xf32>
    %mul3A_859 = arith.mulf %mul3A_858, %add3A_856 : vector<16xf32>
    %min3A_860 = arith.constant 3.000000e+38 : f32
    %min3A_861 = vector.broadcast %min3A_860 : f32 to vector<16xf32>
    %min3A_862 = arith.minimumf %mul3A_859, %min3A_861 : vector<16xf32>
    %bitcast_convert_type3A_863 = tpu.bitcast %min3A_862 : vector<16xf32> -> vector<16xi32>
    %shift_right_arithmetic3A_864 = arith.constant 1 : i32
    %shift_right_arithmetic3A_865 = vector.broadcast %shift_right_arithmetic3A_864 : i32 to vector<16xi32>
    %shift_right_arithmetic3A_866 = arith.shrsi %bitcast_convert_type3A_863, %shift_right_arithmetic3A_865 : vector<16xi32>
    %sub3A_867 = arith.constant 1597463007 : i32
    %sub3A_868 = vector.broadcast %sub3A_867 : i32 to vector<16xi32>
    %sub3A_869 = arith.subi %sub3A_868, %shift_right_arithmetic3A_866 : vector<16xi32>
    %bitcast_convert_type3A_870 = tpu.bitcast %sub3A_869 : vector<16xi32> -> vector<16xf32>
    %mul3A_871 = arith.constant 5.000000e-01 : f32
    %mul3A_872 = vector.broadcast %mul3A_871 : f32 to vector<16xf32>
    %mul3A_873 = arith.mulf %mul3A_872, %min3A_862 : vector<16xf32>
    %mul3A_874 = arith.mulf %mul3A_873, %bitcast_convert_type3A_870 : vector<16xf32>
    %mul3A_875 = arith.mulf %mul3A_874, %bitcast_convert_type3A_870 : vector<16xf32>
    %sub3A_876 = arith.constant 1.500000e+00 : f32
    %sub3A_877 = vector.broadcast %sub3A_876 : f32 to vector<16xf32>
    %sub3A_878 = arith.subf %sub3A_877, %mul3A_875 : vector<16xf32>
    %mul3A_879 = arith.mulf %bitcast_convert_type3A_870, %sub3A_878 : vector<16xf32>
    %mul3A_880 = arith.constant 5.000000e-01 : f32
    %mul3A_881 = vector.broadcast %mul3A_880 : f32 to vector<16xf32>
    %mul3A_882 = arith.mulf %mul3A_881, %min3A_862 : vector<16xf32>
    %mul3A_883 = arith.mulf %mul3A_882, %mul3A_879 : vector<16xf32>
    %mul3A_884 = arith.mulf %mul3A_883, %mul3A_879 : vector<16xf32>
    %sub3A_885 = arith.constant 1.500000e+00 : f32
    %sub3A_886 = vector.broadcast %sub3A_885 : f32 to vector<16xf32>
    %sub3A_887 = arith.subf %sub3A_886, %mul3A_884 : vector<16xf32>
    %mul3A_888 = arith.mulf %mul3A_879, %sub3A_887 : vector<16xf32>
    %mul3A_889 = arith.constant 5.000000e-01 : f32
    %mul3A_890 = vector.broadcast %mul3A_889 : f32 to vector<16xf32>
    %mul3A_891 = arith.mulf %mul3A_890, %min3A_862 : vector<16xf32>
    %mul3A_892 = arith.mulf %mul3A_891, %mul3A_888 : vector<16xf32>
    %mul3A_893 = arith.mulf %mul3A_892, %mul3A_888 : vector<16xf32>
    %sub3A_894 = arith.constant 1.500000e+00 : f32
    %sub3A_895 = vector.broadcast %sub3A_894 : f32 to vector<16xf32>
    %sub3A_896 = arith.subf %sub3A_895, %mul3A_893 : vector<16xf32>
    %mul3A_897 = arith.mulf %mul3A_888, %sub3A_896 : vector<16xf32>
    %mul3A_898 = arith.mulf %min3A_862, %mul3A_897 : vector<16xf32>
    %neg3A_899 = arith.constant 0.000000e+00 : f32
    %neg3A_900 = vector.broadcast %neg3A_899 : f32 to vector<16xf32>
    %neg3A_901 = arith.subf %neg3A_900, %mul3A_898 : vector<16xf32>
    %exp3A_902 = math.exp %neg3A_901 : vector<16xf32>
    %add3A_903 = arith.constant 1.000000e+00 : f32
    %add3A_904 = vector.broadcast %add3A_903 : f32 to vector<16xf32>
    %add3A_905 = arith.addf %add3A_904, %exp3A_902 : vector<16xf32>
    %div3A_906 = arith.constant 1.000000e+00 : f32
    %div3A_907 = vector.broadcast %div3A_906 : f32 to vector<16xf32>
    %div3A_908 = arith.divf %div3A_907, %add3A_905 : vector<16xf32>
    %swap3A_909 = arith.constant 128 : index
    %swap3A_910 = tpu.vector_load %arg9[%swap3A_909] {strides = array<i32>} : memref<512xf32, #tpu.memory_space<vmem>>, vector<16xf32>,
    tpu.vector_store %arg9[%swap3A_909], %div3A_908 {strides = array<i32>} : memref<512xf32, #tpu.memory_space<vmem>>, vector<16xf32>,
    %get3A_911 = arith.constant 0 : i32
    %get3A_912 = arith.constant 1 : i32
    %get3A_913 = arith.index_cast %get3A_911 : i32 to index
    %get3A_914 = arith.index_cast %get3A_912 : i32 to index
    %get3A_915 = arith.constant 16 : index
    %get3A_916 = tpu.vector_load %arg8[%get3A_913, %get3A_914, %get3A_915] {strides = array<i32>} : memref<3x4x128xf32, #tpu.memory_space<vmem>>, vector<16xf32>,
    %get3A_917 = arith.constant 1 : i32
    %get3A_918 = arith.constant 1 : i32
    %get3A_919 = arith.index_cast %get3A_917 : i32 to index
    %get3A_920 = arith.index_cast %get3A_918 : i32 to index
    %get3A_921 = arith.constant 16 : index
    %get3A_922 = tpu.vector_load %arg8[%get3A_919, %get3A_920, %get3A_921] {strides = array<i32>} : memref<3x4x128xf32, #tpu.memory_space<vmem>>, vector<16xf32>,
    %get3A_923 = arith.constant 2 : i32
    %get3A_924 = arith.constant 1 : i32
    %get3A_925 = arith.index_cast %get3A_923 : i32 to index
    %get3A_926 = arith.index_cast %get3A_924 : i32 to index
    %get3A_927 = arith.constant 16 : index
    %get3A_928 = tpu.vector_load %arg8[%get3A_925, %get3A_926, %get3A_927] {strides = array<i32>} : memref<3x4x128xf32, #tpu.memory_space<vmem>>, vector<16xf32>,
    %mul3A_929 = arith.mulf %get3A_916, %get3A_916 : vector<16xf32>
    %mul3A_930 = arith.mulf %get3A_922, %get3A_922 : vector<16xf32>
    %add3A_931 = arith.addf %mul3A_929, %mul3A_930 : vector<16xf32>
    %mul3A_932 = arith.mulf %get3A_928, %get3A_928 : vector<16xf32>
    %add3A_933 = arith.addf %add3A_931, %mul3A_932 : vector<16xf32>
    %mul3A_934 = arith.constant 3.000000e+00 : f32
    %mul3A_935 = vector.broadcast %mul3A_934 : f32 to vector<16xf32>
    %mul3A_936 = arith.mulf %mul3A_935, %add3A_933 : vector<16xf32>
    %min3A_937 = arith.constant 3.000000e+38 : f32
    %min3A_938 = vector.broadcast %min3A_937 : f32 to vector<16xf32>
    %min3A_939 = arith.minimumf %mul3A_936, %min3A_938 : vector<16xf32>
    %bitcast_convert_type3A_940 = tpu.bitcast %min3A_939 : vector<16xf32> -> vector<16xi32>
    %shift_right_arithmetic3A_941 = arith.constant 1 : i32
    %shift_right_arithmetic3A_942 = vector.broadcast %shift_right_arithmetic3A_941 : i32 to vector<16xi32>
    %shift_right_arithmetic3A_943 = arith.shrsi %bitcast_convert_type3A_940, %shift_right_arithmetic3A_942 : vector<16xi32>
    %sub3A_944 = arith.constant 1597463007 : i32
    %sub3A_945 = vector.broadcast %sub3A_944 : i32 to vector<16xi32>
    %sub3A_946 = arith.subi %sub3A_945, %shift_right_arithmetic3A_943 : vector<16xi32>
    %bitcast_convert_type3A_947 = tpu.bitcast %sub3A_946 : vector<16xi32> -> vector<16xf32>
    %mul3A_948 = arith.constant 5.000000e-01 : f32
    %mul3A_949 = vector.broadcast %mul3A_948 : f32 to vector<16xf32>
    %mul3A_950 = arith.mulf %mul3A_949, %min3A_939 : vector<16xf32>
    %mul3A_951 = arith.mulf %mul3A_950, %bitcast_convert_type3A_947 : vector<16xf32>
    %mul3A_952 = arith.mulf %mul3A_951, %bitcast_convert_type3A_947 : vector<16xf32>
    %sub3A_953 = arith.constant 1.500000e+00 : f32
    %sub3A_954 = vector.broadcast %sub3A_953 : f32 to vector<16xf32>
    %sub3A_955 = arith.subf %sub3A_954, %mul3A_952 : vector<16xf32>
    %mul3A_956 = arith.mulf %bitcast_convert_type3A_947, %sub3A_955 : vector<16xf32>
    %mul3A_957 = arith.constant 5.000000e-01 : f32
    %mul3A_958 = vector.broadcast %mul3A_957 : f32 to vector<16xf32>
    %mul3A_959 = arith.mulf %mul3A_958, %min3A_939 : vector<16xf32>
    %mul3A_960 = arith.mulf %mul3A_959, %mul3A_956 : vector<16xf32>
    %mul3A_961 = arith.mulf %mul3A_960, %mul3A_956 : vector<16xf32>
    %sub3A_962 = arith.constant 1.500000e+00 : f32
    %sub3A_963 = vector.broadcast %sub3A_962 : f32 to vector<16xf32>
    %sub3A_964 = arith.subf %sub3A_963, %mul3A_961 : vector<16xf32>
    %mul3A_965 = arith.mulf %mul3A_956, %sub3A_964 : vector<16xf32>
    %mul3A_966 = arith.constant 5.000000e-01 : f32
    %mul3A_967 = vector.broadcast %mul3A_966 : f32 to vector<16xf32>
    %mul3A_968 = arith.mulf %mul3A_967, %min3A_939 : vector<16xf32>
    %mul3A_969 = arith.mulf %mul3A_968, %mul3A_965 : vector<16xf32>
    %mul3A_970 = arith.mulf %mul3A_969, %mul3A_965 : vector<16xf32>
    %sub3A_971 = arith.constant 1.500000e+00 : f32
    %sub3A_972 = vector.broadcast %sub3A_971 : f32 to vector<16xf32>
    %sub3A_973 = arith.subf %sub3A_972, %mul3A_970 : vector<16xf32>
    %mul3A_974 = arith.mulf %mul3A_965, %sub3A_973 : vector<16xf32>
    %mul3A_975 = arith.mulf %min3A_939, %mul3A_974 : vector<16xf32>
    %neg3A_976 = arith.constant 0.000000e+00 : f32
    %neg3A_977 = vector.broadcast %neg3A_976 : f32 to vector<16xf32>
    %neg3A_978 = arith.subf %neg3A_977, %mul3A_975 : vector<16xf32>
    %exp3A_979 = math.exp %neg3A_978 : vector<16xf32>
    %add3A_980 = arith.constant 1.000000e+00 : f32
    %add3A_981 = vector.broadcast %add3A_980 : f32 to vector<16xf32>
    %add3A_982 = arith.addf %add3A_981, %exp3A_979 : vector<16xf32>
    %div3A_983 = arith.constant 1.000000e+00 : f32
    %div3A_984 = vector.broadcast %div3A_983 : f32 to vector<16xf32>
    %div3A_985 = arith.divf %div3A_984, %add3A_982 : vector<16xf32>
    %swap3A_986 = arith.constant 144 : index
    %swap3A_987 = tpu.vector_load %arg9[%swap3A_986] {strides = array<i32>} : memref<512xf32, #tpu.memory_space<vmem>>, vector<16xf32>,
    tpu.vector_store %arg9[%swap3A_986], %div3A_985 {strides = array<i32>} : memref<512xf32, #tpu.memory_space<vmem>>, vector<16xf32>,
    %get3A_988 = arith.constant 0 : i32
    %get3A_989 = arith.constant 1 : i32
    %get3A_990 = arith.index_cast %get3A_988 : i32 to index
    %get3A_991 = arith.index_cast %get3A_989 : i32 to index
    %get3A_992 = arith.constant 32 : index
    %get3A_993 = tpu.vector_load %arg8[%get3A_990, %get3A_991, %get3A_992] {strides = array<i32>} : memref<3x4x128xf32, #tpu.memory_space<vmem>>, vector<16xf32>,
    %get3A_994 = arith.constant 1 : i32
    %get3A_995 = arith.constant 1 : i32
    %get3A_996 = arith.index_cast %get3A_994 : i32 to index
    %get3A_997 = arith.index_cast %get3A_995 : i32 to index
    %get3A_998 = arith.constant 32 : index
    %get3A_999 = tpu.vector_load %arg8[%get3A_996, %get3A_997, %get3A_998] {strides = array<i32>} : memref<3x4x128xf32, #tpu.memory_space<vmem>>, vector<16xf32>,
    %get3A_1000 = arith.constant 2 : i32
    %get3A_1001 = arith.constant 1 : i32
    %get3A_1002 = arith.index_cast %get3A_1000 : i32 to index
    %get3A_1003 = arith.index_cast %get3A_1001 : i32 to index
    %get3A_1004 = arith.constant 32 : index
    %get3A_1005 = tpu.vector_load %arg8[%get3A_1002, %get3A_1003, %get3A_1004] {strides = array<i32>} : memref<3x4x128xf32, #tpu.memory_space<vmem>>, vector<16xf32>,
    %mul3A_1006 = arith.mulf %get3A_993, %get3A_993 : vector<16xf32>
    %mul3A_1007 = arith.mulf %get3A_999, %get3A_999 : vector<16xf32>
    %add3A_1008 = arith.addf %mul3A_1006, %mul3A_1007 : vector<16xf32>
    %mul3A_1009 = arith.mulf %get3A_1005, %get3A_1005 : vector<16xf32>
    %add3A_1010 = arith.addf %add3A_1008, %mul3A_1009 : vector<16xf32>
    %mul3A_1011 = arith.constant 3.000000e+00 : f32
    %mul3A_1012 = vector.broadcast %mul3A_1011 : f32 to vector<16xf32>
    %mul3A_1013 = arith.mulf %mul3A_1012, %add3A_1010 : vector<16xf32>
    %min3A_1014 = arith.constant 3.000000e+38 : f32
    %min3A_1015 = vector.broadcast %min3A_1014 : f32 to vector<16xf32>
    %min3A_1016 = arith.minimumf %mul3A_1013, %min3A_1015 : vector<16xf32>
    %bitcast_convert_type3A_1017 = tpu.bitcast %min3A_1016 : vector<16xf32> -> vector<16xi32>
    %shift_right_arithmetic3A_1018 = arith.constant 1 : i32
    %shift_right_arithmetic3A_1019 = vector.broadcast %shift_right_arithmetic3A_1018 : i32 to vector<16xi32>
    %shift_right_arithmetic3A_1020 = arith.shrsi %bitcast_convert_type3A_1017, %shift_right_arithmetic3A_1019 : vector<16xi32>
    %sub3A_1021 = arith.constant 1597463007 : i32
    %sub3A_1022 = vector.broadcast %sub3A_1021 : i32 to vector<16xi32>
    %sub3A_1023 = arith.subi %sub3A_1022, %shift_right_arithmetic3A_1020 : vector<16xi32>
    %bitcast_convert_type3A_1024 = tpu.bitcast %sub3A_1023 : vector<16xi32> -> vector<16xf32>
    %mul3A_1025 = arith.constant 5.000000e-01 : f32
    %mul3A_1026 = vector.broadcast %mul3A_1025 : f32 to vector<16xf32>
    %mul3A_1027 = arith.mulf %mul3A_1026, %min3A_1016 : vector<16xf32>
    %mul3A_1028 = arith.mulf %mul3A_1027, %bitcast_convert_type3A_1024 : vector<16xf32>
    %mul3A_1029 = arith.mulf %mul3A_1028, %bitcast_convert_type3A_1024 : vector<16xf32>
    %sub3A_1030 = arith.constant 1.500000e+00 : f32
    %sub3A_1031 = vector.broadcast %sub3A_1030 : f32 to vector<16xf32>
    %sub3A_1032 = arith.subf %sub3A_1031, %mul3A_1029 : vector<16xf32>
    %mul3A_1033 = arith.mulf %bitcast_convert_type3A_1024, %sub3A_1032 : vector<16xf32>
    %mul3A_1034 = arith.constant 5.000000e-01 : f32
    %mul3A_1035 = vector.broadcast %mul3A_1034 : f32 to vector<16xf32>
    %mul3A_1036 = arith.mulf %mul3A_1035, %min3A_1016 : vector<16xf32>
    %mul3A_1037 = arith.mulf %mul3A_1036, %mul3A_1033 : vector<16xf32>
    %mul3A_1038 = arith.mulf %mul3A_1037, %mul3A_1033 : vector<16xf32>
    %sub3A_1039 = arith.constant 1.500000e+00 : f32
    %sub3A_1040 = vector.broadcast %sub3A_1039 : f32 to vector<16xf32>
    %sub3A_1041 = arith.subf %sub3A_1040, %mul3A_1038 : vector<16xf32>
    %mul3A_1042 = arith.mulf %mul3A_1033, %sub3A_1041 : vector<16xf32>
    %mul3A_1043 = arith.constant 5.000000e-01 : f32
    %mul3A_1044 = vector.broadcast %mul3A_1043 : f32 to vector<16xf32>
    %mul3A_1045 = arith.mulf %mul3A_1044, %min3A_1016 : vector<16xf32>
    %mul3A_1046 = arith.mulf %mul3A_1045, %mul3A_1042 : vector<16xf32>
    %mul3A_1047 = arith.mulf %mul3A_1046, %mul3A_1042 : vector<16xf32>
    %sub3A_1048 = arith.constant 1.500000e+00 : f32
    %sub3A_1049 = vector.broadcast %sub3A_1048 : f32 to vector<16xf32>
    %sub3A_1050 = arith.subf %sub3A_1049, %mul3A_1047 : vector<16xf32>
    %mul3A_1051 = arith.mulf %mul3A_1042, %sub3A_1050 : vector<16xf32>
    %mul3A_1052 = arith.mulf %min3A_1016, %mul3A_1051 : vector<16xf32>
    %neg3A_1053 = arith.constant 0.000000e+00 : f32
    %neg3A_1054 = vector.broadcast %neg3A_1053 : f32 to vector<16xf32>
    %neg3A_1055 = arith.subf %neg3A_1054, %mul3A_1052 : vector<16xf32>
    %exp3A_1056 = math.exp %neg3A_1055 : vector<16xf32>
    %add3A_1057 = arith.constant 1.000000e+00 : f32
    %add3A_1058 = vector.broadcast %add3A_1057 : f32 to vector<16xf32>
    %add3A_1059 = arith.addf %add3A_1058, %exp3A_1056 : vector<16xf32>
    %div3A_1060 = arith.constant 1.000000e+00 : f32
    %div3A_1061 = vector.broadcast %div3A_1060 : f32 to vector<16xf32>
    %div3A_1062 = arith.divf %div3A_1061, %add3A_1059 : vector<16xf32>
    %swap3A_1063 = arith.constant 160 : index
    %swap3A_1064 = tpu.vector_load %arg9[%swap3A_1063] {strides = array<i32>} : memref<512xf32, #tpu.memory_space<vmem>>, vector<16xf32>,
    tpu.vector_store %arg9[%swap3A_1063], %div3A_1062 {strides = array<i32>} : memref<512xf32, #tpu.memory_space<vmem>>, vector<16xf32>,
    %get3A_1065 = arith.constant 0 : i32
    %get3A_1066 = arith.constant 1 : i32
    %get3A_1067 = arith.index_cast %get3A_1065 : i32 to index
    %get3A_1068 = arith.index_cast %get3A_1066 : i32 to index
    %get3A_1069 = arith.constant 48 : index
    %get3A_1070 = tpu.vector_load %arg8[%get3A_1067, %get3A_1068, %get3A_1069] {strides = array<i32>} : memref<3x4x128xf32, #tpu.memory_space<vmem>>, vector<16xf32>,
    %get3A_1071 = arith.constant 1 : i32
    %get3A_1072 = arith.constant 1 : i32
    %get3A_1073 = arith.index_cast %get3A_1071 : i32 to index
    %get3A_1074 = arith.index_cast %get3A_1072 : i32 to index
    %get3A_1075 = arith.constant 48 : index
    %get3A_1076 = tpu.vector_load %arg8[%get3A_1073, %get3A_1074, %get3A_1075] {strides = array<i32>} : memref<3x4x128xf32, #tpu.memory_space<vmem>>, vector<16xf32>,
    %get3A_1077 = arith.constant 2 : i32
    %get3A_1078 = arith.constant 1 : i32
    %get3A_1079 = arith.index_cast %get3A_1077 : i32 to index
    %get3A_1080 = arith.index_cast %get3A_1078 : i32 to index
    %get3A_1081 = arith.constant 48 : index
    %get3A_1082 = tpu.vector_load %arg8[%get3A_1079, %get3A_1080, %get3A_1081] {strides = array<i32>} : memref<3x4x128xf32, #tpu.memory_space<vmem>>, vector<16xf32>,
    %mul3A_1083 = arith.mulf %get3A_1070, %get3A_1070 : vector<16xf32>
    %mul3A_1084 = arith.mulf %get3A_1076, %get3A_1076 : vector<16xf32>
    %add3A_1085 = arith.addf %mul3A_1083, %mul3A_1084 : vector<16xf32>
    %mul3A_1086 = arith.mulf %get3A_1082, %get3A_1082 : vector<16xf32>
    %add3A_1087 = arith.addf %add3A_1085, %mul3A_1086 : vector<16xf32>
    %mul3A_1088 = arith.constant 3.000000e+00 : f32
    %mul3A_1089 = vector.broadcast %mul3A_1088 : f32 to vector<16xf32>
    %mul3A_1090 = arith.mulf %mul3A_1089, %add3A_1087 : vector<16xf32>
    %min3A_1091 = arith.constant 3.000000e+38 : f32
    %min3A_1092 = vector.broadcast %min3A_1091 : f32 to vector<16xf32>
    %min3A_1093 = arith.minimumf %mul3A_1090, %min3A_1092 : vector<16xf32>
    %bitcast_convert_type3A_1094 = tpu.bitcast %min3A_1093 : vector<16xf32> -> vector<16xi32>
    %shift_right_arithmetic3A_1095 = arith.constant 1 : i32
    %shift_right_arithmetic3A_1096 = vector.broadcast %shift_right_arithmetic3A_1095 : i32 to vector<16xi32>
    %shift_right_arithmetic3A_1097 = arith.shrsi %bitcast_convert_type3A_1094, %shift_right_arithmetic3A_1096 : vector<16xi32>
    %sub3A_1098 = arith.constant 1597463007 : i32
    %sub3A_1099 = vector.broadcast %sub3A_1098 : i32 to vector<16xi32>
    %sub3A_1100 = arith.subi %sub3A_1099, %shift_right_arithmetic3A_1097 : vector<16xi32>
    %bitcast_convert_type3A_1101 = tpu.bitcast %sub3A_1100 : vector<16xi32> -> vector<16xf32>
    %mul3A_1102 = arith.constant 5.000000e-01 : f32
    %mul3A_1103 = vector.broadcast %mul3A_1102 : f32 to vector<16xf32>
    %mul3A_1104 = arith.mulf %mul3A_1103, %min3A_1093 : vector<16xf32>
    %mul3A_1105 = arith.mulf %mul3A_1104, %bitcast_convert_type3A_1101 : vector<16xf32>
    %mul3A_1106 = arith.mulf %mul3A_1105, %bitcast_convert_type3A_1101 : vector<16xf32>
    %sub3A_1107 = arith.constant 1.500000e+00 : f32
    %sub3A_1108 = vector.broadcast %sub3A_1107 : f32 to vector<16xf32>
    %sub3A_1109 = arith.subf %sub3A_1108, %mul3A_1106 : vector<16xf32>
    %mul3A_1110 = arith.mulf %bitcast_convert_type3A_1101, %sub3A_1109 : vector<16xf32>
    %mul3A_1111 = arith.constant 5.000000e-01 : f32
    %mul3A_1112 = vector.broadcast %mul3A_1111 : f32 to vector<16xf32>
    %mul3A_1113 = arith.mulf %mul3A_1112, %min3A_1093 : vector<16xf32>
    %mul3A_1114 = arith.mulf %mul3A_1113, %mul3A_1110 : vector<16xf32>
    %mul3A_1115 = arith.mulf %mul3A_1114, %mul3A_1110 : vector<16xf32>
    %sub3A_1116 = arith.constant 1.500000e+00 : f32
    %sub3A_1117 = vector.broadcast %sub3A_1116 : f32 to vector<16xf32>
    %sub3A_1118 = arith.subf %sub3A_1117, %mul3A_1115 : vector<16xf32>
    %mul3A_1119 = arith.mulf %mul3A_1110, %sub3A_1118 : vector<16xf32>
    %mul3A_1120 = arith.constant 5.000000e-01 : f32
    %mul3A_1121 = vector.broadcast %mul3A_1120 : f32 to vector<16xf32>
    %mul3A_1122 = arith.mulf %mul3A_1121, %min3A_1093 : vector<16xf32>
    %mul3A_1123 = arith.mulf %mul3A_1122, %mul3A_1119 : vector<16xf32>
    %mul3A_1124 = arith.mulf %mul3A_1123, %mul3A_1119 : vector<16xf32>
    %sub3A_1125 = arith.constant 1.500000e+00 : f32
    %sub3A_1126 = vector.broadcast %sub3A_1125 : f32 to vector<16xf32>
    %sub3A_1127 = arith.subf %sub3A_1126, %mul3A_1124 : vector<16xf32>
    %mul3A_1128 = arith.mulf %mul3A_1119, %sub3A_1127 : vector<16xf32>
    %mul3A_1129 = arith.mulf %min3A_1093, %mul3A_1128 : vector<16xf32>
    %neg3A_1130 = arith.constant 0.000000e+00 : f32
    %neg3A_1131 = vector.broadcast %neg3A_1130 : f32 to vector<16xf32>
    %neg3A_1132 = arith.subf %neg3A_1131, %mul3A_1129 : vector<16xf32>
    %exp3A_1133 = math.exp %neg3A_1132 : vector<16xf32>
    %add3A_1134 = arith.constant 1.000000e+00 : f32
    %add3A_1135 = vector.broadcast %add3A_1134 : f32 to vector<16xf32>
    %add3A_1136 = arith.addf %add3A_1135, %exp3A_1133 : vector<16xf32>
    %div3A_1137 = arith.constant 1.000000e+00 : f32
    %div3A_1138 = vector.broadcast %div3A_1137 : f32 to vector<16xf32>
    %div3A_1139 = arith.divf %div3A_1138, %add3A_1136 : vector<16xf32>
    %swap3A_1140 = arith.constant 176 : index
    %swap3A_1141 = tpu.vector_load %arg9[%swap3A_1140] {strides = array<i32>} : memref<512xf32, #tpu.memory_space<vmem>>, vector<16xf32>,
    tpu.vector_store %arg9[%swap3A_1140], %div3A_1139 {strides = array<i32>} : memref<512xf32, #tpu.memory_space<vmem>>, vector<16xf32>,
    %get3A_1142 = arith.constant 0 : i32
    %get3A_1143 = arith.constant 1 : i32
    %get3A_1144 = arith.index_cast %get3A_1142 : i32 to index
    %get3A_1145 = arith.index_cast %get3A_1143 : i32 to index
    %get3A_1146 = arith.constant 64 : index
    %get3A_1147 = tpu.vector_load %arg8[%get3A_1144, %get3A_1145, %get3A_1146] {strides = array<i32>} : memref<3x4x128xf32, #tpu.memory_space<vmem>>, vector<16xf32>,
    %get3A_1148 = arith.constant 1 : i32
    %get3A_1149 = arith.constant 1 : i32
    %get3A_1150 = arith.index_cast %get3A_1148 : i32 to index
    %get3A_1151 = arith.index_cast %get3A_1149 : i32 to index
    %get3A_1152 = arith.constant 64 : index
    %get3A_1153 = tpu.vector_load %arg8[%get3A_1150, %get3A_1151, %get3A_1152] {strides = array<i32>} : memref<3x4x128xf32, #tpu.memory_space<vmem>>, vector<16xf32>,
    %get3A_1154 = arith.constant 2 : i32
    %get3A_1155 = arith.constant 1 : i32
    %get3A_1156 = arith.index_cast %get3A_1154 : i32 to index
    %get3A_1157 = arith.index_cast %get3A_1155 : i32 to index
    %get3A_1158 = arith.constant 64 : index
    %get3A_1159 = tpu.vector_load %arg8[%get3A_1156, %get3A_1157, %get3A_1158] {strides = array<i32>} : memref<3x4x128xf32, #tpu.memory_space<vmem>>, vector<16xf32>,
    %mul3A_1160 = arith.mulf %get3A_1147, %get3A_1147 : vector<16xf32>
    %mul3A_1161 = arith.mulf %get3A_1153, %get3A_1153 : vector<16xf32>
    %add3A_1162 = arith.addf %mul3A_1160, %mul3A_1161 : vector<16xf32>
    %mul3A_1163 = arith.mulf %get3A_1159, %get3A_1159 : vector<16xf32>
    %add3A_1164 = arith.addf %add3A_1162, %mul3A_1163 : vector<16xf32>
    %mul3A_1165 = arith.constant 3.000000e+00 : f32
    %mul3A_1166 = vector.broadcast %mul3A_1165 : f32 to vector<16xf32>
    %mul3A_1167 = arith.mulf %mul3A_1166, %add3A_1164 : vector<16xf32>
    %min3A_1168 = arith.constant 3.000000e+38 : f32
    %min3A_1169 = vector.broadcast %min3A_1168 : f32 to vector<16xf32>
    %min3A_1170 = arith.minimumf %mul3A_1167, %min3A_1169 : vector<16xf32>
    %bitcast_convert_type3A_1171 = tpu.bitcast %min3A_1170 : vector<16xf32> -> vector<16xi32>
    %shift_right_arithmetic3A_1172 = arith.constant 1 : i32
    %shift_right_arithmetic3A_1173 = vector.broadcast %shift_right_arithmetic3A_1172 : i32 to vector<16xi32>
    %shift_right_arithmetic3A_1174 = arith.shrsi %bitcast_convert_type3A_1171, %shift_right_arithmetic3A_1173 : vector<16xi32>
    %sub3A_1175 = arith.constant 1597463007 : i32
    %sub3A_1176 = vector.broadcast %sub3A_1175 : i32 to vector<16xi32>
    %sub3A_1177 = arith.subi %sub3A_1176, %shift_right_arithmetic3A_1174 : vector<16xi32>
    %bitcast_convert_type3A_1178 = tpu.bitcast %sub3A_1177 : vector<16xi32> -> vector<16xf32>
    %mul3A_1179 = arith.constant 5.000000e-01 : f32
    %mul3A_1180 = vector.broadcast %mul3A_1179 : f32 to vector<16xf32>
    %mul3A_1181 = arith.mulf %mul3A_1180, %min3A_1170 : vector<16xf32>
    %mul3A_1182 = arith.mulf %mul3A_1181, %bitcast_convert_type3A_1178 : vector<16xf32>
    %mul3A_1183 = arith.mulf %mul3A_1182, %bitcast_convert_type3A_1178 : vector<16xf32>
    %sub3A_1184 = arith.constant 1.500000e+00 : f32
    %sub3A_1185 = vector.broadcast %sub3A_1184 : f32 to vector<16xf32>
    %sub3A_1186 = arith.subf %sub3A_1185, %mul3A_1183 : vector<16xf32>
    %mul3A_1187 = arith.mulf %bitcast_convert_type3A_1178, %sub3A_1186 : vector<16xf32>
    %mul3A_1188 = arith.constant 5.000000e-01 : f32
    %mul3A_1189 = vector.broadcast %mul3A_1188 : f32 to vector<16xf32>
    %mul3A_1190 = arith.mulf %mul3A_1189, %min3A_1170 : vector<16xf32>
    %mul3A_1191 = arith.mulf %mul3A_1190, %mul3A_1187 : vector<16xf32>
    %mul3A_1192 = arith.mulf %mul3A_1191, %mul3A_1187 : vector<16xf32>
    %sub3A_1193 = arith.constant 1.500000e+00 : f32
    %sub3A_1194 = vector.broadcast %sub3A_1193 : f32 to vector<16xf32>
    %sub3A_1195 = arith.subf %sub3A_1194, %mul3A_1192 : vector<16xf32>
    %mul3A_1196 = arith.mulf %mul3A_1187, %sub3A_1195 : vector<16xf32>
    %mul3A_1197 = arith.constant 5.000000e-01 : f32
    %mul3A_1198 = vector.broadcast %mul3A_1197 : f32 to vector<16xf32>
    %mul3A_1199 = arith.mulf %mul3A_1198, %min3A_1170 : vector<16xf32>
    %mul3A_1200 = arith.mulf %mul3A_1199, %mul3A_1196 : vector<16xf32>
    %mul3A_1201 = arith.mulf %mul3A_1200, %mul3A_1196 : vector<16xf32>
    %sub3A_1202 = arith.constant 1.500000e+00 : f32
    %sub3A_1203 = vector.broadcast %sub3A_1202 : f32 to vector<16xf32>
    %sub3A_1204 = arith.subf %sub3A_1203, %mul3A_1201 : vector<16xf32>
    %mul3A_1205 = arith.mulf %mul3A_1196, %sub3A_1204 : vector<16xf32>
    %mul3A_1206 = arith.mulf %min3A_1170, %mul3A_1205 : vector<16xf32>
    %neg3A_1207 = arith.constant 0.000000e+00 : f32
    %neg3A_1208 = vector.broadcast %neg3A_1207 : f32 to vector<16xf32>
    %neg3A_1209 = arith.subf %neg3A_1208, %mul3A_1206 : vector<16xf32>
    %exp3A_1210 = math.exp %neg3A_1209 : vector<16xf32>
    %add3A_1211 = arith.constant 1.000000e+00 : f32
    %add3A_1212 = vector.broadcast %add3A_1211 : f32 to vector<16xf32>
    %add3A_1213 = arith.addf %add3A_1212, %exp3A_1210 : vector<16xf32>
    %div3A_1214 = arith.constant 1.000000e+00 : f32
    %div3A_1215 = vector.broadcast %div3A_1214 : f32 to vector<16xf32>
    %div3A_1216 = arith.divf %div3A_1215, %add3A_1213 : vector<16xf32>
    %swap3A_1217 = arith.constant 192 : index
    %swap3A_1218 = tpu.vector_load %arg9[%swap3A_1217] {strides = array<i32>} : memref<512xf32, #tpu.memory_space<vmem>>, vector<16xf32>,
    tpu.vector_store %arg9[%swap3A_1217], %div3A_1216 {strides = array<i32>} : memref<512xf32, #tpu.memory_space<vmem>>, vector<16xf32>,
    %get3A_1219 = arith.constant 0 : i32
    %get3A_1220 = arith.constant 1 : i32
    %get3A_1221 = arith.index_cast %get3A_1219 : i32 to index
    %get3A_1222 = arith.index_cast %get3A_1220 : i32 to index
    %get3A_1223 = arith.constant 80 : index
    %get3A_1224 = tpu.vector_load %arg8[%get3A_1221, %get3A_1222, %get3A_1223] {strides = array<i32>} : memref<3x4x128xf32, #tpu.memory_space<vmem>>, vector<16xf32>,
    %get3A_1225 = arith.constant 1 : i32
    %get3A_1226 = arith.constant 1 : i32
    %get3A_1227 = arith.index_cast %get3A_1225 : i32 to index
    %get3A_1228 = arith.index_cast %get3A_1226 : i32 to index
    %get3A_1229 = arith.constant 80 : index
    %get3A_1230 = tpu.vector_load %arg8[%get3A_1227, %get3A_1228, %get3A_1229] {strides = array<i32>} : memref<3x4x128xf32, #tpu.memory_space<vmem>>, vector<16xf32>,
    %get3A_1231 = arith.constant 2 : i32
    %get3A_1232 = arith.constant 1 : i32
    %get3A_1233 = arith.index_cast %get3A_1231 : i32 to index
    %get3A_1234 = arith.index_cast %get3A_1232 : i32 to index
    %get3A_1235 = arith.constant 80 : index
    %get3A_1236 = tpu.vector_load %arg8[%get3A_1233, %get3A_1234, %get3A_1235] {strides = array<i32>} : memref<3x4x128xf32, #tpu.memory_space<vmem>>, vector<16xf32>,
    %mul3A_1237 = arith.mulf %get3A_1224, %get3A_1224 : vector<16xf32>
    %mul3A_1238 = arith.mulf %get3A_1230, %get3A_1230 : vector<16xf32>
    %add3A_1239 = arith.addf %mul3A_1237, %mul3A_1238 : vector<16xf32>
    %mul3A_1240 = arith.mulf %get3A_1236, %get3A_1236 : vector<16xf32>
    %add3A_1241 = arith.addf %add3A_1239, %mul3A_1240 : vector<16xf32>
    %mul3A_1242 = arith.constant 3.000000e+00 : f32
    %mul3A_1243 = vector.broadcast %mul3A_1242 : f32 to vector<16xf32>
    %mul3A_1244 = arith.mulf %mul3A_1243, %add3A_1241 : vector<16xf32>
    %min3A_1245 = arith.constant 3.000000e+38 : f32
    %min3A_1246 = vector.broadcast %min3A_1245 : f32 to vector<16xf32>
    %min3A_1247 = arith.minimumf %mul3A_1244, %min3A_1246 : vector<16xf32>
    %bitcast_convert_type3A_1248 = tpu.bitcast %min3A_1247 : vector<16xf32> -> vector<16xi32>
    %shift_right_arithmetic3A_1249 = arith.constant 1 : i32
    %shift_right_arithmetic3A_1250 = vector.broadcast %shift_right_arithmetic3A_1249 : i32 to vector<16xi32>
    %shift_right_arithmetic3A_1251 = arith.shrsi %bitcast_convert_type3A_1248, %shift_right_arithmetic3A_1250 : vector<16xi32>
    %sub3A_1252 = arith.constant 1597463007 : i32
    %sub3A_1253 = vector.broadcast %sub3A_1252 : i32 to vector<16xi32>
    %sub3A_1254 = arith.subi %sub3A_1253, %shift_right_arithmetic3A_1251 : vector<16xi32>
    %bitcast_convert_type3A_1255 = tpu.bitcast %sub3A_1254 : vector<16xi32> -> vector<16xf32>
    %mul3A_1256 = arith.constant 5.000000e-01 : f32
    %mul3A_1257 = vector.broadcast %mul3A_1256 : f32 to vector<16xf32>
    %mul3A_1258 = arith.mulf %mul3A_1257, %min3A_1247 : vector<16xf32>
    %mul3A_1259 = arith.mulf %mul3A_1258, %bitcast_convert_type3A_1255 : vector<16xf32>
    %mul3A_1260 = arith.mulf %mul3A_1259, %bitcast_convert_type3A_1255 : vector<16xf32>
    %sub3A_1261 = arith.constant 1.500000e+00 : f32
    %sub3A_1262 = vector.broadcast %sub3A_1261 : f32 to vector<16xf32>
    %sub3A_1263 = arith.subf %sub3A_1262, %mul3A_1260 : vector<16xf32>
    %mul3A_1264 = arith.mulf %bitcast_convert_type3A_1255, %sub3A_1263 : vector<16xf32>
    %mul3A_1265 = arith.constant 5.000000e-01 : f32
    %mul3A_1266 = vector.broadcast %mul3A_1265 : f32 to vector<16xf32>
    %mul3A_1267 = arith.mulf %mul3A_1266, %min3A_1247 : vector<16xf32>
    %mul3A_1268 = arith.mulf %mul3A_1267, %mul3A_1264 : vector<16xf32>
    %mul3A_1269 = arith.mulf %mul3A_1268, %mul3A_1264 : vector<16xf32>
    %sub3A_1270 = arith.constant 1.500000e+00 : f32
    %sub3A_1271 = vector.broadcast %sub3A_1270 : f32 to vector<16xf32>
    %sub3A_1272 = arith.subf %sub3A_1271, %mul3A_1269 : vector<16xf32>
    %mul3A_1273 = arith.mulf %mul3A_1264, %sub3A_1272 : vector<16xf32>
    %mul3A_1274 = arith.constant 5.000000e-01 : f32
    %mul3A_1275 = vector.broadcast %mul3A_1274 : f32 to vector<16xf32>
    %mul3A_1276 = arith.mulf %mul3A_1275, %min3A_1247 : vector<16xf32>
    %mul3A_1277 = arith.mulf %mul3A_1276, %mul3A_1273 : vector<16xf32>
    %mul3A_1278 = arith.mulf %mul3A_1277, %mul3A_1273 : vector<16xf32>
    %sub3A_1279 = arith.constant 1.500000e+00 : f32
    %sub3A_1280 = vector.broadcast %sub3A_1279 : f32 to vector<16xf32>
    %sub3A_1281 = arith.subf %sub3A_1280, %mul3A_1278 : vector<16xf32>
    %mul3A_1282 = arith.mulf %mul3A_1273, %sub3A_1281 : vector<16xf32>
    %mul3A_1283 = arith.mulf %min3A_1247, %mul3A_1282 : vector<16xf32>
    %neg3A_1284 = arith.constant 0.000000e+00 : f32
    %neg3A_1285 = vector.broadcast %neg3A_1284 : f32 to vector<16xf32>
    %neg3A_1286 = arith.subf %neg3A_1285, %mul3A_1283 : vector<16xf32>
    %exp3A_1287 = math.exp %neg3A_1286 : vector<16xf32>
    %add3A_1288 = arith.constant 1.000000e+00 : f32
    %add3A_1289 = vector.broadcast %add3A_1288 : f32 to vector<16xf32>
    %add3A_1290 = arith.addf %add3A_1289, %exp3A_1287 : vector<16xf32>
    %div3A_1291 = arith.constant 1.000000e+00 : f32
    %div3A_1292 = vector.broadcast %div3A_1291 : f32 to vector<16xf32>
    %div3A_1293 = arith.divf %div3A_1292, %add3A_1290 : vector<16xf32>
    %swap3A_1294 = arith.constant 208 : index
    %swap3A_1295 = tpu.vector_load %arg9[%swap3A_1294] {strides = array<i32>} : memref<512xf32, #tpu.memory_space<vmem>>, vector<16xf32>,
    tpu.vector_store %arg9[%swap3A_1294], %div3A_1293 {strides = array<i32>} : memref<512xf32, #tpu.memory_space<vmem>>, vector<16xf32>,
    %get3A_1296 = arith.constant 0 : i32
    %get3A_1297 = arith.constant 1 : i32
    %get3A_1298 = arith.index_cast %get3A_1296 : i32 to index
    %get3A_1299 = arith.index_cast %get3A_1297 : i32 to index
    %get3A_1300 = arith.constant 96 : index
    %get3A_1301 = tpu.vector_load %arg8[%get3A_1298, %get3A_1299, %get3A_1300] {strides = array<i32>} : memref<3x4x128xf32, #tpu.memory_space<vmem>>, vector<16xf32>,
    %get3A_1302 = arith.constant 1 : i32
    %get3A_1303 = arith.constant 1 : i32
    %get3A_1304 = arith.index_cast %get3A_1302 : i32 to index
    %get3A_1305 = arith.index_cast %get3A_1303 : i32 to index
    %get3A_1306 = arith.constant 96 : index
    %get3A_1307 = tpu.vector_load %arg8[%get3A_1304, %get3A_1305, %get3A_1306] {strides = array<i32>} : memref<3x4x128xf32, #tpu.memory_space<vmem>>, vector<16xf32>,
    %get3A_1308 = arith.constant 2 : i32
    %get3A_1309 = arith.constant 1 : i32
    %get3A_1310 = arith.index_cast %get3A_1308 : i32 to index
    %get3A_1311 = arith.index_cast %get3A_1309 : i32 to index
    %get3A_1312 = arith.constant 96 : index
    %get3A_1313 = tpu.vector_load %arg8[%get3A_1310, %get3A_1311, %get3A_1312] {strides = array<i32>} : memref<3x4x128xf32, #tpu.memory_space<vmem>>, vector<16xf32>,
    %mul3A_1314 = arith.mulf %get3A_1301, %get3A_1301 : vector<16xf32>
    %mul3A_1315 = arith.mulf %get3A_1307, %get3A_1307 : vector<16xf32>
    %add3A_1316 = arith.addf %mul3A_1314, %mul3A_1315 : vector<16xf32>
    %mul3A_1317 = arith.mulf %get3A_1313, %get3A_1313 : vector<16xf32>
    %add3A_1318 = arith.addf %add3A_1316, %mul3A_1317 : vector<16xf32>
    %mul3A_1319 = arith.constant 3.000000e+00 : f32
    %mul3A_1320 = vector.broadcast %mul3A_1319 : f32 to vector<16xf32>
    %mul3A_1321 = arith.mulf %mul3A_1320, %add3A_1318 : vector<16xf32>
    %min3A_1322 = arith.constant 3.000000e+38 : f32
    %min3A_1323 = vector.broadcast %min3A_1322 : f32 to vector<16xf32>
    %min3A_1324 = arith.minimumf %mul3A_1321, %min3A_1323 : vector<16xf32>
    %bitcast_convert_type3A_1325 = tpu.bitcast %min3A_1324 : vector<16xf32> -> vector<16xi32>
    %shift_right_arithmetic3A_1326 = arith.constant 1 : i32
    %shift_right_arithmetic3A_1327 = vector.broadcast %shift_right_arithmetic3A_1326 : i32 to vector<16xi32>
    %shift_right_arithmetic3A_1328 = arith.shrsi %bitcast_convert_type3A_1325, %shift_right_arithmetic3A_1327 : vector<16xi32>
    %sub3A_1329 = arith.constant 1597463007 : i32
    %sub3A_1330 = vector.broadcast %sub3A_1329 : i32 to vector<16xi32>
    %sub3A_1331 = arith.subi %sub3A_1330, %shift_right_arithmetic3A_1328 : vector<16xi32>
    %bitcast_convert_type3A_1332 = tpu.bitcast %sub3A_1331 : vector<16xi32> -> vector<16xf32>
    %mul3A_1333 = arith.constant 5.000000e-01 : f32
    %mul3A_1334 = vector.broadcast %mul3A_1333 : f32 to vector<16xf32>
    %mul3A_1335 = arith.mulf %mul3A_1334, %min3A_1324 : vector<16xf32>
    %mul3A_1336 = arith.mulf %mul3A_1335, %bitcast_convert_type3A_1332 : vector<16xf32>
    %mul3A_1337 = arith.mulf %mul3A_1336, %bitcast_convert_type3A_1332 : vector<16xf32>
    %sub3A_1338 = arith.constant 1.500000e+00 : f32
    %sub3A_1339 = vector.broadcast %sub3A_1338 : f32 to vector<16xf32>
    %sub3A_1340 = arith.subf %sub3A_1339, %mul3A_1337 : vector<16xf32>
    %mul3A_1341 = arith.mulf %bitcast_convert_type3A_1332, %sub3A_1340 : vector<16xf32>
    %mul3A_1342 = arith.constant 5.000000e-01 : f32
    %mul3A_1343 = vector.broadcast %mul3A_1342 : f32 to vector<16xf32>
    %mul3A_1344 = arith.mulf %mul3A_1343, %min3A_1324 : vector<16xf32>
    %mul3A_1345 = arith.mulf %mul3A_1344, %mul3A_1341 : vector<16xf32>
    %mul3A_1346 = arith.mulf %mul3A_1345, %mul3A_1341 : vector<16xf32>
    %sub3A_1347 = arith.constant 1.500000e+00 : f32
    %sub3A_1348 = vector.broadcast %sub3A_1347 : f32 to vector<16xf32>
    %sub3A_1349 = arith.subf %sub3A_1348, %mul3A_1346 : vector<16xf32>
    %mul3A_1350 = arith.mulf %mul3A_1341, %sub3A_1349 : vector<16xf32>
    %mul3A_1351 = arith.constant 5.000000e-01 : f32
    %mul3A_1352 = vector.broadcast %mul3A_1351 : f32 to vector<16xf32>
    %mul3A_1353 = arith.mulf %mul3A_1352, %min3A_1324 : vector<16xf32>
    %mul3A_1354 = arith.mulf %mul3A_1353, %mul3A_1350 : vector<16xf32>
    %mul3A_1355 = arith.mulf %mul3A_1354, %mul3A_1350 : vector<16xf32>
    %sub3A_1356 = arith.constant 1.500000e+00 : f32
    %sub3A_1357 = vector.broadcast %sub3A_1356 : f32 to vector<16xf32>
    %sub3A_1358 = arith.subf %sub3A_1357, %mul3A_1355 : vector<16xf32>
    %mul3A_1359 = arith.mulf %mul3A_1350, %sub3A_1358 : vector<16xf32>
    %mul3A_1360 = arith.mulf %min3A_1324, %mul3A_1359 : vector<16xf32>
    %neg3A_1361 = arith.constant 0.000000e+00 : f32
    %neg3A_1362 = vector.broadcast %neg3A_1361 : f32 to vector<16xf32>
    %neg3A_1363 = arith.subf %neg3A_1362, %mul3A_1360 : vector<16xf32>
    %exp3A_1364 = math.exp %neg3A_1363 : vector<16xf32>
    %add3A_1365 = arith.constant 1.000000e+00 : f32
    %add3A_1366 = vector.broadcast %add3A_1365 : f32 to vector<16xf32>
    %add3A_1367 = arith.addf %add3A_1366, %exp3A_1364 : vector<16xf32>
    %div3A_1368 = arith.constant 1.000000e+00 : f32
    %div3A_1369 = vector.broadcast %div3A_1368 : f32 to vector<16xf32>
    %div3A_1370 = arith.divf %div3A_1369, %add3A_1367 : vector<16xf32>
    %swap3A_1371 = arith.constant 224 : index
    %swap3A_1372 = tpu.vector_load %arg9[%swap3A_1371] {strides = array<i32>} : memref<512xf32, #tpu.memory_space<vmem>>, vector<16xf32>,
    tpu.vector_store %arg9[%swap3A_1371], %div3A_1370 {strides = array<i32>} : memref<512xf32, #tpu.memory_space<vmem>>, vector<16xf32>,
    %get3A_1373 = arith.constant 0 : i32
    %get3A_1374 = arith.constant 1 : i32
    %get3A_1375 = arith.index_cast %get3A_1373 : i32 to index
    %get3A_1376 = arith.index_cast %get3A_1374 : i32 to index
    %get3A_1377 = arith.constant 112 : index
    %get3A_1378 = tpu.vector_load %arg8[%get3A_1375, %get3A_1376, %get3A_1377] {strides = array<i32>} : memref<3x4x128xf32, #tpu.memory_space<vmem>>, vector<16xf32>,
    %get3A_1379 = arith.constant 1 : i32
    %get3A_1380 = arith.constant 1 : i32
    %get3A_1381 = arith.index_cast %get3A_1379 : i32 to index
    %get3A_1382 = arith.index_cast %get3A_1380 : i32 to index
    %get3A_1383 = arith.constant 112 : index
    %get3A_1384 = tpu.vector_load %arg8[%get3A_1381, %get3A_1382, %get3A_1383] {strides = array<i32>} : memref<3x4x128xf32, #tpu.memory_space<vmem>>, vector<16xf32>,
    %get3A_1385 = arith.constant 2 : i32
    %get3A_1386 = arith.constant 1 : i32
    %get3A_1387 = arith.index_cast %get3A_1385 : i32 to index
    %get3A_1388 = arith.index_cast %get3A_1386 : i32 to index
    %get3A_1389 = arith.constant 112 : index
    %get3A_1390 = tpu.vector_load %arg8[%get3A_1387, %get3A_1388, %get3A_1389] {strides = array<i32>} : memref<3x4x128xf32, #tpu.memory_space<vmem>>, vector<16xf32>,
    %mul3A_1391 = arith.mulf %get3A_1378, %get3A_1378 : vector<16xf32>
    %mul3A_1392 = arith.mulf %get3A_1384, %get3A_1384 : vector<16xf32>
    %add3A_1393 = arith.addf %mul3A_1391, %mul3A_1392 : vector<16xf32>
    %mul3A_1394 = arith.mulf %get3A_1390, %get3A_1390 : vector<16xf32>
    %add3A_1395 = arith.addf %add3A_1393, %mul3A_1394 : vector<16xf32>
    %mul3A_1396 = arith.constant 3.000000e+00 : f32
    %mul3A_1397 = vector.broadcast %mul3A_1396 : f32 to vector<16xf32>
    %mul3A_1398 = arith.mulf %mul3A_1397, %add3A_1395 : vector<16xf32>
    %min3A_1399 = arith.constant 3.000000e+38 : f32
    %min3A_1400 = vector.broadcast %min3A_1399 : f32 to vector<16xf32>
    %min3A_1401 = arith.minimumf %mul3A_1398, %min3A_1400 : vector<16xf32>
    %bitcast_convert_type3A_1402 = tpu.bitcast %min3A_1401 : vector<16xf32> -> vector<16xi32>
    %shift_right_arithmetic3A_1403 = arith.constant 1 : i32
    %shift_right_arithmetic3A_1404 = vector.broadcast %shift_right_arithmetic3A_1403 : i32 to vector<16xi32>
    %shift_right_arithmetic3A_1405 = arith.shrsi %bitcast_convert_type3A_1402, %shift_right_arithmetic3A_1404 : vector<16xi32>
    %sub3A_1406 = arith.constant 1597463007 : i32
    %sub3A_1407 = vector.broadcast %sub3A_1406 : i32 to vector<16xi32>
    %sub3A_1408 = arith.subi %sub3A_1407, %shift_right_arithmetic3A_1405 : vector<16xi32>
    %bitcast_convert_type3A_1409 = tpu.bitcast %sub3A_1408 : vector<16xi32> -> vector<16xf32>
    %mul3A_1410 = arith.constant 5.000000e-01 : f32
    %mul3A_1411 = vector.broadcast %mul3A_1410 : f32 to vector<16xf32>
    %mul3A_1412 = arith.mulf %mul3A_1411, %min3A_1401 : vector<16xf32>
    %mul3A_1413 = arith.mulf %mul3A_1412, %bitcast_convert_type3A_1409 : vector<16xf32>
    %mul3A_1414 = arith.mulf %mul3A_1413, %bitcast_convert_type3A_1409 : vector<16xf32>
    %sub3A_1415 = arith.constant 1.500000e+00 : f32
    %sub3A_1416 = vector.broadcast %sub3A_1415 : f32 to vector<16xf32>
    %sub3A_1417 = arith.subf %sub3A_1416, %mul3A_1414 : vector<16xf32>
    %mul3A_1418 = arith.mulf %bitcast_convert_type3A_1409, %sub3A_1417 : vector<16xf32>
    %mul3A_1419 = arith.constant 5.000000e-01 : f32
    %mul3A_1420 = vector.broadcast %mul3A_1419 : f32 to vector<16xf32>
    %mul3A_1421 = arith.mulf %mul3A_1420, %min3A_1401 : vector<16xf32>
    %mul3A_1422 = arith.mulf %mul3A_1421, %mul3A_1418 : vector<16xf32>
    %mul3A_1423 = arith.mulf %mul3A_1422, %mul3A_1418 : vector<16xf32>
    %sub3A_1424 = arith.constant 1.500000e+00 : f32
    %sub3A_1425 = vector.broadcast %sub3A_1424 : f32 to vector<16xf32>
    %sub3A_1426 = arith.subf %sub3A_1425, %mul3A_1423 : vector<16xf32>
    %mul3A_1427 = arith.mulf %mul3A_1418, %sub3A_1426 : vector<16xf32>
    %mul3A_1428 = arith.constant 5.000000e-01 : f32
    %mul3A_1429 = vector.broadcast %mul3A_1428 : f32 to vector<16xf32>
    %mul3A_1430 = arith.mulf %mul3A_1429, %min3A_1401 : vector<16xf32>
    %mul3A_1431 = arith.mulf %mul3A_1430, %mul3A_1427 : vector<16xf32>
    %mul3A_1432 = arith.mulf %mul3A_1431, %mul3A_1427 : vector<16xf32>
    %sub3A_1433 = arith.constant 1.500000e+00 : f32
    %sub3A_1434 = vector.broadcast %sub3A_1433 : f32 to vector<16xf32>
    %sub3A_1435 = arith.subf %sub3A_1434, %mul3A_1432 : vector<16xf32>
    %mul3A_1436 = arith.mulf %mul3A_1427, %sub3A_1435 : vector<16xf32>
    %mul3A_1437 = arith.mulf %min3A_1401, %mul3A_1436 : vector<16xf32>
    %neg3A_1438 = arith.constant 0.000000e+00 : f32
    %neg3A_1439 = vector.broadcast %neg3A_1438 : f32 to vector<16xf32>
    %neg3A_1440 = arith.subf %neg3A_1439, %mul3A_1437 : vector<16xf32>
    %exp3A_1441 = math.exp %neg3A_1440 : vector<16xf32>
    %add3A_1442 = arith.constant 1.000000e+00 : f32
    %add3A_1443 = vector.broadcast %add3A_1442 : f32 to vector<16xf32>
    %add3A_1444 = arith.addf %add3A_1443, %exp3A_1441 : vector<16xf32>
    %div3A_1445 = arith.constant 1.000000e+00 : f32
    %div3A_1446 = vector.broadcast %div3A_1445 : f32 to vector<16xf32>
    %div3A_1447 = arith.divf %div3A_1446, %add3A_1444 : vector<16xf32>
    %swap3A_1448 = arith.constant 240 : index
    %swap3A_1449 = tpu.vector_load %arg9[%swap3A_1448] {strides = array<i32>} : memref<512xf32, #tpu.memory_space<vmem>>, vector<16xf32>,
    tpu.vector_store %arg9[%swap3A_1448], %div3A_1447 {strides = array<i32>} : memref<512xf32, #tpu.memory_space<vmem>>, vector<16xf32>,
    %add3A_1450 = arith.constant 128 : i32
    %add3A_1451 = arith.addi %mul3A_2, %add3A_1450 : i32
    %dma_start3A_1452 = arith.constant 128 : i32
    %dma_start3A_1453 = tpu.memref_slice %arg9[%dma_start3A_1452] : memref<512xf32, #tpu.memory_space<vmem>> -> memref<128xf32, #tpu.memory_space<vmem>>
    %dma_start3A_1454 = tpu.memref_slice %arg6[%add3A_1451] : memref<16384xf32, #tpu.memory_space<hbm>> -> memref<128xf32, #tpu.memory_space<hbm>>
    %dma_start3A_1455 = tpu.memref_slice %arg6[%add3A_1451] : memref<16384xf32, #tpu.memory_space<hbm>> -> memref<128xf32, #tpu.memory_space<hbm>>
    %dma_start3A_1456 = arith.constant 128 : i32
    %dma_start3A_1457 = tpu.memref_slice %arg9[%dma_start3A_1456] : memref<512xf32, #tpu.memory_space<vmem>> -> memref<128xf32, #tpu.memory_space<vmem>>
    tpu.enqueue_dma source(%dma_start3A_1457 : memref<128xf32, #tpu.memory_space<vmem>>) target(%dma_start3A_1455 : memref<128xf32, #tpu.memory_space<hbm>>) target_semaphore(%arg14 : memref<!tpu.dma_semaphore, #tpu.memory_space<semaphore_mem>>)
    %dma_wait3A_1458 = arith.constant 0 : i32
    %dma_wait3A_1459 = arith.constant 2 : i32
    %dma_wait3A_1460 = arith.constant 0 : i32
    %dma_wait3A_1461 = tpu.memref_slice %arg8[%dma_wait3A_1458, %dma_wait3A_1459, %dma_wait3A_1460] : memref<3x4x128xf32, #tpu.memory_space<vmem>> -> memref<1x1x128xf32, #tpu.memory_space<vmem>>
    %dma_wait3A_1462 = tpu.memref_squeeze %dma_wait3A_1461 : memref<1x1x128xf32, #tpu.memory_space<vmem>> -> memref<128xf32, #tpu.memory_space<vmem>>
    %dma_wait3A_1463 = arith.constant 256 : i32
    %dma_wait3A_1464 = tpu.memref_slice %arg7[%dma_wait3A_1463] : memref<512xi32, #tpu.memory_space<vmem>> -> memref<128xi32, #tpu.memory_space<vmem>>
    %dma_wait3A_1465 = arith.constant 0 : i32
    %dma_wait3A_1466 = tpu.memref_slice %arg3[%dma_wait3A_1465] : memref<100000xf32, #tpu.memory_space<hbm>> -> memref<100000xf32, #tpu.memory_space<hbm>>
    tpu.wait_indirect_dma semaphore(%arg12 : memref<!tpu.dma_semaphore, #tpu.memory_space<semaphore_mem>>) src(%dma_wait3A_1466 : memref<100000xf32, #tpu.memory_space<hbm>>) dst(%dma_wait3A_1462 : memref<128xf32, #tpu.memory_space<vmem>>)
    %dma_wait3A_1467 = arith.constant 1 : i32
    %dma_wait3A_1468 = arith.constant 2 : i32
    %dma_wait3A_1469 = arith.constant 0 : i32
    %dma_wait3A_1470 = tpu.memref_slice %arg8[%dma_wait3A_1467, %dma_wait3A_1468, %dma_wait3A_1469] : memref<3x4x128xf32, #tpu.memory_space<vmem>> -> memref<1x1x128xf32, #tpu.memory_space<vmem>>
    %dma_wait3A_1471 = tpu.memref_squeeze %dma_wait3A_1470 : memref<1x1x128xf32, #tpu.memory_space<vmem>> -> memref<128xf32, #tpu.memory_space<vmem>>
    %dma_wait3A_1472 = arith.constant 256 : i32
    %dma_wait3A_1473 = tpu.memref_slice %arg7[%dma_wait3A_1472] : memref<512xi32, #tpu.memory_space<vmem>> -> memref<128xi32, #tpu.memory_space<vmem>>
    %dma_wait3A_1474 = arith.constant 0 : i32
    %dma_wait3A_1475 = tpu.memref_slice %arg4[%dma_wait3A_1474] : memref<100000xf32, #tpu.memory_space<hbm>> -> memref<100000xf32, #tpu.memory_space<hbm>>
    tpu.wait_indirect_dma semaphore(%arg12 : memref<!tpu.dma_semaphore, #tpu.memory_space<semaphore_mem>>) src(%dma_wait3A_1475 : memref<100000xf32, #tpu.memory_space<hbm>>) dst(%dma_wait3A_1471 : memref<128xf32, #tpu.memory_space<vmem>>)
    %dma_wait3A_1476 = arith.constant 2 : i32
    %dma_wait3A_1477 = arith.constant 2 : i32
    %dma_wait3A_1478 = arith.constant 0 : i32
    %dma_wait3A_1479 = tpu.memref_slice %arg8[%dma_wait3A_1476, %dma_wait3A_1477, %dma_wait3A_1478] : memref<3x4x128xf32, #tpu.memory_space<vmem>> -> memref<1x1x128xf32, #tpu.memory_space<vmem>>
    %dma_wait3A_1480 = tpu.memref_squeeze %dma_wait3A_1479 : memref<1x1x128xf32, #tpu.memory_space<vmem>> -> memref<128xf32, #tpu.memory_space<vmem>>
    %dma_wait3A_1481 = arith.constant 256 : i32
    %dma_wait3A_1482 = tpu.memref_slice %arg7[%dma_wait3A_1481] : memref<512xi32, #tpu.memory_space<vmem>> -> memref<128xi32, #tpu.memory_space<vmem>>
    %dma_wait3A_1483 = arith.constant 0 : i32
    %dma_wait3A_1484 = tpu.memref_slice %arg5[%dma_wait3A_1483] : memref<100000xf32, #tpu.memory_space<hbm>> -> memref<100000xf32, #tpu.memory_space<hbm>>
    tpu.wait_indirect_dma semaphore(%arg12 : memref<!tpu.dma_semaphore, #tpu.memory_space<semaphore_mem>>) src(%dma_wait3A_1484 : memref<100000xf32, #tpu.memory_space<hbm>>) dst(%dma_wait3A_1480 : memref<128xf32, #tpu.memory_space<vmem>>)
    %get3A_1485 = arith.constant 0 : i32
    %get3A_1486 = arith.constant 2 : i32
    %get3A_1487 = arith.index_cast %get3A_1485 : i32 to index
    %get3A_1488 = arith.index_cast %get3A_1486 : i32 to index
    %get3A_1489 = arith.constant 0 : index
    %get3A_1490 = tpu.vector_load %arg8[%get3A_1487, %get3A_1488, %get3A_1489] {strides = array<i32>} : memref<3x4x128xf32, #tpu.memory_space<vmem>>, vector<16xf32>,
    %get3A_1491 = arith.constant 1 : i32
    %get3A_1492 = arith.constant 2 : i32
    %get3A_1493 = arith.index_cast %get3A_1491 : i32 to index
    %get3A_1494 = arith.index_cast %get3A_1492 : i32 to index
    %get3A_1495 = arith.constant 0 : index
    %get3A_1496 = tpu.vector_load %arg8[%get3A_1493, %get3A_1494, %get3A_1495] {strides = array<i32>} : memref<3x4x128xf32, #tpu.memory_space<vmem>>, vector<16xf32>,
    %get3A_1497 = arith.constant 2 : i32
    %get3A_1498 = arith.constant 2 : i32
    %get3A_1499 = arith.index_cast %get3A_1497 : i32 to index
    %get3A_1500 = arith.index_cast %get3A_1498 : i32 to index
    %get3A_1501 = arith.constant 0 : index
    %get3A_1502 = tpu.vector_load %arg8[%get3A_1499, %get3A_1500, %get3A_1501] {strides = array<i32>} : memref<3x4x128xf32, #tpu.memory_space<vmem>>, vector<16xf32>,
    %mul3A_1503 = arith.mulf %get3A_1490, %get3A_1490 : vector<16xf32>
    %mul3A_1504 = arith.mulf %get3A_1496, %get3A_1496 : vector<16xf32>
    %add3A_1505 = arith.addf %mul3A_1503, %mul3A_1504 : vector<16xf32>
    %mul3A_1506 = arith.mulf %get3A_1502, %get3A_1502 : vector<16xf32>
    %add3A_1507 = arith.addf %add3A_1505, %mul3A_1506 : vector<16xf32>
    %mul3A_1508 = arith.constant 3.000000e+00 : f32
    %mul3A_1509 = vector.broadcast %mul3A_1508 : f32 to vector<16xf32>
    %mul3A_1510 = arith.mulf %mul3A_1509, %add3A_1507 : vector<16xf32>
    %min3A_1511 = arith.constant 3.000000e+38 : f32
    %min3A_1512 = vector.broadcast %min3A_1511 : f32 to vector<16xf32>
    %min3A_1513 = arith.minimumf %mul3A_1510, %min3A_1512 : vector<16xf32>
    %bitcast_convert_type3A_1514 = tpu.bitcast %min3A_1513 : vector<16xf32> -> vector<16xi32>
    %shift_right_arithmetic3A_1515 = arith.constant 1 : i32
    %shift_right_arithmetic3A_1516 = vector.broadcast %shift_right_arithmetic3A_1515 : i32 to vector<16xi32>
    %shift_right_arithmetic3A_1517 = arith.shrsi %bitcast_convert_type3A_1514, %shift_right_arithmetic3A_1516 : vector<16xi32>
    %sub3A_1518 = arith.constant 1597463007 : i32
    %sub3A_1519 = vector.broadcast %sub3A_1518 : i32 to vector<16xi32>
    %sub3A_1520 = arith.subi %sub3A_1519, %shift_right_arithmetic3A_1517 : vector<16xi32>
    %bitcast_convert_type3A_1521 = tpu.bitcast %sub3A_1520 : vector<16xi32> -> vector<16xf32>
    %mul3A_1522 = arith.constant 5.000000e-01 : f32
    %mul3A_1523 = vector.broadcast %mul3A_1522 : f32 to vector<16xf32>
    %mul3A_1524 = arith.mulf %mul3A_1523, %min3A_1513 : vector<16xf32>
    %mul3A_1525 = arith.mulf %mul3A_1524, %bitcast_convert_type3A_1521 : vector<16xf32>
    %mul3A_1526 = arith.mulf %mul3A_1525, %bitcast_convert_type3A_1521 : vector<16xf32>
    %sub3A_1527 = arith.constant 1.500000e+00 : f32
    %sub3A_1528 = vector.broadcast %sub3A_1527 : f32 to vector<16xf32>
    %sub3A_1529 = arith.subf %sub3A_1528, %mul3A_1526 : vector<16xf32>
    %mul3A_1530 = arith.mulf %bitcast_convert_type3A_1521, %sub3A_1529 : vector<16xf32>
    %mul3A_1531 = arith.constant 5.000000e-01 : f32
    %mul3A_1532 = vector.broadcast %mul3A_1531 : f32 to vector<16xf32>
    %mul3A_1533 = arith.mulf %mul3A_1532, %min3A_1513 : vector<16xf32>
    %mul3A_1534 = arith.mulf %mul3A_1533, %mul3A_1530 : vector<16xf32>
    %mul3A_1535 = arith.mulf %mul3A_1534, %mul3A_1530 : vector<16xf32>
    %sub3A_1536 = arith.constant 1.500000e+00 : f32
    %sub3A_1537 = vector.broadcast %sub3A_1536 : f32 to vector<16xf32>
    %sub3A_1538 = arith.subf %sub3A_1537, %mul3A_1535 : vector<16xf32>
    %mul3A_1539 = arith.mulf %mul3A_1530, %sub3A_1538 : vector<16xf32>
    %mul3A_1540 = arith.constant 5.000000e-01 : f32
    %mul3A_1541 = vector.broadcast %mul3A_1540 : f32 to vector<16xf32>
    %mul3A_1542 = arith.mulf %mul3A_1541, %min3A_1513 : vector<16xf32>
    %mul3A_1543 = arith.mulf %mul3A_1542, %mul3A_1539 : vector<16xf32>
    %mul3A_1544 = arith.mulf %mul3A_1543, %mul3A_1539 : vector<16xf32>
    %sub3A_1545 = arith.constant 1.500000e+00 : f32
    %sub3A_1546 = vector.broadcast %sub3A_1545 : f32 to vector<16xf32>
    %sub3A_1547 = arith.subf %sub3A_1546, %mul3A_1544 : vector<16xf32>
    %mul3A_1548 = arith.mulf %mul3A_1539, %sub3A_1547 : vector<16xf32>
    %mul3A_1549 = arith.mulf %min3A_1513, %mul3A_1548 : vector<16xf32>
    %neg3A_1550 = arith.constant 0.000000e+00 : f32
    %neg3A_1551 = vector.broadcast %neg3A_1550 : f32 to vector<16xf32>
    %neg3A_1552 = arith.subf %neg3A_1551, %mul3A_1549 : vector<16xf32>
    %exp3A_1553 = math.exp %neg3A_1552 : vector<16xf32>
    %add3A_1554 = arith.constant 1.000000e+00 : f32
    %add3A_1555 = vector.broadcast %add3A_1554 : f32 to vector<16xf32>
    %add3A_1556 = arith.addf %add3A_1555, %exp3A_1553 : vector<16xf32>
    %div3A_1557 = arith.constant 1.000000e+00 : f32
    %div3A_1558 = vector.broadcast %div3A_1557 : f32 to vector<16xf32>
    %div3A_1559 = arith.divf %div3A_1558, %add3A_1556 : vector<16xf32>
    %swap3A_1560 = arith.constant 256 : index
    %swap3A_1561 = tpu.vector_load %arg9[%swap3A_1560] {strides = array<i32>} : memref<512xf32, #tpu.memory_space<vmem>>, vector<16xf32>,
    tpu.vector_store %arg9[%swap3A_1560], %div3A_1559 {strides = array<i32>} : memref<512xf32, #tpu.memory_space<vmem>>, vector<16xf32>,
    %get3A_1562 = arith.constant 0 : i32
    %get3A_1563 = arith.constant 2 : i32
    %get3A_1564 = arith.index_cast %get3A_1562 : i32 to index
    %get3A_1565 = arith.index_cast %get3A_1563 : i32 to index
    %get3A_1566 = arith.constant 16 : index
    %get3A_1567 = tpu.vector_load %arg8[%get3A_1564, %get3A_1565, %get3A_1566] {strides = array<i32>} : memref<3x4x128xf32, #tpu.memory_space<vmem>>, vector<16xf32>,
    %get3A_1568 = arith.constant 1 : i32
    %get3A_1569 = arith.constant 2 : i32
    %get3A_1570 = arith.index_cast %get3A_1568 : i32 to index
    %get3A_1571 = arith.index_cast %get3A_1569 : i32 to index
    %get3A_1572 = arith.constant 16 : index
    %get3A_1573 = tpu.vector_load %arg8[%get3A_1570, %get3A_1571, %get3A_1572] {strides = array<i32>} : memref<3x4x128xf32, #tpu.memory_space<vmem>>, vector<16xf32>,
    %get3A_1574 = arith.constant 2 : i32
    %get3A_1575 = arith.constant 2 : i32
    %get3A_1576 = arith.index_cast %get3A_1574 : i32 to index
    %get3A_1577 = arith.index_cast %get3A_1575 : i32 to index
    %get3A_1578 = arith.constant 16 : index
    %get3A_1579 = tpu.vector_load %arg8[%get3A_1576, %get3A_1577, %get3A_1578] {strides = array<i32>} : memref<3x4x128xf32, #tpu.memory_space<vmem>>, vector<16xf32>,
    %mul3A_1580 = arith.mulf %get3A_1567, %get3A_1567 : vector<16xf32>
    %mul3A_1581 = arith.mulf %get3A_1573, %get3A_1573 : vector<16xf32>
    %add3A_1582 = arith.addf %mul3A_1580, %mul3A_1581 : vector<16xf32>
    %mul3A_1583 = arith.mulf %get3A_1579, %get3A_1579 : vector<16xf32>
    %add3A_1584 = arith.addf %add3A_1582, %mul3A_1583 : vector<16xf32>
    %mul3A_1585 = arith.constant 3.000000e+00 : f32
    %mul3A_1586 = vector.broadcast %mul3A_1585 : f32 to vector<16xf32>
    %mul3A_1587 = arith.mulf %mul3A_1586, %add3A_1584 : vector<16xf32>
    %min3A_1588 = arith.constant 3.000000e+38 : f32
    %min3A_1589 = vector.broadcast %min3A_1588 : f32 to vector<16xf32>
    %min3A_1590 = arith.minimumf %mul3A_1587, %min3A_1589 : vector<16xf32>
    %bitcast_convert_type3A_1591 = tpu.bitcast %min3A_1590 : vector<16xf32> -> vector<16xi32>
    %shift_right_arithmetic3A_1592 = arith.constant 1 : i32
    %shift_right_arithmetic3A_1593 = vector.broadcast %shift_right_arithmetic3A_1592 : i32 to vector<16xi32>
    %shift_right_arithmetic3A_1594 = arith.shrsi %bitcast_convert_type3A_1591, %shift_right_arithmetic3A_1593 : vector<16xi32>
    %sub3A_1595 = arith.constant 1597463007 : i32
    %sub3A_1596 = vector.broadcast %sub3A_1595 : i32 to vector<16xi32>
    %sub3A_1597 = arith.subi %sub3A_1596, %shift_right_arithmetic3A_1594 : vector<16xi32>
    %bitcast_convert_type3A_1598 = tpu.bitcast %sub3A_1597 : vector<16xi32> -> vector<16xf32>
    %mul3A_1599 = arith.constant 5.000000e-01 : f32
    %mul3A_1600 = vector.broadcast %mul3A_1599 : f32 to vector<16xf32>
    %mul3A_1601 = arith.mulf %mul3A_1600, %min3A_1590 : vector<16xf32>
    %mul3A_1602 = arith.mulf %mul3A_1601, %bitcast_convert_type3A_1598 : vector<16xf32>
    %mul3A_1603 = arith.mulf %mul3A_1602, %bitcast_convert_type3A_1598 : vector<16xf32>
    %sub3A_1604 = arith.constant 1.500000e+00 : f32
    %sub3A_1605 = vector.broadcast %sub3A_1604 : f32 to vector<16xf32>
    %sub3A_1606 = arith.subf %sub3A_1605, %mul3A_1603 : vector<16xf32>
    %mul3A_1607 = arith.mulf %bitcast_convert_type3A_1598, %sub3A_1606 : vector<16xf32>
    %mul3A_1608 = arith.constant 5.000000e-01 : f32
    %mul3A_1609 = vector.broadcast %mul3A_1608 : f32 to vector<16xf32>
    %mul3A_1610 = arith.mulf %mul3A_1609, %min3A_1590 : vector<16xf32>
    %mul3A_1611 = arith.mulf %mul3A_1610, %mul3A_1607 : vector<16xf32>
    %mul3A_1612 = arith.mulf %mul3A_1611, %mul3A_1607 : vector<16xf32>
    %sub3A_1613 = arith.constant 1.500000e+00 : f32
    %sub3A_1614 = vector.broadcast %sub3A_1613 : f32 to vector<16xf32>
    %sub3A_1615 = arith.subf %sub3A_1614, %mul3A_1612 : vector<16xf32>
    %mul3A_1616 = arith.mulf %mul3A_1607, %sub3A_1615 : vector<16xf32>
    %mul3A_1617 = arith.constant 5.000000e-01 : f32
    %mul3A_1618 = vector.broadcast %mul3A_1617 : f32 to vector<16xf32>
    %mul3A_1619 = arith.mulf %mul3A_1618, %min3A_1590 : vector<16xf32>
    %mul3A_1620 = arith.mulf %mul3A_1619, %mul3A_1616 : vector<16xf32>
    %mul3A_1621 = arith.mulf %mul3A_1620, %mul3A_1616 : vector<16xf32>
    %sub3A_1622 = arith.constant 1.500000e+00 : f32
    %sub3A_1623 = vector.broadcast %sub3A_1622 : f32 to vector<16xf32>
    %sub3A_1624 = arith.subf %sub3A_1623, %mul3A_1621 : vector<16xf32>
    %mul3A_1625 = arith.mulf %mul3A_1616, %sub3A_1624 : vector<16xf32>
    %mul3A_1626 = arith.mulf %min3A_1590, %mul3A_1625 : vector<16xf32>
    %neg3A_1627 = arith.constant 0.000000e+00 : f32
    %neg3A_1628 = vector.broadcast %neg3A_1627 : f32 to vector<16xf32>
    %neg3A_1629 = arith.subf %neg3A_1628, %mul3A_1626 : vector<16xf32>
    %exp3A_1630 = math.exp %neg3A_1629 : vector<16xf32>
    %add3A_1631 = arith.constant 1.000000e+00 : f32
    %add3A_1632 = vector.broadcast %add3A_1631 : f32 to vector<16xf32>
    %add3A_1633 = arith.addf %add3A_1632, %exp3A_1630 : vector<16xf32>
    %div3A_1634 = arith.constant 1.000000e+00 : f32
    %div3A_1635 = vector.broadcast %div3A_1634 : f32 to vector<16xf32>
    %div3A_1636 = arith.divf %div3A_1635, %add3A_1633 : vector<16xf32>
    %swap3A_1637 = arith.constant 272 : index
    %swap3A_1638 = tpu.vector_load %arg9[%swap3A_1637] {strides = array<i32>} : memref<512xf32, #tpu.memory_space<vmem>>, vector<16xf32>,
    tpu.vector_store %arg9[%swap3A_1637], %div3A_1636 {strides = array<i32>} : memref<512xf32, #tpu.memory_space<vmem>>, vector<16xf32>,
    %get3A_1639 = arith.constant 0 : i32
    %get3A_1640 = arith.constant 2 : i32
    %get3A_1641 = arith.index_cast %get3A_1639 : i32 to index
    %get3A_1642 = arith.index_cast %get3A_1640 : i32 to index
    %get3A_1643 = arith.constant 32 : index
    %get3A_1644 = tpu.vector_load %arg8[%get3A_1641, %get3A_1642, %get3A_1643] {strides = array<i32>} : memref<3x4x128xf32, #tpu.memory_space<vmem>>, vector<16xf32>,
    %get3A_1645 = arith.constant 1 : i32
    %get3A_1646 = arith.constant 2 : i32
    %get3A_1647 = arith.index_cast %get3A_1645 : i32 to index
    %get3A_1648 = arith.index_cast %get3A_1646 : i32 to index
    %get3A_1649 = arith.constant 32 : index
    %get3A_1650 = tpu.vector_load %arg8[%get3A_1647, %get3A_1648, %get3A_1649] {strides = array<i32>} : memref<3x4x128xf32, #tpu.memory_space<vmem>>, vector<16xf32>,
    %get3A_1651 = arith.constant 2 : i32
    %get3A_1652 = arith.constant 2 : i32
    %get3A_1653 = arith.index_cast %get3A_1651 : i32 to index
    %get3A_1654 = arith.index_cast %get3A_1652 : i32 to index
    %get3A_1655 = arith.constant 32 : index
    %get3A_1656 = tpu.vector_load %arg8[%get3A_1653, %get3A_1654, %get3A_1655] {strides = array<i32>} : memref<3x4x128xf32, #tpu.memory_space<vmem>>, vector<16xf32>,
    %mul3A_1657 = arith.mulf %get3A_1644, %get3A_1644 : vector<16xf32>
    %mul3A_1658 = arith.mulf %get3A_1650, %get3A_1650 : vector<16xf32>
    %add3A_1659 = arith.addf %mul3A_1657, %mul3A_1658 : vector<16xf32>
    %mul3A_1660 = arith.mulf %get3A_1656, %get3A_1656 : vector<16xf32>
    %add3A_1661 = arith.addf %add3A_1659, %mul3A_1660 : vector<16xf32>
    %mul3A_1662 = arith.constant 3.000000e+00 : f32
    %mul3A_1663 = vector.broadcast %mul3A_1662 : f32 to vector<16xf32>
    %mul3A_1664 = arith.mulf %mul3A_1663, %add3A_1661 : vector<16xf32>
    %min3A_1665 = arith.constant 3.000000e+38 : f32
    %min3A_1666 = vector.broadcast %min3A_1665 : f32 to vector<16xf32>
    %min3A_1667 = arith.minimumf %mul3A_1664, %min3A_1666 : vector<16xf32>
    %bitcast_convert_type3A_1668 = tpu.bitcast %min3A_1667 : vector<16xf32> -> vector<16xi32>
    %shift_right_arithmetic3A_1669 = arith.constant 1 : i32
    %shift_right_arithmetic3A_1670 = vector.broadcast %shift_right_arithmetic3A_1669 : i32 to vector<16xi32>
    %shift_right_arithmetic3A_1671 = arith.shrsi %bitcast_convert_type3A_1668, %shift_right_arithmetic3A_1670 : vector<16xi32>
    %sub3A_1672 = arith.constant 1597463007 : i32
    %sub3A_1673 = vector.broadcast %sub3A_1672 : i32 to vector<16xi32>
    %sub3A_1674 = arith.subi %sub3A_1673, %shift_right_arithmetic3A_1671 : vector<16xi32>
    %bitcast_convert_type3A_1675 = tpu.bitcast %sub3A_1674 : vector<16xi32> -> vector<16xf32>
    %mul3A_1676 = arith.constant 5.000000e-01 : f32
    %mul3A_1677 = vector.broadcast %mul3A_1676 : f32 to vector<16xf32>
    %mul3A_1678 = arith.mulf %mul3A_1677, %min3A_1667 : vector<16xf32>
    %mul3A_1679 = arith.mulf %mul3A_1678, %bitcast_convert_type3A_1675 : vector<16xf32>
    %mul3A_1680 = arith.mulf %mul3A_1679, %bitcast_convert_type3A_1675 : vector<16xf32>
    %sub3A_1681 = arith.constant 1.500000e+00 : f32
    %sub3A_1682 = vector.broadcast %sub3A_1681 : f32 to vector<16xf32>
    %sub3A_1683 = arith.subf %sub3A_1682, %mul3A_1680 : vector<16xf32>
    %mul3A_1684 = arith.mulf %bitcast_convert_type3A_1675, %sub3A_1683 : vector<16xf32>
    %mul3A_1685 = arith.constant 5.000000e-01 : f32
    %mul3A_1686 = vector.broadcast %mul3A_1685 : f32 to vector<16xf32>
    %mul3A_1687 = arith.mulf %mul3A_1686, %min3A_1667 : vector<16xf32>
    %mul3A_1688 = arith.mulf %mul3A_1687, %mul3A_1684 : vector<16xf32>
    %mul3A_1689 = arith.mulf %mul3A_1688, %mul3A_1684 : vector<16xf32>
    %sub3A_1690 = arith.constant 1.500000e+00 : f32
    %sub3A_1691 = vector.broadcast %sub3A_1690 : f32 to vector<16xf32>
    %sub3A_1692 = arith.subf %sub3A_1691, %mul3A_1689 : vector<16xf32>
    %mul3A_1693 = arith.mulf %mul3A_1684, %sub3A_1692 : vector<16xf32>
    %mul3A_1694 = arith.constant 5.000000e-01 : f32
    %mul3A_1695 = vector.broadcast %mul3A_1694 : f32 to vector<16xf32>
    %mul3A_1696 = arith.mulf %mul3A_1695, %min3A_1667 : vector<16xf32>
    %mul3A_1697 = arith.mulf %mul3A_1696, %mul3A_1693 : vector<16xf32>
    %mul3A_1698 = arith.mulf %mul3A_1697, %mul3A_1693 : vector<16xf32>
    %sub3A_1699 = arith.constant 1.500000e+00 : f32
    %sub3A_1700 = vector.broadcast %sub3A_1699 : f32 to vector<16xf32>
    %sub3A_1701 = arith.subf %sub3A_1700, %mul3A_1698 : vector<16xf32>
    %mul3A_1702 = arith.mulf %mul3A_1693, %sub3A_1701 : vector<16xf32>
    %mul3A_1703 = arith.mulf %min3A_1667, %mul3A_1702 : vector<16xf32>
    %neg3A_1704 = arith.constant 0.000000e+00 : f32
    %neg3A_1705 = vector.broadcast %neg3A_1704 : f32 to vector<16xf32>
    %neg3A_1706 = arith.subf %neg3A_1705, %mul3A_1703 : vector<16xf32>
    %exp3A_1707 = math.exp %neg3A_1706 : vector<16xf32>
    %add3A_1708 = arith.constant 1.000000e+00 : f32
    %add3A_1709 = vector.broadcast %add3A_1708 : f32 to vector<16xf32>
    %add3A_1710 = arith.addf %add3A_1709, %exp3A_1707 : vector<16xf32>
    %div3A_1711 = arith.constant 1.000000e+00 : f32
    %div3A_1712 = vector.broadcast %div3A_1711 : f32 to vector<16xf32>
    %div3A_1713 = arith.divf %div3A_1712, %add3A_1710 : vector<16xf32>
    %swap3A_1714 = arith.constant 288 : index
    %swap3A_1715 = tpu.vector_load %arg9[%swap3A_1714] {strides = array<i32>} : memref<512xf32, #tpu.memory_space<vmem>>, vector<16xf32>,
    tpu.vector_store %arg9[%swap3A_1714], %div3A_1713 {strides = array<i32>} : memref<512xf32, #tpu.memory_space<vmem>>, vector<16xf32>,
    %get3A_1716 = arith.constant 0 : i32
    %get3A_1717 = arith.constant 2 : i32
    %get3A_1718 = arith.index_cast %get3A_1716 : i32 to index
    %get3A_1719 = arith.index_cast %get3A_1717 : i32 to index
    %get3A_1720 = arith.constant 48 : index
    %get3A_1721 = tpu.vector_load %arg8[%get3A_1718, %get3A_1719, %get3A_1720] {strides = array<i32>} : memref<3x4x128xf32, #tpu.memory_space<vmem>>, vector<16xf32>,
    %get3A_1722 = arith.constant 1 : i32
    %get3A_1723 = arith.constant 2 : i32
    %get3A_1724 = arith.index_cast %get3A_1722 : i32 to index
    %get3A_1725 = arith.index_cast %get3A_1723 : i32 to index
    %get3A_1726 = arith.constant 48 : index
    %get3A_1727 = tpu.vector_load %arg8[%get3A_1724, %get3A_1725, %get3A_1726] {strides = array<i32>} : memref<3x4x128xf32, #tpu.memory_space<vmem>>, vector<16xf32>,
    %get3A_1728 = arith.constant 2 : i32
    %get3A_1729 = arith.constant 2 : i32
    %get3A_1730 = arith.index_cast %get3A_1728 : i32 to index
    %get3A_1731 = arith.index_cast %get3A_1729 : i32 to index
    %get3A_1732 = arith.constant 48 : index
    %get3A_1733 = tpu.vector_load %arg8[%get3A_1730, %get3A_1731, %get3A_1732] {strides = array<i32>} : memref<3x4x128xf32, #tpu.memory_space<vmem>>, vector<16xf32>,
    %mul3A_1734 = arith.mulf %get3A_1721, %get3A_1721 : vector<16xf32>
    %mul3A_1735 = arith.mulf %get3A_1727, %get3A_1727 : vector<16xf32>
    %add3A_1736 = arith.addf %mul3A_1734, %mul3A_1735 : vector<16xf32>
    %mul3A_1737 = arith.mulf %get3A_1733, %get3A_1733 : vector<16xf32>
    %add3A_1738 = arith.addf %add3A_1736, %mul3A_1737 : vector<16xf32>
    %mul3A_1739 = arith.constant 3.000000e+00 : f32
    %mul3A_1740 = vector.broadcast %mul3A_1739 : f32 to vector<16xf32>
    %mul3A_1741 = arith.mulf %mul3A_1740, %add3A_1738 : vector<16xf32>
    %min3A_1742 = arith.constant 3.000000e+38 : f32
    %min3A_1743 = vector.broadcast %min3A_1742 : f32 to vector<16xf32>
    %min3A_1744 = arith.minimumf %mul3A_1741, %min3A_1743 : vector<16xf32>
    %bitcast_convert_type3A_1745 = tpu.bitcast %min3A_1744 : vector<16xf32> -> vector<16xi32>
    %shift_right_arithmetic3A_1746 = arith.constant 1 : i32
    %shift_right_arithmetic3A_1747 = vector.broadcast %shift_right_arithmetic3A_1746 : i32 to vector<16xi32>
    %shift_right_arithmetic3A_1748 = arith.shrsi %bitcast_convert_type3A_1745, %shift_right_arithmetic3A_1747 : vector<16xi32>
    %sub3A_1749 = arith.constant 1597463007 : i32
    %sub3A_1750 = vector.broadcast %sub3A_1749 : i32 to vector<16xi32>
    %sub3A_1751 = arith.subi %sub3A_1750, %shift_right_arithmetic3A_1748 : vector<16xi32>
    %bitcast_convert_type3A_1752 = tpu.bitcast %sub3A_1751 : vector<16xi32> -> vector<16xf32>
    %mul3A_1753 = arith.constant 5.000000e-01 : f32
    %mul3A_1754 = vector.broadcast %mul3A_1753 : f32 to vector<16xf32>
    %mul3A_1755 = arith.mulf %mul3A_1754, %min3A_1744 : vector<16xf32>
    %mul3A_1756 = arith.mulf %mul3A_1755, %bitcast_convert_type3A_1752 : vector<16xf32>
    %mul3A_1757 = arith.mulf %mul3A_1756, %bitcast_convert_type3A_1752 : vector<16xf32>
    %sub3A_1758 = arith.constant 1.500000e+00 : f32
    %sub3A_1759 = vector.broadcast %sub3A_1758 : f32 to vector<16xf32>
    %sub3A_1760 = arith.subf %sub3A_1759, %mul3A_1757 : vector<16xf32>
    %mul3A_1761 = arith.mulf %bitcast_convert_type3A_1752, %sub3A_1760 : vector<16xf32>
    %mul3A_1762 = arith.constant 5.000000e-01 : f32
    %mul3A_1763 = vector.broadcast %mul3A_1762 : f32 to vector<16xf32>
    %mul3A_1764 = arith.mulf %mul3A_1763, %min3A_1744 : vector<16xf32>
    %mul3A_1765 = arith.mulf %mul3A_1764, %mul3A_1761 : vector<16xf32>
    %mul3A_1766 = arith.mulf %mul3A_1765, %mul3A_1761 : vector<16xf32>
    %sub3A_1767 = arith.constant 1.500000e+00 : f32
    %sub3A_1768 = vector.broadcast %sub3A_1767 : f32 to vector<16xf32>
    %sub3A_1769 = arith.subf %sub3A_1768, %mul3A_1766 : vector<16xf32>
    %mul3A_1770 = arith.mulf %mul3A_1761, %sub3A_1769 : vector<16xf32>
    %mul3A_1771 = arith.constant 5.000000e-01 : f32
    %mul3A_1772 = vector.broadcast %mul3A_1771 : f32 to vector<16xf32>
    %mul3A_1773 = arith.mulf %mul3A_1772, %min3A_1744 : vector<16xf32>
    %mul3A_1774 = arith.mulf %mul3A_1773, %mul3A_1770 : vector<16xf32>
    %mul3A_1775 = arith.mulf %mul3A_1774, %mul3A_1770 : vector<16xf32>
    %sub3A_1776 = arith.constant 1.500000e+00 : f32
    %sub3A_1777 = vector.broadcast %sub3A_1776 : f32 to vector<16xf32>
    %sub3A_1778 = arith.subf %sub3A_1777, %mul3A_1775 : vector<16xf32>
    %mul3A_1779 = arith.mulf %mul3A_1770, %sub3A_1778 : vector<16xf32>
    %mul3A_1780 = arith.mulf %min3A_1744, %mul3A_1779 : vector<16xf32>
    %neg3A_1781 = arith.constant 0.000000e+00 : f32
    %neg3A_1782 = vector.broadcast %neg3A_1781 : f32 to vector<16xf32>
    %neg3A_1783 = arith.subf %neg3A_1782, %mul3A_1780 : vector<16xf32>
    %exp3A_1784 = math.exp %neg3A_1783 : vector<16xf32>
    %add3A_1785 = arith.constant 1.000000e+00 : f32
    %add3A_1786 = vector.broadcast %add3A_1785 : f32 to vector<16xf32>
    %add3A_1787 = arith.addf %add3A_1786, %exp3A_1784 : vector<16xf32>
    %div3A_1788 = arith.constant 1.000000e+00 : f32
    %div3A_1789 = vector.broadcast %div3A_1788 : f32 to vector<16xf32>
    %div3A_1790 = arith.divf %div3A_1789, %add3A_1787 : vector<16xf32>
    %swap3A_1791 = arith.constant 304 : index
    %swap3A_1792 = tpu.vector_load %arg9[%swap3A_1791] {strides = array<i32>} : memref<512xf32, #tpu.memory_space<vmem>>, vector<16xf32>,
    tpu.vector_store %arg9[%swap3A_1791], %div3A_1790 {strides = array<i32>} : memref<512xf32, #tpu.memory_space<vmem>>, vector<16xf32>,
    %get3A_1793 = arith.constant 0 : i32
    %get3A_1794 = arith.constant 2 : i32
    %get3A_1795 = arith.index_cast %get3A_1793 : i32 to index
    %get3A_1796 = arith.index_cast %get3A_1794 : i32 to index
    %get3A_1797 = arith.constant 64 : index
    %get3A_1798 = tpu.vector_load %arg8[%get3A_1795, %get3A_1796, %get3A_1797] {strides = array<i32>} : memref<3x4x128xf32, #tpu.memory_space<vmem>>, vector<16xf32>,
    %get3A_1799 = arith.constant 1 : i32
    %get3A_1800 = arith.constant 2 : i32
    %get3A_1801 = arith.index_cast %get3A_1799 : i32 to index
    %get3A_1802 = arith.index_cast %get3A_1800 : i32 to index
    %get3A_1803 = arith.constant 64 : index
    %get3A_1804 = tpu.vector_load %arg8[%get3A_1801, %get3A_1802, %get3A_1803] {strides = array<i32>} : memref<3x4x128xf32, #tpu.memory_space<vmem>>, vector<16xf32>,
    %get3A_1805 = arith.constant 2 : i32
    %get3A_1806 = arith.constant 2 : i32
    %get3A_1807 = arith.index_cast %get3A_1805 : i32 to index
    %get3A_1808 = arith.index_cast %get3A_1806 : i32 to index
    %get3A_1809 = arith.constant 64 : index
    %get3A_1810 = tpu.vector_load %arg8[%get3A_1807, %get3A_1808, %get3A_1809] {strides = array<i32>} : memref<3x4x128xf32, #tpu.memory_space<vmem>>, vector<16xf32>,
    %mul3A_1811 = arith.mulf %get3A_1798, %get3A_1798 : vector<16xf32>
    %mul3A_1812 = arith.mulf %get3A_1804, %get3A_1804 : vector<16xf32>
    %add3A_1813 = arith.addf %mul3A_1811, %mul3A_1812 : vector<16xf32>
    %mul3A_1814 = arith.mulf %get3A_1810, %get3A_1810 : vector<16xf32>
    %add3A_1815 = arith.addf %add3A_1813, %mul3A_1814 : vector<16xf32>
    %mul3A_1816 = arith.constant 3.000000e+00 : f32
    %mul3A_1817 = vector.broadcast %mul3A_1816 : f32 to vector<16xf32>
    %mul3A_1818 = arith.mulf %mul3A_1817, %add3A_1815 : vector<16xf32>
    %min3A_1819 = arith.constant 3.000000e+38 : f32
    %min3A_1820 = vector.broadcast %min3A_1819 : f32 to vector<16xf32>
    %min3A_1821 = arith.minimumf %mul3A_1818, %min3A_1820 : vector<16xf32>
    %bitcast_convert_type3A_1822 = tpu.bitcast %min3A_1821 : vector<16xf32> -> vector<16xi32>
    %shift_right_arithmetic3A_1823 = arith.constant 1 : i32
    %shift_right_arithmetic3A_1824 = vector.broadcast %shift_right_arithmetic3A_1823 : i32 to vector<16xi32>
    %shift_right_arithmetic3A_1825 = arith.shrsi %bitcast_convert_type3A_1822, %shift_right_arithmetic3A_1824 : vector<16xi32>
    %sub3A_1826 = arith.constant 1597463007 : i32
    %sub3A_1827 = vector.broadcast %sub3A_1826 : i32 to vector<16xi32>
    %sub3A_1828 = arith.subi %sub3A_1827, %shift_right_arithmetic3A_1825 : vector<16xi32>
    %bitcast_convert_type3A_1829 = tpu.bitcast %sub3A_1828 : vector<16xi32> -> vector<16xf32>
    %mul3A_1830 = arith.constant 5.000000e-01 : f32
    %mul3A_1831 = vector.broadcast %mul3A_1830 : f32 to vector<16xf32>
    %mul3A_1832 = arith.mulf %mul3A_1831, %min3A_1821 : vector<16xf32>
    %mul3A_1833 = arith.mulf %mul3A_1832, %bitcast_convert_type3A_1829 : vector<16xf32>
    %mul3A_1834 = arith.mulf %mul3A_1833, %bitcast_convert_type3A_1829 : vector<16xf32>
    %sub3A_1835 = arith.constant 1.500000e+00 : f32
    %sub3A_1836 = vector.broadcast %sub3A_1835 : f32 to vector<16xf32>
    %sub3A_1837 = arith.subf %sub3A_1836, %mul3A_1834 : vector<16xf32>
    %mul3A_1838 = arith.mulf %bitcast_convert_type3A_1829, %sub3A_1837 : vector<16xf32>
    %mul3A_1839 = arith.constant 5.000000e-01 : f32
    %mul3A_1840 = vector.broadcast %mul3A_1839 : f32 to vector<16xf32>
    %mul3A_1841 = arith.mulf %mul3A_1840, %min3A_1821 : vector<16xf32>
    %mul3A_1842 = arith.mulf %mul3A_1841, %mul3A_1838 : vector<16xf32>
    %mul3A_1843 = arith.mulf %mul3A_1842, %mul3A_1838 : vector<16xf32>
    %sub3A_1844 = arith.constant 1.500000e+00 : f32
    %sub3A_1845 = vector.broadcast %sub3A_1844 : f32 to vector<16xf32>
    %sub3A_1846 = arith.subf %sub3A_1845, %mul3A_1843 : vector<16xf32>
    %mul3A_1847 = arith.mulf %mul3A_1838, %sub3A_1846 : vector<16xf32>
    %mul3A_1848 = arith.constant 5.000000e-01 : f32
    %mul3A_1849 = vector.broadcast %mul3A_1848 : f32 to vector<16xf32>
    %mul3A_1850 = arith.mulf %mul3A_1849, %min3A_1821 : vector<16xf32>
    %mul3A_1851 = arith.mulf %mul3A_1850, %mul3A_1847 : vector<16xf32>
    %mul3A_1852 = arith.mulf %mul3A_1851, %mul3A_1847 : vector<16xf32>
    %sub3A_1853 = arith.constant 1.500000e+00 : f32
    %sub3A_1854 = vector.broadcast %sub3A_1853 : f32 to vector<16xf32>
    %sub3A_1855 = arith.subf %sub3A_1854, %mul3A_1852 : vector<16xf32>
    %mul3A_1856 = arith.mulf %mul3A_1847, %sub3A_1855 : vector<16xf32>
    %mul3A_1857 = arith.mulf %min3A_1821, %mul3A_1856 : vector<16xf32>
    %neg3A_1858 = arith.constant 0.000000e+00 : f32
    %neg3A_1859 = vector.broadcast %neg3A_1858 : f32 to vector<16xf32>
    %neg3A_1860 = arith.subf %neg3A_1859, %mul3A_1857 : vector<16xf32>
    %exp3A_1861 = math.exp %neg3A_1860 : vector<16xf32>
    %add3A_1862 = arith.constant 1.000000e+00 : f32
    %add3A_1863 = vector.broadcast %add3A_1862 : f32 to vector<16xf32>
    %add3A_1864 = arith.addf %add3A_1863, %exp3A_1861 : vector<16xf32>
    %div3A_1865 = arith.constant 1.000000e+00 : f32
    %div3A_1866 = vector.broadcast %div3A_1865 : f32 to vector<16xf32>
    %div3A_1867 = arith.divf %div3A_1866, %add3A_1864 : vector<16xf32>
    %swap3A_1868 = arith.constant 320 : index
    %swap3A_1869 = tpu.vector_load %arg9[%swap3A_1868] {strides = array<i32>} : memref<512xf32, #tpu.memory_space<vmem>>, vector<16xf32>,
    tpu.vector_store %arg9[%swap3A_1868], %div3A_1867 {strides = array<i32>} : memref<512xf32, #tpu.memory_space<vmem>>, vector<16xf32>,
    %get3A_1870 = arith.constant 0 : i32
    %get3A_1871 = arith.constant 2 : i32
    %get3A_1872 = arith.index_cast %get3A_1870 : i32 to index
    %get3A_1873 = arith.index_cast %get3A_1871 : i32 to index
    %get3A_1874 = arith.constant 80 : index
    %get3A_1875 = tpu.vector_load %arg8[%get3A_1872, %get3A_1873, %get3A_1874] {strides = array<i32>} : memref<3x4x128xf32, #tpu.memory_space<vmem>>, vector<16xf32>,
    %get3A_1876 = arith.constant 1 : i32
    %get3A_1877 = arith.constant 2 : i32
    %get3A_1878 = arith.index_cast %get3A_1876 : i32 to index
    %get3A_1879 = arith.index_cast %get3A_1877 : i32 to index
    %get3A_1880 = arith.constant 80 : index
    %get3A_1881 = tpu.vector_load %arg8[%get3A_1878, %get3A_1879, %get3A_1880] {strides = array<i32>} : memref<3x4x128xf32, #tpu.memory_space<vmem>>, vector<16xf32>,
    %get3A_1882 = arith.constant 2 : i32
    %get3A_1883 = arith.constant 2 : i32
    %get3A_1884 = arith.index_cast %get3A_1882 : i32 to index
    %get3A_1885 = arith.index_cast %get3A_1883 : i32 to index
    %get3A_1886 = arith.constant 80 : index
    %get3A_1887 = tpu.vector_load %arg8[%get3A_1884, %get3A_1885, %get3A_1886] {strides = array<i32>} : memref<3x4x128xf32, #tpu.memory_space<vmem>>, vector<16xf32>,
    %mul3A_1888 = arith.mulf %get3A_1875, %get3A_1875 : vector<16xf32>
    %mul3A_1889 = arith.mulf %get3A_1881, %get3A_1881 : vector<16xf32>
    %add3A_1890 = arith.addf %mul3A_1888, %mul3A_1889 : vector<16xf32>
    %mul3A_1891 = arith.mulf %get3A_1887, %get3A_1887 : vector<16xf32>
    %add3A_1892 = arith.addf %add3A_1890, %mul3A_1891 : vector<16xf32>
    %mul3A_1893 = arith.constant 3.000000e+00 : f32
    %mul3A_1894 = vector.broadcast %mul3A_1893 : f32 to vector<16xf32>
    %mul3A_1895 = arith.mulf %mul3A_1894, %add3A_1892 : vector<16xf32>
    %min3A_1896 = arith.constant 3.000000e+38 : f32
    %min3A_1897 = vector.broadcast %min3A_1896 : f32 to vector<16xf32>
    %min3A_1898 = arith.minimumf %mul3A_1895, %min3A_1897 : vector<16xf32>
    %bitcast_convert_type3A_1899 = tpu.bitcast %min3A_1898 : vector<16xf32> -> vector<16xi32>
    %shift_right_arithmetic3A_1900 = arith.constant 1 : i32
    %shift_right_arithmetic3A_1901 = vector.broadcast %shift_right_arithmetic3A_1900 : i32 to vector<16xi32>
    %shift_right_arithmetic3A_1902 = arith.shrsi %bitcast_convert_type3A_1899, %shift_right_arithmetic3A_1901 : vector<16xi32>
    %sub3A_1903 = arith.constant 1597463007 : i32
    %sub3A_1904 = vector.broadcast %sub3A_1903 : i32 to vector<16xi32>
    %sub3A_1905 = arith.subi %sub3A_1904, %shift_right_arithmetic3A_1902 : vector<16xi32>
    %bitcast_convert_type3A_1906 = tpu.bitcast %sub3A_1905 : vector<16xi32> -> vector<16xf32>
    %mul3A_1907 = arith.constant 5.000000e-01 : f32
    %mul3A_1908 = vector.broadcast %mul3A_1907 : f32 to vector<16xf32>
    %mul3A_1909 = arith.mulf %mul3A_1908, %min3A_1898 : vector<16xf32>
    %mul3A_1910 = arith.mulf %mul3A_1909, %bitcast_convert_type3A_1906 : vector<16xf32>
    %mul3A_1911 = arith.mulf %mul3A_1910, %bitcast_convert_type3A_1906 : vector<16xf32>
    %sub3A_1912 = arith.constant 1.500000e+00 : f32
    %sub3A_1913 = vector.broadcast %sub3A_1912 : f32 to vector<16xf32>
    %sub3A_1914 = arith.subf %sub3A_1913, %mul3A_1911 : vector<16xf32>
    %mul3A_1915 = arith.mulf %bitcast_convert_type3A_1906, %sub3A_1914 : vector<16xf32>
    %mul3A_1916 = arith.constant 5.000000e-01 : f32
    %mul3A_1917 = vector.broadcast %mul3A_1916 : f32 to vector<16xf32>
    %mul3A_1918 = arith.mulf %mul3A_1917, %min3A_1898 : vector<16xf32>
    %mul3A_1919 = arith.mulf %mul3A_1918, %mul3A_1915 : vector<16xf32>
    %mul3A_1920 = arith.mulf %mul3A_1919, %mul3A_1915 : vector<16xf32>
    %sub3A_1921 = arith.constant 1.500000e+00 : f32
    %sub3A_1922 = vector.broadcast %sub3A_1921 : f32 to vector<16xf32>
    %sub3A_1923 = arith.subf %sub3A_1922, %mul3A_1920 : vector<16xf32>
    %mul3A_1924 = arith.mulf %mul3A_1915, %sub3A_1923 : vector<16xf32>
    %mul3A_1925 = arith.constant 5.000000e-01 : f32
    %mul3A_1926 = vector.broadcast %mul3A_1925 : f32 to vector<16xf32>
    %mul3A_1927 = arith.mulf %mul3A_1926, %min3A_1898 : vector<16xf32>
    %mul3A_1928 = arith.mulf %mul3A_1927, %mul3A_1924 : vector<16xf32>
    %mul3A_1929 = arith.mulf %mul3A_1928, %mul3A_1924 : vector<16xf32>
    %sub3A_1930 = arith.constant 1.500000e+00 : f32
    %sub3A_1931 = vector.broadcast %sub3A_1930 : f32 to vector<16xf32>
    %sub3A_1932 = arith.subf %sub3A_1931, %mul3A_1929 : vector<16xf32>
    %mul3A_1933 = arith.mulf %mul3A_1924, %sub3A_1932 : vector<16xf32>
    %mul3A_1934 = arith.mulf %min3A_1898, %mul3A_1933 : vector<16xf32>
    %neg3A_1935 = arith.constant 0.000000e+00 : f32
    %neg3A_1936 = vector.broadcast %neg3A_1935 : f32 to vector<16xf32>
    %neg3A_1937 = arith.subf %neg3A_1936, %mul3A_1934 : vector<16xf32>
    %exp3A_1938 = math.exp %neg3A_1937 : vector<16xf32>
    %add3A_1939 = arith.constant 1.000000e+00 : f32
    %add3A_1940 = vector.broadcast %add3A_1939 : f32 to vector<16xf32>
    %add3A_1941 = arith.addf %add3A_1940, %exp3A_1938 : vector<16xf32>
    %div3A_1942 = arith.constant 1.000000e+00 : f32
    %div3A_1943 = vector.broadcast %div3A_1942 : f32 to vector<16xf32>
    %div3A_1944 = arith.divf %div3A_1943, %add3A_1941 : vector<16xf32>
    %swap3A_1945 = arith.constant 336 : index
    %swap3A_1946 = tpu.vector_load %arg9[%swap3A_1945] {strides = array<i32>} : memref<512xf32, #tpu.memory_space<vmem>>, vector<16xf32>,
    tpu.vector_store %arg9[%swap3A_1945], %div3A_1944 {strides = array<i32>} : memref<512xf32, #tpu.memory_space<vmem>>, vector<16xf32>,
    %get3A_1947 = arith.constant 0 : i32
    %get3A_1948 = arith.constant 2 : i32
    %get3A_1949 = arith.index_cast %get3A_1947 : i32 to index
    %get3A_1950 = arith.index_cast %get3A_1948 : i32 to index
    %get3A_1951 = arith.constant 96 : index
    %get3A_1952 = tpu.vector_load %arg8[%get3A_1949, %get3A_1950, %get3A_1951] {strides = array<i32>} : memref<3x4x128xf32, #tpu.memory_space<vmem>>, vector<16xf32>,
    %get3A_1953 = arith.constant 1 : i32
    %get3A_1954 = arith.constant 2 : i32
    %get3A_1955 = arith.index_cast %get3A_1953 : i32 to index
    %get3A_1956 = arith.index_cast %get3A_1954 : i32 to index
    %get3A_1957 = arith.constant 96 : index
    %get3A_1958 = tpu.vector_load %arg8[%get3A_1955, %get3A_1956, %get3A_1957] {strides = array<i32>} : memref<3x4x128xf32, #tpu.memory_space<vmem>>, vector<16xf32>,
    %get3A_1959 = arith.constant 2 : i32
    %get3A_1960 = arith.constant 2 : i32
    %get3A_1961 = arith.index_cast %get3A_1959 : i32 to index
    %get3A_1962 = arith.index_cast %get3A_1960 : i32 to index
    %get3A_1963 = arith.constant 96 : index
    %get3A_1964 = tpu.vector_load %arg8[%get3A_1961, %get3A_1962, %get3A_1963] {strides = array<i32>} : memref<3x4x128xf32, #tpu.memory_space<vmem>>, vector<16xf32>,
    %mul3A_1965 = arith.mulf %get3A_1952, %get3A_1952 : vector<16xf32>
    %mul3A_1966 = arith.mulf %get3A_1958, %get3A_1958 : vector<16xf32>
    %add3A_1967 = arith.addf %mul3A_1965, %mul3A_1966 : vector<16xf32>
    %mul3A_1968 = arith.mulf %get3A_1964, %get3A_1964 : vector<16xf32>
    %add3A_1969 = arith.addf %add3A_1967, %mul3A_1968 : vector<16xf32>
    %mul3A_1970 = arith.constant 3.000000e+00 : f32
    %mul3A_1971 = vector.broadcast %mul3A_1970 : f32 to vector<16xf32>
    %mul3A_1972 = arith.mulf %mul3A_1971, %add3A_1969 : vector<16xf32>
    %min3A_1973 = arith.constant 3.000000e+38 : f32
    %min3A_1974 = vector.broadcast %min3A_1973 : f32 to vector<16xf32>
    %min3A_1975 = arith.minimumf %mul3A_1972, %min3A_1974 : vector<16xf32>
    %bitcast_convert_type3A_1976 = tpu.bitcast %min3A_1975 : vector<16xf32> -> vector<16xi32>
    %shift_right_arithmetic3A_1977 = arith.constant 1 : i32
    %shift_right_arithmetic3A_1978 = vector.broadcast %shift_right_arithmetic3A_1977 : i32 to vector<16xi32>
    %shift_right_arithmetic3A_1979 = arith.shrsi %bitcast_convert_type3A_1976, %shift_right_arithmetic3A_1978 : vector<16xi32>
    %sub3A_1980 = arith.constant 1597463007 : i32
    %sub3A_1981 = vector.broadcast %sub3A_1980 : i32 to vector<16xi32>
    %sub3A_1982 = arith.subi %sub3A_1981, %shift_right_arithmetic3A_1979 : vector<16xi32>
    %bitcast_convert_type3A_1983 = tpu.bitcast %sub3A_1982 : vector<16xi32> -> vector<16xf32>
    %mul3A_1984 = arith.constant 5.000000e-01 : f32
    %mul3A_1985 = vector.broadcast %mul3A_1984 : f32 to vector<16xf32>
    %mul3A_1986 = arith.mulf %mul3A_1985, %min3A_1975 : vector<16xf32>
    %mul3A_1987 = arith.mulf %mul3A_1986, %bitcast_convert_type3A_1983 : vector<16xf32>
    %mul3A_1988 = arith.mulf %mul3A_1987, %bitcast_convert_type3A_1983 : vector<16xf32>
    %sub3A_1989 = arith.constant 1.500000e+00 : f32
    %sub3A_1990 = vector.broadcast %sub3A_1989 : f32 to vector<16xf32>
    %sub3A_1991 = arith.subf %sub3A_1990, %mul3A_1988 : vector<16xf32>
    %mul3A_1992 = arith.mulf %bitcast_convert_type3A_1983, %sub3A_1991 : vector<16xf32>
    %mul3A_1993 = arith.constant 5.000000e-01 : f32
    %mul3A_1994 = vector.broadcast %mul3A_1993 : f32 to vector<16xf32>
    %mul3A_1995 = arith.mulf %mul3A_1994, %min3A_1975 : vector<16xf32>
    %mul3A_1996 = arith.mulf %mul3A_1995, %mul3A_1992 : vector<16xf32>
    %mul3A_1997 = arith.mulf %mul3A_1996, %mul3A_1992 : vector<16xf32>
    %sub3A_1998 = arith.constant 1.500000e+00 : f32
    %sub3A_1999 = vector.broadcast %sub3A_1998 : f32 to vector<16xf32>
    %sub3A_2000 = arith.subf %sub3A_1999, %mul3A_1997 : vector<16xf32>
    %mul3A_2001 = arith.mulf %mul3A_1992, %sub3A_2000 : vector<16xf32>
    %mul3A_2002 = arith.constant 5.000000e-01 : f32
    %mul3A_2003 = vector.broadcast %mul3A_2002 : f32 to vector<16xf32>
    %mul3A_2004 = arith.mulf %mul3A_2003, %min3A_1975 : vector<16xf32>
    %mul3A_2005 = arith.mulf %mul3A_2004, %mul3A_2001 : vector<16xf32>
    %mul3A_2006 = arith.mulf %mul3A_2005, %mul3A_2001 : vector<16xf32>
    %sub3A_2007 = arith.constant 1.500000e+00 : f32
    %sub3A_2008 = vector.broadcast %sub3A_2007 : f32 to vector<16xf32>
    %sub3A_2009 = arith.subf %sub3A_2008, %mul3A_2006 : vector<16xf32>
    %mul3A_2010 = arith.mulf %mul3A_2001, %sub3A_2009 : vector<16xf32>
    %mul3A_2011 = arith.mulf %min3A_1975, %mul3A_2010 : vector<16xf32>
    %neg3A_2012 = arith.constant 0.000000e+00 : f32
    %neg3A_2013 = vector.broadcast %neg3A_2012 : f32 to vector<16xf32>
    %neg3A_2014 = arith.subf %neg3A_2013, %mul3A_2011 : vector<16xf32>
    %exp3A_2015 = math.exp %neg3A_2014 : vector<16xf32>
    %add3A_2016 = arith.constant 1.000000e+00 : f32
    %add3A_2017 = vector.broadcast %add3A_2016 : f32 to vector<16xf32>
    %add3A_2018 = arith.addf %add3A_2017, %exp3A_2015 : vector<16xf32>
    %div3A_2019 = arith.constant 1.000000e+00 : f32
    %div3A_2020 = vector.broadcast %div3A_2019 : f32 to vector<16xf32>
    %div3A_2021 = arith.divf %div3A_2020, %add3A_2018 : vector<16xf32>
    %swap3A_2022 = arith.constant 352 : index
    %swap3A_2023 = tpu.vector_load %arg9[%swap3A_2022] {strides = array<i32>} : memref<512xf32, #tpu.memory_space<vmem>>, vector<16xf32>,
    tpu.vector_store %arg9[%swap3A_2022], %div3A_2021 {strides = array<i32>} : memref<512xf32, #tpu.memory_space<vmem>>, vector<16xf32>,
    %get3A_2024 = arith.constant 0 : i32
    %get3A_2025 = arith.constant 2 : i32
    %get3A_2026 = arith.index_cast %get3A_2024 : i32 to index
    %get3A_2027 = arith.index_cast %get3A_2025 : i32 to index
    %get3A_2028 = arith.constant 112 : index
    %get3A_2029 = tpu.vector_load %arg8[%get3A_2026, %get3A_2027, %get3A_2028] {strides = array<i32>} : memref<3x4x128xf32, #tpu.memory_space<vmem>>, vector<16xf32>,
    %get3A_2030 = arith.constant 1 : i32
    %get3A_2031 = arith.constant 2 : i32
    %get3A_2032 = arith.index_cast %get3A_2030 : i32 to index
    %get3A_2033 = arith.index_cast %get3A_2031 : i32 to index
    %get3A_2034 = arith.constant 112 : index
    %get3A_2035 = tpu.vector_load %arg8[%get3A_2032, %get3A_2033, %get3A_2034] {strides = array<i32>} : memref<3x4x128xf32, #tpu.memory_space<vmem>>, vector<16xf32>,
    %get3A_2036 = arith.constant 2 : i32
    %get3A_2037 = arith.constant 2 : i32
    %get3A_2038 = arith.index_cast %get3A_2036 : i32 to index
    %get3A_2039 = arith.index_cast %get3A_2037 : i32 to index
    %get3A_2040 = arith.constant 112 : index
    %get3A_2041 = tpu.vector_load %arg8[%get3A_2038, %get3A_2039, %get3A_2040] {strides = array<i32>} : memref<3x4x128xf32, #tpu.memory_space<vmem>>, vector<16xf32>,
    %mul3A_2042 = arith.mulf %get3A_2029, %get3A_2029 : vector<16xf32>
    %mul3A_2043 = arith.mulf %get3A_2035, %get3A_2035 : vector<16xf32>
    %add3A_2044 = arith.addf %mul3A_2042, %mul3A_2043 : vector<16xf32>
    %mul3A_2045 = arith.mulf %get3A_2041, %get3A_2041 : vector<16xf32>
    %add3A_2046 = arith.addf %add3A_2044, %mul3A_2045 : vector<16xf32>
    %mul3A_2047 = arith.constant 3.000000e+00 : f32
    %mul3A_2048 = vector.broadcast %mul3A_2047 : f32 to vector<16xf32>
    %mul3A_2049 = arith.mulf %mul3A_2048, %add3A_2046 : vector<16xf32>
    %min3A_2050 = arith.constant 3.000000e+38 : f32
    %min3A_2051 = vector.broadcast %min3A_2050 : f32 to vector<16xf32>
    %min3A_2052 = arith.minimumf %mul3A_2049, %min3A_2051 : vector<16xf32>
    %bitcast_convert_type3A_2053 = tpu.bitcast %min3A_2052 : vector<16xf32> -> vector<16xi32>
    %shift_right_arithmetic3A_2054 = arith.constant 1 : i32
    %shift_right_arithmetic3A_2055 = vector.broadcast %shift_right_arithmetic3A_2054 : i32 to vector<16xi32>
    %shift_right_arithmetic3A_2056 = arith.shrsi %bitcast_convert_type3A_2053, %shift_right_arithmetic3A_2055 : vector<16xi32>
    %sub3A_2057 = arith.constant 1597463007 : i32
    %sub3A_2058 = vector.broadcast %sub3A_2057 : i32 to vector<16xi32>
    %sub3A_2059 = arith.subi %sub3A_2058, %shift_right_arithmetic3A_2056 : vector<16xi32>
    %bitcast_convert_type3A_2060 = tpu.bitcast %sub3A_2059 : vector<16xi32> -> vector<16xf32>
    %mul3A_2061 = arith.constant 5.000000e-01 : f32
    %mul3A_2062 = vector.broadcast %mul3A_2061 : f32 to vector<16xf32>
    %mul3A_2063 = arith.mulf %mul3A_2062, %min3A_2052 : vector<16xf32>
    %mul3A_2064 = arith.mulf %mul3A_2063, %bitcast_convert_type3A_2060 : vector<16xf32>
    %mul3A_2065 = arith.mulf %mul3A_2064, %bitcast_convert_type3A_2060 : vector<16xf32>
    %sub3A_2066 = arith.constant 1.500000e+00 : f32
    %sub3A_2067 = vector.broadcast %sub3A_2066 : f32 to vector<16xf32>
    %sub3A_2068 = arith.subf %sub3A_2067, %mul3A_2065 : vector<16xf32>
    %mul3A_2069 = arith.mulf %bitcast_convert_type3A_2060, %sub3A_2068 : vector<16xf32>
    %mul3A_2070 = arith.constant 5.000000e-01 : f32
    %mul3A_2071 = vector.broadcast %mul3A_2070 : f32 to vector<16xf32>
    %mul3A_2072 = arith.mulf %mul3A_2071, %min3A_2052 : vector<16xf32>
    %mul3A_2073 = arith.mulf %mul3A_2072, %mul3A_2069 : vector<16xf32>
    %mul3A_2074 = arith.mulf %mul3A_2073, %mul3A_2069 : vector<16xf32>
    %sub3A_2075 = arith.constant 1.500000e+00 : f32
    %sub3A_2076 = vector.broadcast %sub3A_2075 : f32 to vector<16xf32>
    %sub3A_2077 = arith.subf %sub3A_2076, %mul3A_2074 : vector<16xf32>
    %mul3A_2078 = arith.mulf %mul3A_2069, %sub3A_2077 : vector<16xf32>
    %mul3A_2079 = arith.constant 5.000000e-01 : f32
    %mul3A_2080 = vector.broadcast %mul3A_2079 : f32 to vector<16xf32>
    %mul3A_2081 = arith.mulf %mul3A_2080, %min3A_2052 : vector<16xf32>
    %mul3A_2082 = arith.mulf %mul3A_2081, %mul3A_2078 : vector<16xf32>
    %mul3A_2083 = arith.mulf %mul3A_2082, %mul3A_2078 : vector<16xf32>
    %sub3A_2084 = arith.constant 1.500000e+00 : f32
    %sub3A_2085 = vector.broadcast %sub3A_2084 : f32 to vector<16xf32>
    %sub3A_2086 = arith.subf %sub3A_2085, %mul3A_2083 : vector<16xf32>
    %mul3A_2087 = arith.mulf %mul3A_2078, %sub3A_2086 : vector<16xf32>
    %mul3A_2088 = arith.mulf %min3A_2052, %mul3A_2087 : vector<16xf32>
    %neg3A_2089 = arith.constant 0.000000e+00 : f32
    %neg3A_2090 = vector.broadcast %neg3A_2089 : f32 to vector<16xf32>
    %neg3A_2091 = arith.subf %neg3A_2090, %mul3A_2088 : vector<16xf32>
    %exp3A_2092 = math.exp %neg3A_2091 : vector<16xf32>
    %add3A_2093 = arith.constant 1.000000e+00 : f32
    %add3A_2094 = vector.broadcast %add3A_2093 : f32 to vector<16xf32>
    %add3A_2095 = arith.addf %add3A_2094, %exp3A_2092 : vector<16xf32>
    %div3A_2096 = arith.constant 1.000000e+00 : f32
    %div3A_2097 = vector.broadcast %div3A_2096 : f32 to vector<16xf32>
    %div3A_2098 = arith.divf %div3A_2097, %add3A_2095 : vector<16xf32>
    %swap3A_2099 = arith.constant 368 : index
    %swap3A_2100 = tpu.vector_load %arg9[%swap3A_2099] {strides = array<i32>} : memref<512xf32, #tpu.memory_space<vmem>>, vector<16xf32>,
    tpu.vector_store %arg9[%swap3A_2099], %div3A_2098 {strides = array<i32>} : memref<512xf32, #tpu.memory_space<vmem>>, vector<16xf32>,
    %add3A_2101 = arith.constant 256 : i32
    %add3A_2102 = arith.addi %mul3A_2, %add3A_2101 : i32
    %dma_start3A_2103 = arith.constant 256 : i32
    %dma_start3A_2104 = tpu.memref_slice %arg9[%dma_start3A_2103] : memref<512xf32, #tpu.memory_space<vmem>> -> memref<128xf32, #tpu.memory_space<vmem>>
    %dma_start3A_2105 = tpu.memref_slice %arg6[%add3A_2102] : memref<16384xf32, #tpu.memory_space<hbm>> -> memref<128xf32, #tpu.memory_space<hbm>>
    %dma_start3A_2106 = tpu.memref_slice %arg6[%add3A_2102] : memref<16384xf32, #tpu.memory_space<hbm>> -> memref<128xf32, #tpu.memory_space<hbm>>
    %dma_start3A_2107 = arith.constant 256 : i32
    %dma_start3A_2108 = tpu.memref_slice %arg9[%dma_start3A_2107] : memref<512xf32, #tpu.memory_space<vmem>> -> memref<128xf32, #tpu.memory_space<vmem>>
    tpu.enqueue_dma source(%dma_start3A_2108 : memref<128xf32, #tpu.memory_space<vmem>>) target(%dma_start3A_2106 : memref<128xf32, #tpu.memory_space<hbm>>) target_semaphore(%arg14 : memref<!tpu.dma_semaphore, #tpu.memory_space<semaphore_mem>>)
    %dma_wait3A_2109 = arith.constant 0 : i32
    %dma_wait3A_2110 = arith.constant 3 : i32
    %dma_wait3A_2111 = arith.constant 0 : i32
    %dma_wait3A_2112 = tpu.memref_slice %arg8[%dma_wait3A_2109, %dma_wait3A_2110, %dma_wait3A_2111] : memref<3x4x128xf32, #tpu.memory_space<vmem>> -> memref<1x1x128xf32, #tpu.memory_space<vmem>>
    %dma_wait3A_2113 = tpu.memref_squeeze %dma_wait3A_2112 : memref<1x1x128xf32, #tpu.memory_space<vmem>> -> memref<128xf32, #tpu.memory_space<vmem>>
    %dma_wait3A_2114 = arith.constant 384 : i32
    %dma_wait3A_2115 = tpu.memref_slice %arg7[%dma_wait3A_2114] : memref<512xi32, #tpu.memory_space<vmem>> -> memref<128xi32, #tpu.memory_space<vmem>>
    %dma_wait3A_2116 = arith.constant 0 : i32
    %dma_wait3A_2117 = tpu.memref_slice %arg3[%dma_wait3A_2116] : memref<100000xf32, #tpu.memory_space<hbm>> -> memref<100000xf32, #tpu.memory_space<hbm>>
    tpu.wait_indirect_dma semaphore(%arg13 : memref<!tpu.dma_semaphore, #tpu.memory_space<semaphore_mem>>) src(%dma_wait3A_2117 : memref<100000xf32, #tpu.memory_space<hbm>>) dst(%dma_wait3A_2113 : memref<128xf32, #tpu.memory_space<vmem>>)
    %dma_wait3A_2118 = arith.constant 1 : i32
    %dma_wait3A_2119 = arith.constant 3 : i32
    %dma_wait3A_2120 = arith.constant 0 : i32
    %dma_wait3A_2121 = tpu.memref_slice %arg8[%dma_wait3A_2118, %dma_wait3A_2119, %dma_wait3A_2120] : memref<3x4x128xf32, #tpu.memory_space<vmem>> -> memref<1x1x128xf32, #tpu.memory_space<vmem>>
    %dma_wait3A_2122 = tpu.memref_squeeze %dma_wait3A_2121 : memref<1x1x128xf32, #tpu.memory_space<vmem>> -> memref<128xf32, #tpu.memory_space<vmem>>
    %dma_wait3A_2123 = arith.constant 384 : i32
    %dma_wait3A_2124 = tpu.memref_slice %arg7[%dma_wait3A_2123] : memref<512xi32, #tpu.memory_space<vmem>> -> memref<128xi32, #tpu.memory_space<vmem>>
    %dma_wait3A_2125 = arith.constant 0 : i32
    %dma_wait3A_2126 = tpu.memref_slice %arg4[%dma_wait3A_2125] : memref<100000xf32, #tpu.memory_space<hbm>> -> memref<100000xf32, #tpu.memory_space<hbm>>
    tpu.wait_indirect_dma semaphore(%arg13 : memref<!tpu.dma_semaphore, #tpu.memory_space<semaphore_mem>>) src(%dma_wait3A_2126 : memref<100000xf32, #tpu.memory_space<hbm>>) dst(%dma_wait3A_2122 : memref<128xf32, #tpu.memory_space<vmem>>)
    %dma_wait3A_2127 = arith.constant 2 : i32
    %dma_wait3A_2128 = arith.constant 3 : i32
    %dma_wait3A_2129 = arith.constant 0 : i32
    %dma_wait3A_2130 = tpu.memref_slice %arg8[%dma_wait3A_2127, %dma_wait3A_2128, %dma_wait3A_2129] : memref<3x4x128xf32, #tpu.memory_space<vmem>> -> memref<1x1x128xf32, #tpu.memory_space<vmem>>
    %dma_wait3A_2131 = tpu.memref_squeeze %dma_wait3A_2130 : memref<1x1x128xf32, #tpu.memory_space<vmem>> -> memref<128xf32, #tpu.memory_space<vmem>>
    %dma_wait3A_2132 = arith.constant 384 : i32
    %dma_wait3A_2133 = tpu.memref_slice %arg7[%dma_wait3A_2132] : memref<512xi32, #tpu.memory_space<vmem>> -> memref<128xi32, #tpu.memory_space<vmem>>
    %dma_wait3A_2134 = arith.constant 0 : i32
    %dma_wait3A_2135 = tpu.memref_slice %arg5[%dma_wait3A_2134] : memref<100000xf32, #tpu.memory_space<hbm>> -> memref<100000xf32, #tpu.memory_space<hbm>>
    tpu.wait_indirect_dma semaphore(%arg13 : memref<!tpu.dma_semaphore, #tpu.memory_space<semaphore_mem>>) src(%dma_wait3A_2135 : memref<100000xf32, #tpu.memory_space<hbm>>) dst(%dma_wait3A_2131 : memref<128xf32, #tpu.memory_space<vmem>>)
    %get3A_2136 = arith.constant 0 : i32
    %get3A_2137 = arith.constant 3 : i32
    %get3A_2138 = arith.index_cast %get3A_2136 : i32 to index
    %get3A_2139 = arith.index_cast %get3A_2137 : i32 to index
    %get3A_2140 = arith.constant 0 : index
    %get3A_2141 = tpu.vector_load %arg8[%get3A_2138, %get3A_2139, %get3A_2140] {strides = array<i32>} : memref<3x4x128xf32, #tpu.memory_space<vmem>>, vector<16xf32>,
    %get3A_2142 = arith.constant 1 : i32
    %get3A_2143 = arith.constant 3 : i32
    %get3A_2144 = arith.index_cast %get3A_2142 : i32 to index
    %get3A_2145 = arith.index_cast %get3A_2143 : i32 to index
    %get3A_2146 = arith.constant 0 : index
    %get3A_2147 = tpu.vector_load %arg8[%get3A_2144, %get3A_2145, %get3A_2146] {strides = array<i32>} : memref<3x4x128xf32, #tpu.memory_space<vmem>>, vector<16xf32>,
    %get3A_2148 = arith.constant 2 : i32
    %get3A_2149 = arith.constant 3 : i32
    %get3A_2150 = arith.index_cast %get3A_2148 : i32 to index
    %get3A_2151 = arith.index_cast %get3A_2149 : i32 to index
    %get3A_2152 = arith.constant 0 : index
    %get3A_2153 = tpu.vector_load %arg8[%get3A_2150, %get3A_2151, %get3A_2152] {strides = array<i32>} : memref<3x4x128xf32, #tpu.memory_space<vmem>>, vector<16xf32>,
    %mul3A_2154 = arith.mulf %get3A_2141, %get3A_2141 : vector<16xf32>
    %mul3A_2155 = arith.mulf %get3A_2147, %get3A_2147 : vector<16xf32>
    %add3A_2156 = arith.addf %mul3A_2154, %mul3A_2155 : vector<16xf32>
    %mul3A_2157 = arith.mulf %get3A_2153, %get3A_2153 : vector<16xf32>
    %add3A_2158 = arith.addf %add3A_2156, %mul3A_2157 : vector<16xf32>
    %mul3A_2159 = arith.constant 3.000000e+00 : f32
    %mul3A_2160 = vector.broadcast %mul3A_2159 : f32 to vector<16xf32>
    %mul3A_2161 = arith.mulf %mul3A_2160, %add3A_2158 : vector<16xf32>
    %min3A_2162 = arith.constant 3.000000e+38 : f32
    %min3A_2163 = vector.broadcast %min3A_2162 : f32 to vector<16xf32>
    %min3A_2164 = arith.minimumf %mul3A_2161, %min3A_2163 : vector<16xf32>
    %bitcast_convert_type3A_2165 = tpu.bitcast %min3A_2164 : vector<16xf32> -> vector<16xi32>
    %shift_right_arithmetic3A_2166 = arith.constant 1 : i32
    %shift_right_arithmetic3A_2167 = vector.broadcast %shift_right_arithmetic3A_2166 : i32 to vector<16xi32>
    %shift_right_arithmetic3A_2168 = arith.shrsi %bitcast_convert_type3A_2165, %shift_right_arithmetic3A_2167 : vector<16xi32>
    %sub3A_2169 = arith.constant 1597463007 : i32
    %sub3A_2170 = vector.broadcast %sub3A_2169 : i32 to vector<16xi32>
    %sub3A_2171 = arith.subi %sub3A_2170, %shift_right_arithmetic3A_2168 : vector<16xi32>
    %bitcast_convert_type3A_2172 = tpu.bitcast %sub3A_2171 : vector<16xi32> -> vector<16xf32>
    %mul3A_2173 = arith.constant 5.000000e-01 : f32
    %mul3A_2174 = vector.broadcast %mul3A_2173 : f32 to vector<16xf32>
    %mul3A_2175 = arith.mulf %mul3A_2174, %min3A_2164 : vector<16xf32>
    %mul3A_2176 = arith.mulf %mul3A_2175, %bitcast_convert_type3A_2172 : vector<16xf32>
    %mul3A_2177 = arith.mulf %mul3A_2176, %bitcast_convert_type3A_2172 : vector<16xf32>
    %sub3A_2178 = arith.constant 1.500000e+00 : f32
    %sub3A_2179 = vector.broadcast %sub3A_2178 : f32 to vector<16xf32>
    %sub3A_2180 = arith.subf %sub3A_2179, %mul3A_2177 : vector<16xf32>
    %mul3A_2181 = arith.mulf %bitcast_convert_type3A_2172, %sub3A_2180 : vector<16xf32>
    %mul3A_2182 = arith.constant 5.000000e-01 : f32
    %mul3A_2183 = vector.broadcast %mul3A_2182 : f32 to vector<16xf32>
    %mul3A_2184 = arith.mulf %mul3A_2183, %min3A_2164 : vector<16xf32>
    %mul3A_2185 = arith.mulf %mul3A_2184, %mul3A_2181 : vector<16xf32>
    %mul3A_2186 = arith.mulf %mul3A_2185, %mul3A_2181 : vector<16xf32>
    %sub3A_2187 = arith.constant 1.500000e+00 : f32
    %sub3A_2188 = vector.broadcast %sub3A_2187 : f32 to vector<16xf32>
    %sub3A_2189 = arith.subf %sub3A_2188, %mul3A_2186 : vector<16xf32>
    %mul3A_2190 = arith.mulf %mul3A_2181, %sub3A_2189 : vector<16xf32>
    %mul3A_2191 = arith.constant 5.000000e-01 : f32
    %mul3A_2192 = vector.broadcast %mul3A_2191 : f32 to vector<16xf32>
    %mul3A_2193 = arith.mulf %mul3A_2192, %min3A_2164 : vector<16xf32>
    %mul3A_2194 = arith.mulf %mul3A_2193, %mul3A_2190 : vector<16xf32>
    %mul3A_2195 = arith.mulf %mul3A_2194, %mul3A_2190 : vector<16xf32>
    %sub3A_2196 = arith.constant 1.500000e+00 : f32
    %sub3A_2197 = vector.broadcast %sub3A_2196 : f32 to vector<16xf32>
    %sub3A_2198 = arith.subf %sub3A_2197, %mul3A_2195 : vector<16xf32>
    %mul3A_2199 = arith.mulf %mul3A_2190, %sub3A_2198 : vector<16xf32>
    %mul3A_2200 = arith.mulf %min3A_2164, %mul3A_2199 : vector<16xf32>
    %neg3A_2201 = arith.constant 0.000000e+00 : f32
    %neg3A_2202 = vector.broadcast %neg3A_2201 : f32 to vector<16xf32>
    %neg3A_2203 = arith.subf %neg3A_2202, %mul3A_2200 : vector<16xf32>
    %exp3A_2204 = math.exp %neg3A_2203 : vector<16xf32>
    %add3A_2205 = arith.constant 1.000000e+00 : f32
    %add3A_2206 = vector.broadcast %add3A_2205 : f32 to vector<16xf32>
    %add3A_2207 = arith.addf %add3A_2206, %exp3A_2204 : vector<16xf32>
    %div3A_2208 = arith.constant 1.000000e+00 : f32
    %div3A_2209 = vector.broadcast %div3A_2208 : f32 to vector<16xf32>
    %div3A_2210 = arith.divf %div3A_2209, %add3A_2207 : vector<16xf32>
    %swap3A_2211 = arith.constant 384 : index
    %swap3A_2212 = tpu.vector_load %arg9[%swap3A_2211] {strides = array<i32>} : memref<512xf32, #tpu.memory_space<vmem>>, vector<16xf32>,
    tpu.vector_store %arg9[%swap3A_2211], %div3A_2210 {strides = array<i32>} : memref<512xf32, #tpu.memory_space<vmem>>, vector<16xf32>,
    %get3A_2213 = arith.constant 0 : i32
    %get3A_2214 = arith.constant 3 : i32
    %get3A_2215 = arith.index_cast %get3A_2213 : i32 to index
    %get3A_2216 = arith.index_cast %get3A_2214 : i32 to index
    %get3A_2217 = arith.constant 16 : index
    %get3A_2218 = tpu.vector_load %arg8[%get3A_2215, %get3A_2216, %get3A_2217] {strides = array<i32>} : memref<3x4x128xf32, #tpu.memory_space<vmem>>, vector<16xf32>,
    %get3A_2219 = arith.constant 1 : i32
    %get3A_2220 = arith.constant 3 : i32
    %get3A_2221 = arith.index_cast %get3A_2219 : i32 to index
    %get3A_2222 = arith.index_cast %get3A_2220 : i32 to index
    %get3A_2223 = arith.constant 16 : index
    %get3A_2224 = tpu.vector_load %arg8[%get3A_2221, %get3A_2222, %get3A_2223] {strides = array<i32>} : memref<3x4x128xf32, #tpu.memory_space<vmem>>, vector<16xf32>,
    %get3A_2225 = arith.constant 2 : i32
    %get3A_2226 = arith.constant 3 : i32
    %get3A_2227 = arith.index_cast %get3A_2225 : i32 to index
    %get3A_2228 = arith.index_cast %get3A_2226 : i32 to index
    %get3A_2229 = arith.constant 16 : index
    %get3A_2230 = tpu.vector_load %arg8[%get3A_2227, %get3A_2228, %get3A_2229] {strides = array<i32>} : memref<3x4x128xf32, #tpu.memory_space<vmem>>, vector<16xf32>,
    %mul3A_2231 = arith.mulf %get3A_2218, %get3A_2218 : vector<16xf32>
    %mul3A_2232 = arith.mulf %get3A_2224, %get3A_2224 : vector<16xf32>
    %add3A_2233 = arith.addf %mul3A_2231, %mul3A_2232 : vector<16xf32>
    %mul3A_2234 = arith.mulf %get3A_2230, %get3A_2230 : vector<16xf32>
    %add3A_2235 = arith.addf %add3A_2233, %mul3A_2234 : vector<16xf32>
    %mul3A_2236 = arith.constant 3.000000e+00 : f32
    %mul3A_2237 = vector.broadcast %mul3A_2236 : f32 to vector<16xf32>
    %mul3A_2238 = arith.mulf %mul3A_2237, %add3A_2235 : vector<16xf32>
    %min3A_2239 = arith.constant 3.000000e+38 : f32
    %min3A_2240 = vector.broadcast %min3A_2239 : f32 to vector<16xf32>
    %min3A_2241 = arith.minimumf %mul3A_2238, %min3A_2240 : vector<16xf32>
    %bitcast_convert_type3A_2242 = tpu.bitcast %min3A_2241 : vector<16xf32> -> vector<16xi32>
    %shift_right_arithmetic3A_2243 = arith.constant 1 : i32
    %shift_right_arithmetic3A_2244 = vector.broadcast %shift_right_arithmetic3A_2243 : i32 to vector<16xi32>
    %shift_right_arithmetic3A_2245 = arith.shrsi %bitcast_convert_type3A_2242, %shift_right_arithmetic3A_2244 : vector<16xi32>
    %sub3A_2246 = arith.constant 1597463007 : i32
    %sub3A_2247 = vector.broadcast %sub3A_2246 : i32 to vector<16xi32>
    %sub3A_2248 = arith.subi %sub3A_2247, %shift_right_arithmetic3A_2245 : vector<16xi32>
    %bitcast_convert_type3A_2249 = tpu.bitcast %sub3A_2248 : vector<16xi32> -> vector<16xf32>
    %mul3A_2250 = arith.constant 5.000000e-01 : f32
    %mul3A_2251 = vector.broadcast %mul3A_2250 : f32 to vector<16xf32>
    %mul3A_2252 = arith.mulf %mul3A_2251, %min3A_2241 : vector<16xf32>
    %mul3A_2253 = arith.mulf %mul3A_2252, %bitcast_convert_type3A_2249 : vector<16xf32>
    %mul3A_2254 = arith.mulf %mul3A_2253, %bitcast_convert_type3A_2249 : vector<16xf32>
    %sub3A_2255 = arith.constant 1.500000e+00 : f32
    %sub3A_2256 = vector.broadcast %sub3A_2255 : f32 to vector<16xf32>
    %sub3A_2257 = arith.subf %sub3A_2256, %mul3A_2254 : vector<16xf32>
    %mul3A_2258 = arith.mulf %bitcast_convert_type3A_2249, %sub3A_2257 : vector<16xf32>
    %mul3A_2259 = arith.constant 5.000000e-01 : f32
    %mul3A_2260 = vector.broadcast %mul3A_2259 : f32 to vector<16xf32>
    %mul3A_2261 = arith.mulf %mul3A_2260, %min3A_2241 : vector<16xf32>
    %mul3A_2262 = arith.mulf %mul3A_2261, %mul3A_2258 : vector<16xf32>
    %mul3A_2263 = arith.mulf %mul3A_2262, %mul3A_2258 : vector<16xf32>
    %sub3A_2264 = arith.constant 1.500000e+00 : f32
    %sub3A_2265 = vector.broadcast %sub3A_2264 : f32 to vector<16xf32>
    %sub3A_2266 = arith.subf %sub3A_2265, %mul3A_2263 : vector<16xf32>
    %mul3A_2267 = arith.mulf %mul3A_2258, %sub3A_2266 : vector<16xf32>
    %mul3A_2268 = arith.constant 5.000000e-01 : f32
    %mul3A_2269 = vector.broadcast %mul3A_2268 : f32 to vector<16xf32>
    %mul3A_2270 = arith.mulf %mul3A_2269, %min3A_2241 : vector<16xf32>
    %mul3A_2271 = arith.mulf %mul3A_2270, %mul3A_2267 : vector<16xf32>
    %mul3A_2272 = arith.mulf %mul3A_2271, %mul3A_2267 : vector<16xf32>
    %sub3A_2273 = arith.constant 1.500000e+00 : f32
    %sub3A_2274 = vector.broadcast %sub3A_2273 : f32 to vector<16xf32>
    %sub3A_2275 = arith.subf %sub3A_2274, %mul3A_2272 : vector<16xf32>
    %mul3A_2276 = arith.mulf %mul3A_2267, %sub3A_2275 : vector<16xf32>
    %mul3A_2277 = arith.mulf %min3A_2241, %mul3A_2276 : vector<16xf32>
    %neg3A_2278 = arith.constant 0.000000e+00 : f32
    %neg3A_2279 = vector.broadcast %neg3A_2278 : f32 to vector<16xf32>
    %neg3A_2280 = arith.subf %neg3A_2279, %mul3A_2277 : vector<16xf32>
    %exp3A_2281 = math.exp %neg3A_2280 : vector<16xf32>
    %add3A_2282 = arith.constant 1.000000e+00 : f32
    %add3A_2283 = vector.broadcast %add3A_2282 : f32 to vector<16xf32>
    %add3A_2284 = arith.addf %add3A_2283, %exp3A_2281 : vector<16xf32>
    %div3A_2285 = arith.constant 1.000000e+00 : f32
    %div3A_2286 = vector.broadcast %div3A_2285 : f32 to vector<16xf32>
    %div3A_2287 = arith.divf %div3A_2286, %add3A_2284 : vector<16xf32>
    %swap3A_2288 = arith.constant 400 : index
    %swap3A_2289 = tpu.vector_load %arg9[%swap3A_2288] {strides = array<i32>} : memref<512xf32, #tpu.memory_space<vmem>>, vector<16xf32>,
    tpu.vector_store %arg9[%swap3A_2288], %div3A_2287 {strides = array<i32>} : memref<512xf32, #tpu.memory_space<vmem>>, vector<16xf32>,
    %get3A_2290 = arith.constant 0 : i32
    %get3A_2291 = arith.constant 3 : i32
    %get3A_2292 = arith.index_cast %get3A_2290 : i32 to index
    %get3A_2293 = arith.index_cast %get3A_2291 : i32 to index
    %get3A_2294 = arith.constant 32 : index
    %get3A_2295 = tpu.vector_load %arg8[%get3A_2292, %get3A_2293, %get3A_2294] {strides = array<i32>} : memref<3x4x128xf32, #tpu.memory_space<vmem>>, vector<16xf32>,
    %get3A_2296 = arith.constant 1 : i32
    %get3A_2297 = arith.constant 3 : i32
    %get3A_2298 = arith.index_cast %get3A_2296 : i32 to index
    %get3A_2299 = arith.index_cast %get3A_2297 : i32 to index
    %get3A_2300 = arith.constant 32 : index
    %get3A_2301 = tpu.vector_load %arg8[%get3A_2298, %get3A_2299, %get3A_2300] {strides = array<i32>} : memref<3x4x128xf32, #tpu.memory_space<vmem>>, vector<16xf32>,
    %get3A_2302 = arith.constant 2 : i32
    %get3A_2303 = arith.constant 3 : i32
    %get3A_2304 = arith.index_cast %get3A_2302 : i32 to index
    %get3A_2305 = arith.index_cast %get3A_2303 : i32 to index
    %get3A_2306 = arith.constant 32 : index
    %get3A_2307 = tpu.vector_load %arg8[%get3A_2304, %get3A_2305, %get3A_2306] {strides = array<i32>} : memref<3x4x128xf32, #tpu.memory_space<vmem>>, vector<16xf32>,
    %mul3A_2308 = arith.mulf %get3A_2295, %get3A_2295 : vector<16xf32>
    %mul3A_2309 = arith.mulf %get3A_2301, %get3A_2301 : vector<16xf32>
    %add3A_2310 = arith.addf %mul3A_2308, %mul3A_2309 : vector<16xf32>
    %mul3A_2311 = arith.mulf %get3A_2307, %get3A_2307 : vector<16xf32>
    %add3A_2312 = arith.addf %add3A_2310, %mul3A_2311 : vector<16xf32>
    %mul3A_2313 = arith.constant 3.000000e+00 : f32
    %mul3A_2314 = vector.broadcast %mul3A_2313 : f32 to vector<16xf32>
    %mul3A_2315 = arith.mulf %mul3A_2314, %add3A_2312 : vector<16xf32>
    %min3A_2316 = arith.constant 3.000000e+38 : f32
    %min3A_2317 = vector.broadcast %min3A_2316 : f32 to vector<16xf32>
    %min3A_2318 = arith.minimumf %mul3A_2315, %min3A_2317 : vector<16xf32>
    %bitcast_convert_type3A_2319 = tpu.bitcast %min3A_2318 : vector<16xf32> -> vector<16xi32>
    %shift_right_arithmetic3A_2320 = arith.constant 1 : i32
    %shift_right_arithmetic3A_2321 = vector.broadcast %shift_right_arithmetic3A_2320 : i32 to vector<16xi32>
    %shift_right_arithmetic3A_2322 = arith.shrsi %bitcast_convert_type3A_2319, %shift_right_arithmetic3A_2321 : vector<16xi32>
    %sub3A_2323 = arith.constant 1597463007 : i32
    %sub3A_2324 = vector.broadcast %sub3A_2323 : i32 to vector<16xi32>
    %sub3A_2325 = arith.subi %sub3A_2324, %shift_right_arithmetic3A_2322 : vector<16xi32>
    %bitcast_convert_type3A_2326 = tpu.bitcast %sub3A_2325 : vector<16xi32> -> vector<16xf32>
    %mul3A_2327 = arith.constant 5.000000e-01 : f32
    %mul3A_2328 = vector.broadcast %mul3A_2327 : f32 to vector<16xf32>
    %mul3A_2329 = arith.mulf %mul3A_2328, %min3A_2318 : vector<16xf32>
    %mul3A_2330 = arith.mulf %mul3A_2329, %bitcast_convert_type3A_2326 : vector<16xf32>
    %mul3A_2331 = arith.mulf %mul3A_2330, %bitcast_convert_type3A_2326 : vector<16xf32>
    %sub3A_2332 = arith.constant 1.500000e+00 : f32
    %sub3A_2333 = vector.broadcast %sub3A_2332 : f32 to vector<16xf32>
    %sub3A_2334 = arith.subf %sub3A_2333, %mul3A_2331 : vector<16xf32>
    %mul3A_2335 = arith.mulf %bitcast_convert_type3A_2326, %sub3A_2334 : vector<16xf32>
    %mul3A_2336 = arith.constant 5.000000e-01 : f32
    %mul3A_2337 = vector.broadcast %mul3A_2336 : f32 to vector<16xf32>
    %mul3A_2338 = arith.mulf %mul3A_2337, %min3A_2318 : vector<16xf32>
    %mul3A_2339 = arith.mulf %mul3A_2338, %mul3A_2335 : vector<16xf32>
    %mul3A_2340 = arith.mulf %mul3A_2339, %mul3A_2335 : vector<16xf32>
    %sub3A_2341 = arith.constant 1.500000e+00 : f32
    %sub3A_2342 = vector.broadcast %sub3A_2341 : f32 to vector<16xf32>
    %sub3A_2343 = arith.subf %sub3A_2342, %mul3A_2340 : vector<16xf32>
    %mul3A_2344 = arith.mulf %mul3A_2335, %sub3A_2343 : vector<16xf32>
    %mul3A_2345 = arith.constant 5.000000e-01 : f32
    %mul3A_2346 = vector.broadcast %mul3A_2345 : f32 to vector<16xf32>
    %mul3A_2347 = arith.mulf %mul3A_2346, %min3A_2318 : vector<16xf32>
    %mul3A_2348 = arith.mulf %mul3A_2347, %mul3A_2344 : vector<16xf32>
    %mul3A_2349 = arith.mulf %mul3A_2348, %mul3A_2344 : vector<16xf32>
    %sub3A_2350 = arith.constant 1.500000e+00 : f32
    %sub3A_2351 = vector.broadcast %sub3A_2350 : f32 to vector<16xf32>
    %sub3A_2352 = arith.subf %sub3A_2351, %mul3A_2349 : vector<16xf32>
    %mul3A_2353 = arith.mulf %mul3A_2344, %sub3A_2352 : vector<16xf32>
    %mul3A_2354 = arith.mulf %min3A_2318, %mul3A_2353 : vector<16xf32>
    %neg3A_2355 = arith.constant 0.000000e+00 : f32
    %neg3A_2356 = vector.broadcast %neg3A_2355 : f32 to vector<16xf32>
    %neg3A_2357 = arith.subf %neg3A_2356, %mul3A_2354 : vector<16xf32>
    %exp3A_2358 = math.exp %neg3A_2357 : vector<16xf32>
    %add3A_2359 = arith.constant 1.000000e+00 : f32
    %add3A_2360 = vector.broadcast %add3A_2359 : f32 to vector<16xf32>
    %add3A_2361 = arith.addf %add3A_2360, %exp3A_2358 : vector<16xf32>
    %div3A_2362 = arith.constant 1.000000e+00 : f32
    %div3A_2363 = vector.broadcast %div3A_2362 : f32 to vector<16xf32>
    %div3A_2364 = arith.divf %div3A_2363, %add3A_2361 : vector<16xf32>
    %swap3A_2365 = arith.constant 416 : index
    %swap3A_2366 = tpu.vector_load %arg9[%swap3A_2365] {strides = array<i32>} : memref<512xf32, #tpu.memory_space<vmem>>, vector<16xf32>,
    tpu.vector_store %arg9[%swap3A_2365], %div3A_2364 {strides = array<i32>} : memref<512xf32, #tpu.memory_space<vmem>>, vector<16xf32>,
    %get3A_2367 = arith.constant 0 : i32
    %get3A_2368 = arith.constant 3 : i32
    %get3A_2369 = arith.index_cast %get3A_2367 : i32 to index
    %get3A_2370 = arith.index_cast %get3A_2368 : i32 to index
    %get3A_2371 = arith.constant 48 : index
    %get3A_2372 = tpu.vector_load %arg8[%get3A_2369, %get3A_2370, %get3A_2371] {strides = array<i32>} : memref<3x4x128xf32, #tpu.memory_space<vmem>>, vector<16xf32>,
    %get3A_2373 = arith.constant 1 : i32
    %get3A_2374 = arith.constant 3 : i32
    %get3A_2375 = arith.index_cast %get3A_2373 : i32 to index
    %get3A_2376 = arith.index_cast %get3A_2374 : i32 to index
    %get3A_2377 = arith.constant 48 : index
    %get3A_2378 = tpu.vector_load %arg8[%get3A_2375, %get3A_2376, %get3A_2377] {strides = array<i32>} : memref<3x4x128xf32, #tpu.memory_space<vmem>>, vector<16xf32>,
    %get3A_2379 = arith.constant 2 : i32
    %get3A_2380 = arith.constant 3 : i32
    %get3A_2381 = arith.index_cast %get3A_2379 : i32 to index
    %get3A_2382 = arith.index_cast %get3A_2380 : i32 to index
    %get3A_2383 = arith.constant 48 : index
    %get3A_2384 = tpu.vector_load %arg8[%get3A_2381, %get3A_2382, %get3A_2383] {strides = array<i32>} : memref<3x4x128xf32, #tpu.memory_space<vmem>>, vector<16xf32>,
    %mul3A_2385 = arith.mulf %get3A_2372, %get3A_2372 : vector<16xf32>
    %mul3A_2386 = arith.mulf %get3A_2378, %get3A_2378 : vector<16xf32>
    %add3A_2387 = arith.addf %mul3A_2385, %mul3A_2386 : vector<16xf32>
    %mul3A_2388 = arith.mulf %get3A_2384, %get3A_2384 : vector<16xf32>
    %add3A_2389 = arith.addf %add3A_2387, %mul3A_2388 : vector<16xf32>
    %mul3A_2390 = arith.constant 3.000000e+00 : f32
    %mul3A_2391 = vector.broadcast %mul3A_2390 : f32 to vector<16xf32>
    %mul3A_2392 = arith.mulf %mul3A_2391, %add3A_2389 : vector<16xf32>
    %min3A_2393 = arith.constant 3.000000e+38 : f32
    %min3A_2394 = vector.broadcast %min3A_2393 : f32 to vector<16xf32>
    %min3A_2395 = arith.minimumf %mul3A_2392, %min3A_2394 : vector<16xf32>
    %bitcast_convert_type3A_2396 = tpu.bitcast %min3A_2395 : vector<16xf32> -> vector<16xi32>
    %shift_right_arithmetic3A_2397 = arith.constant 1 : i32
    %shift_right_arithmetic3A_2398 = vector.broadcast %shift_right_arithmetic3A_2397 : i32 to vector<16xi32>
    %shift_right_arithmetic3A_2399 = arith.shrsi %bitcast_convert_type3A_2396, %shift_right_arithmetic3A_2398 : vector<16xi32>
    %sub3A_2400 = arith.constant 1597463007 : i32
    %sub3A_2401 = vector.broadcast %sub3A_2400 : i32 to vector<16xi32>
    %sub3A_2402 = arith.subi %sub3A_2401, %shift_right_arithmetic3A_2399 : vector<16xi32>
    %bitcast_convert_type3A_2403 = tpu.bitcast %sub3A_2402 : vector<16xi32> -> vector<16xf32>
    %mul3A_2404 = arith.constant 5.000000e-01 : f32
    %mul3A_2405 = vector.broadcast %mul3A_2404 : f32 to vector<16xf32>
    %mul3A_2406 = arith.mulf %mul3A_2405, %min3A_2395 : vector<16xf32>
    %mul3A_2407 = arith.mulf %mul3A_2406, %bitcast_convert_type3A_2403 : vector<16xf32>
    %mul3A_2408 = arith.mulf %mul3A_2407, %bitcast_convert_type3A_2403 : vector<16xf32>
    %sub3A_2409 = arith.constant 1.500000e+00 : f32
    %sub3A_2410 = vector.broadcast %sub3A_2409 : f32 to vector<16xf32>
    %sub3A_2411 = arith.subf %sub3A_2410, %mul3A_2408 : vector<16xf32>
    %mul3A_2412 = arith.mulf %bitcast_convert_type3A_2403, %sub3A_2411 : vector<16xf32>
    %mul3A_2413 = arith.constant 5.000000e-01 : f32
    %mul3A_2414 = vector.broadcast %mul3A_2413 : f32 to vector<16xf32>
    %mul3A_2415 = arith.mulf %mul3A_2414, %min3A_2395 : vector<16xf32>
    %mul3A_2416 = arith.mulf %mul3A_2415, %mul3A_2412 : vector<16xf32>
    %mul3A_2417 = arith.mulf %mul3A_2416, %mul3A_2412 : vector<16xf32>
    %sub3A_2418 = arith.constant 1.500000e+00 : f32
    %sub3A_2419 = vector.broadcast %sub3A_2418 : f32 to vector<16xf32>
    %sub3A_2420 = arith.subf %sub3A_2419, %mul3A_2417 : vector<16xf32>
    %mul3A_2421 = arith.mulf %mul3A_2412, %sub3A_2420 : vector<16xf32>
    %mul3A_2422 = arith.constant 5.000000e-01 : f32
    %mul3A_2423 = vector.broadcast %mul3A_2422 : f32 to vector<16xf32>
    %mul3A_2424 = arith.mulf %mul3A_2423, %min3A_2395 : vector<16xf32>
    %mul3A_2425 = arith.mulf %mul3A_2424, %mul3A_2421 : vector<16xf32>
    %mul3A_2426 = arith.mulf %mul3A_2425, %mul3A_2421 : vector<16xf32>
    %sub3A_2427 = arith.constant 1.500000e+00 : f32
    %sub3A_2428 = vector.broadcast %sub3A_2427 : f32 to vector<16xf32>
    %sub3A_2429 = arith.subf %sub3A_2428, %mul3A_2426 : vector<16xf32>
    %mul3A_2430 = arith.mulf %mul3A_2421, %sub3A_2429 : vector<16xf32>
    %mul3A_2431 = arith.mulf %min3A_2395, %mul3A_2430 : vector<16xf32>
    %neg3A_2432 = arith.constant 0.000000e+00 : f32
    %neg3A_2433 = vector.broadcast %neg3A_2432 : f32 to vector<16xf32>
    %neg3A_2434 = arith.subf %neg3A_2433, %mul3A_2431 : vector<16xf32>
    %exp3A_2435 = math.exp %neg3A_2434 : vector<16xf32>
    %add3A_2436 = arith.constant 1.000000e+00 : f32
    %add3A_2437 = vector.broadcast %add3A_2436 : f32 to vector<16xf32>
    %add3A_2438 = arith.addf %add3A_2437, %exp3A_2435 : vector<16xf32>
    %div3A_2439 = arith.constant 1.000000e+00 : f32
    %div3A_2440 = vector.broadcast %div3A_2439 : f32 to vector<16xf32>
    %div3A_2441 = arith.divf %div3A_2440, %add3A_2438 : vector<16xf32>
    %swap3A_2442 = arith.constant 432 : index
    %swap3A_2443 = tpu.vector_load %arg9[%swap3A_2442] {strides = array<i32>} : memref<512xf32, #tpu.memory_space<vmem>>, vector<16xf32>,
    tpu.vector_store %arg9[%swap3A_2442], %div3A_2441 {strides = array<i32>} : memref<512xf32, #tpu.memory_space<vmem>>, vector<16xf32>,
    %get3A_2444 = arith.constant 0 : i32
    %get3A_2445 = arith.constant 3 : i32
    %get3A_2446 = arith.index_cast %get3A_2444 : i32 to index
    %get3A_2447 = arith.index_cast %get3A_2445 : i32 to index
    %get3A_2448 = arith.constant 64 : index
    %get3A_2449 = tpu.vector_load %arg8[%get3A_2446, %get3A_2447, %get3A_2448] {strides = array<i32>} : memref<3x4x128xf32, #tpu.memory_space<vmem>>, vector<16xf32>,
    %get3A_2450 = arith.constant 1 : i32
    %get3A_2451 = arith.constant 3 : i32
    %get3A_2452 = arith.index_cast %get3A_2450 : i32 to index
    %get3A_2453 = arith.index_cast %get3A_2451 : i32 to index
    %get3A_2454 = arith.constant 64 : index
    %get3A_2455 = tpu.vector_load %arg8[%get3A_2452, %get3A_2453, %get3A_2454] {strides = array<i32>} : memref<3x4x128xf32, #tpu.memory_space<vmem>>, vector<16xf32>,
    %get3A_2456 = arith.constant 2 : i32
    %get3A_2457 = arith.constant 3 : i32
    %get3A_2458 = arith.index_cast %get3A_2456 : i32 to index
    %get3A_2459 = arith.index_cast %get3A_2457 : i32 to index
    %get3A_2460 = arith.constant 64 : index
    %get3A_2461 = tpu.vector_load %arg8[%get3A_2458, %get3A_2459, %get3A_2460] {strides = array<i32>} : memref<3x4x128xf32, #tpu.memory_space<vmem>>, vector<16xf32>,
    %mul3A_2462 = arith.mulf %get3A_2449, %get3A_2449 : vector<16xf32>
    %mul3A_2463 = arith.mulf %get3A_2455, %get3A_2455 : vector<16xf32>
    %add3A_2464 = arith.addf %mul3A_2462, %mul3A_2463 : vector<16xf32>
    %mul3A_2465 = arith.mulf %get3A_2461, %get3A_2461 : vector<16xf32>
    %add3A_2466 = arith.addf %add3A_2464, %mul3A_2465 : vector<16xf32>
    %mul3A_2467 = arith.constant 3.000000e+00 : f32
    %mul3A_2468 = vector.broadcast %mul3A_2467 : f32 to vector<16xf32>
    %mul3A_2469 = arith.mulf %mul3A_2468, %add3A_2466 : vector<16xf32>
    %min3A_2470 = arith.constant 3.000000e+38 : f32
    %min3A_2471 = vector.broadcast %min3A_2470 : f32 to vector<16xf32>
    %min3A_2472 = arith.minimumf %mul3A_2469, %min3A_2471 : vector<16xf32>
    %bitcast_convert_type3A_2473 = tpu.bitcast %min3A_2472 : vector<16xf32> -> vector<16xi32>
    %shift_right_arithmetic3A_2474 = arith.constant 1 : i32
    %shift_right_arithmetic3A_2475 = vector.broadcast %shift_right_arithmetic3A_2474 : i32 to vector<16xi32>
    %shift_right_arithmetic3A_2476 = arith.shrsi %bitcast_convert_type3A_2473, %shift_right_arithmetic3A_2475 : vector<16xi32>
    %sub3A_2477 = arith.constant 1597463007 : i32
    %sub3A_2478 = vector.broadcast %sub3A_2477 : i32 to vector<16xi32>
    %sub3A_2479 = arith.subi %sub3A_2478, %shift_right_arithmetic3A_2476 : vector<16xi32>
    %bitcast_convert_type3A_2480 = tpu.bitcast %sub3A_2479 : vector<16xi32> -> vector<16xf32>
    %mul3A_2481 = arith.constant 5.000000e-01 : f32
    %mul3A_2482 = vector.broadcast %mul3A_2481 : f32 to vector<16xf32>
    %mul3A_2483 = arith.mulf %mul3A_2482, %min3A_2472 : vector<16xf32>
    %mul3A_2484 = arith.mulf %mul3A_2483, %bitcast_convert_type3A_2480 : vector<16xf32>
    %mul3A_2485 = arith.mulf %mul3A_2484, %bitcast_convert_type3A_2480 : vector<16xf32>
    %sub3A_2486 = arith.constant 1.500000e+00 : f32
    %sub3A_2487 = vector.broadcast %sub3A_2486 : f32 to vector<16xf32>
    %sub3A_2488 = arith.subf %sub3A_2487, %mul3A_2485 : vector<16xf32>
    %mul3A_2489 = arith.mulf %bitcast_convert_type3A_2480, %sub3A_2488 : vector<16xf32>
    %mul3A_2490 = arith.constant 5.000000e-01 : f32
    %mul3A_2491 = vector.broadcast %mul3A_2490 : f32 to vector<16xf32>
    %mul3A_2492 = arith.mulf %mul3A_2491, %min3A_2472 : vector<16xf32>
    %mul3A_2493 = arith.mulf %mul3A_2492, %mul3A_2489 : vector<16xf32>
    %mul3A_2494 = arith.mulf %mul3A_2493, %mul3A_2489 : vector<16xf32>
    %sub3A_2495 = arith.constant 1.500000e+00 : f32
    %sub3A_2496 = vector.broadcast %sub3A_2495 : f32 to vector<16xf32>
    %sub3A_2497 = arith.subf %sub3A_2496, %mul3A_2494 : vector<16xf32>
    %mul3A_2498 = arith.mulf %mul3A_2489, %sub3A_2497 : vector<16xf32>
    %mul3A_2499 = arith.constant 5.000000e-01 : f32
    %mul3A_2500 = vector.broadcast %mul3A_2499 : f32 to vector<16xf32>
    %mul3A_2501 = arith.mulf %mul3A_2500, %min3A_2472 : vector<16xf32>
    %mul3A_2502 = arith.mulf %mul3A_2501, %mul3A_2498 : vector<16xf32>
    %mul3A_2503 = arith.mulf %mul3A_2502, %mul3A_2498 : vector<16xf32>
    %sub3A_2504 = arith.constant 1.500000e+00 : f32
    %sub3A_2505 = vector.broadcast %sub3A_2504 : f32 to vector<16xf32>
    %sub3A_2506 = arith.subf %sub3A_2505, %mul3A_2503 : vector<16xf32>
    %mul3A_2507 = arith.mulf %mul3A_2498, %sub3A_2506 : vector<16xf32>
    %mul3A_2508 = arith.mulf %min3A_2472, %mul3A_2507 : vector<16xf32>
    %neg3A_2509 = arith.constant 0.000000e+00 : f32
    %neg3A_2510 = vector.broadcast %neg3A_2509 : f32 to vector<16xf32>
    %neg3A_2511 = arith.subf %neg3A_2510, %mul3A_2508 : vector<16xf32>
    %exp3A_2512 = math.exp %neg3A_2511 : vector<16xf32>
    %add3A_2513 = arith.constant 1.000000e+00 : f32
    %add3A_2514 = vector.broadcast %add3A_2513 : f32 to vector<16xf32>
    %add3A_2515 = arith.addf %add3A_2514, %exp3A_2512 : vector<16xf32>
    %div3A_2516 = arith.constant 1.000000e+00 : f32
    %div3A_2517 = vector.broadcast %div3A_2516 : f32 to vector<16xf32>
    %div3A_2518 = arith.divf %div3A_2517, %add3A_2515 : vector<16xf32>
    %swap3A_2519 = arith.constant 448 : index
    %swap3A_2520 = tpu.vector_load %arg9[%swap3A_2519] {strides = array<i32>} : memref<512xf32, #tpu.memory_space<vmem>>, vector<16xf32>,
    tpu.vector_store %arg9[%swap3A_2519], %div3A_2518 {strides = array<i32>} : memref<512xf32, #tpu.memory_space<vmem>>, vector<16xf32>,
    %get3A_2521 = arith.constant 0 : i32
    %get3A_2522 = arith.constant 3 : i32
    %get3A_2523 = arith.index_cast %get3A_2521 : i32 to index
    %get3A_2524 = arith.index_cast %get3A_2522 : i32 to index
    %get3A_2525 = arith.constant 80 : index
    %get3A_2526 = tpu.vector_load %arg8[%get3A_2523, %get3A_2524, %get3A_2525] {strides = array<i32>} : memref<3x4x128xf32, #tpu.memory_space<vmem>>, vector<16xf32>,
    %get3A_2527 = arith.constant 1 : i32
    %get3A_2528 = arith.constant 3 : i32
    %get3A_2529 = arith.index_cast %get3A_2527 : i32 to index
    %get3A_2530 = arith.index_cast %get3A_2528 : i32 to index
    %get3A_2531 = arith.constant 80 : index
    %get3A_2532 = tpu.vector_load %arg8[%get3A_2529, %get3A_2530, %get3A_2531] {strides = array<i32>} : memref<3x4x128xf32, #tpu.memory_space<vmem>>, vector<16xf32>,
    %get3A_2533 = arith.constant 2 : i32
    %get3A_2534 = arith.constant 3 : i32
    %get3A_2535 = arith.index_cast %get3A_2533 : i32 to index
    %get3A_2536 = arith.index_cast %get3A_2534 : i32 to index
    %get3A_2537 = arith.constant 80 : index
    %get3A_2538 = tpu.vector_load %arg8[%get3A_2535, %get3A_2536, %get3A_2537] {strides = array<i32>} : memref<3x4x128xf32, #tpu.memory_space<vmem>>, vector<16xf32>,
    %mul3A_2539 = arith.mulf %get3A_2526, %get3A_2526 : vector<16xf32>
    %mul3A_2540 = arith.mulf %get3A_2532, %get3A_2532 : vector<16xf32>
    %add3A_2541 = arith.addf %mul3A_2539, %mul3A_2540 : vector<16xf32>
    %mul3A_2542 = arith.mulf %get3A_2538, %get3A_2538 : vector<16xf32>
    %add3A_2543 = arith.addf %add3A_2541, %mul3A_2542 : vector<16xf32>
    %mul3A_2544 = arith.constant 3.000000e+00 : f32
    %mul3A_2545 = vector.broadcast %mul3A_2544 : f32 to vector<16xf32>
    %mul3A_2546 = arith.mulf %mul3A_2545, %add3A_2543 : vector<16xf32>
    %min3A_2547 = arith.constant 3.000000e+38 : f32
    %min3A_2548 = vector.broadcast %min3A_2547 : f32 to vector<16xf32>
    %min3A_2549 = arith.minimumf %mul3A_2546, %min3A_2548 : vector<16xf32>
    %bitcast_convert_type3A_2550 = tpu.bitcast %min3A_2549 : vector<16xf32> -> vector<16xi32>
    %shift_right_arithmetic3A_2551 = arith.constant 1 : i32
    %shift_right_arithmetic3A_2552 = vector.broadcast %shift_right_arithmetic3A_2551 : i32 to vector<16xi32>
    %shift_right_arithmetic3A_2553 = arith.shrsi %bitcast_convert_type3A_2550, %shift_right_arithmetic3A_2552 : vector<16xi32>
    %sub3A_2554 = arith.constant 1597463007 : i32
    %sub3A_2555 = vector.broadcast %sub3A_2554 : i32 to vector<16xi32>
    %sub3A_2556 = arith.subi %sub3A_2555, %shift_right_arithmetic3A_2553 : vector<16xi32>
    %bitcast_convert_type3A_2557 = tpu.bitcast %sub3A_2556 : vector<16xi32> -> vector<16xf32>
    %mul3A_2558 = arith.constant 5.000000e-01 : f32
    %mul3A_2559 = vector.broadcast %mul3A_2558 : f32 to vector<16xf32>
    %mul3A_2560 = arith.mulf %mul3A_2559, %min3A_2549 : vector<16xf32>
    %mul3A_2561 = arith.mulf %mul3A_2560, %bitcast_convert_type3A_2557 : vector<16xf32>
    %mul3A_2562 = arith.mulf %mul3A_2561, %bitcast_convert_type3A_2557 : vector<16xf32>
    %sub3A_2563 = arith.constant 1.500000e+00 : f32
    %sub3A_2564 = vector.broadcast %sub3A_2563 : f32 to vector<16xf32>
    %sub3A_2565 = arith.subf %sub3A_2564, %mul3A_2562 : vector<16xf32>
    %mul3A_2566 = arith.mulf %bitcast_convert_type3A_2557, %sub3A_2565 : vector<16xf32>
    %mul3A_2567 = arith.constant 5.000000e-01 : f32
    %mul3A_2568 = vector.broadcast %mul3A_2567 : f32 to vector<16xf32>
    %mul3A_2569 = arith.mulf %mul3A_2568, %min3A_2549 : vector<16xf32>
    %mul3A_2570 = arith.mulf %mul3A_2569, %mul3A_2566 : vector<16xf32>
    %mul3A_2571 = arith.mulf %mul3A_2570, %mul3A_2566 : vector<16xf32>
    %sub3A_2572 = arith.constant 1.500000e+00 : f32
    %sub3A_2573 = vector.broadcast %sub3A_2572 : f32 to vector<16xf32>
    %sub3A_2574 = arith.subf %sub3A_2573, %mul3A_2571 : vector<16xf32>
    %mul3A_2575 = arith.mulf %mul3A_2566, %sub3A_2574 : vector<16xf32>
    %mul3A_2576 = arith.constant 5.000000e-01 : f32
    %mul3A_2577 = vector.broadcast %mul3A_2576 : f32 to vector<16xf32>
    %mul3A_2578 = arith.mulf %mul3A_2577, %min3A_2549 : vector<16xf32>
    %mul3A_2579 = arith.mulf %mul3A_2578, %mul3A_2575 : vector<16xf32>
    %mul3A_2580 = arith.mulf %mul3A_2579, %mul3A_2575 : vector<16xf32>
    %sub3A_2581 = arith.constant 1.500000e+00 : f32
    %sub3A_2582 = vector.broadcast %sub3A_2581 : f32 to vector<16xf32>
    %sub3A_2583 = arith.subf %sub3A_2582, %mul3A_2580 : vector<16xf32>
    %mul3A_2584 = arith.mulf %mul3A_2575, %sub3A_2583 : vector<16xf32>
    %mul3A_2585 = arith.mulf %min3A_2549, %mul3A_2584 : vector<16xf32>
    %neg3A_2586 = arith.constant 0.000000e+00 : f32
    %neg3A_2587 = vector.broadcast %neg3A_2586 : f32 to vector<16xf32>
    %neg3A_2588 = arith.subf %neg3A_2587, %mul3A_2585 : vector<16xf32>
    %exp3A_2589 = math.exp %neg3A_2588 : vector<16xf32>
    %add3A_2590 = arith.constant 1.000000e+00 : f32
    %add3A_2591 = vector.broadcast %add3A_2590 : f32 to vector<16xf32>
    %add3A_2592 = arith.addf %add3A_2591, %exp3A_2589 : vector<16xf32>
    %div3A_2593 = arith.constant 1.000000e+00 : f32
    %div3A_2594 = vector.broadcast %div3A_2593 : f32 to vector<16xf32>
    %div3A_2595 = arith.divf %div3A_2594, %add3A_2592 : vector<16xf32>
    %swap3A_2596 = arith.constant 464 : index
    %swap3A_2597 = tpu.vector_load %arg9[%swap3A_2596] {strides = array<i32>} : memref<512xf32, #tpu.memory_space<vmem>>, vector<16xf32>,
    tpu.vector_store %arg9[%swap3A_2596], %div3A_2595 {strides = array<i32>} : memref<512xf32, #tpu.memory_space<vmem>>, vector<16xf32>,
    %get3A_2598 = arith.constant 0 : i32
    %get3A_2599 = arith.constant 3 : i32
    %get3A_2600 = arith.index_cast %get3A_2598 : i32 to index
    %get3A_2601 = arith.index_cast %get3A_2599 : i32 to index
    %get3A_2602 = arith.constant 96 : index
    %get3A_2603 = tpu.vector_load %arg8[%get3A_2600, %get3A_2601, %get3A_2602] {strides = array<i32>} : memref<3x4x128xf32, #tpu.memory_space<vmem>>, vector<16xf32>,
    %get3A_2604 = arith.constant 1 : i32
    %get3A_2605 = arith.constant 3 : i32
    %get3A_2606 = arith.index_cast %get3A_2604 : i32 to index
    %get3A_2607 = arith.index_cast %get3A_2605 : i32 to index
    %get3A_2608 = arith.constant 96 : index
    %get3A_2609 = tpu.vector_load %arg8[%get3A_2606, %get3A_2607, %get3A_2608] {strides = array<i32>} : memref<3x4x128xf32, #tpu.memory_space<vmem>>, vector<16xf32>,
    %get3A_2610 = arith.constant 2 : i32
    %get3A_2611 = arith.constant 3 : i32
    %get3A_2612 = arith.index_cast %get3A_2610 : i32 to index
    %get3A_2613 = arith.index_cast %get3A_2611 : i32 to index
    %get3A_2614 = arith.constant 96 : index
    %get3A_2615 = tpu.vector_load %arg8[%get3A_2612, %get3A_2613, %get3A_2614] {strides = array<i32>} : memref<3x4x128xf32, #tpu.memory_space<vmem>>, vector<16xf32>,
    %mul3A_2616 = arith.mulf %get3A_2603, %get3A_2603 : vector<16xf32>
    %mul3A_2617 = arith.mulf %get3A_2609, %get3A_2609 : vector<16xf32>
    %add3A_2618 = arith.addf %mul3A_2616, %mul3A_2617 : vector<16xf32>
    %mul3A_2619 = arith.mulf %get3A_2615, %get3A_2615 : vector<16xf32>
    %add3A_2620 = arith.addf %add3A_2618, %mul3A_2619 : vector<16xf32>
    %mul3A_2621 = arith.constant 3.000000e+00 : f32
    %mul3A_2622 = vector.broadcast %mul3A_2621 : f32 to vector<16xf32>
    %mul3A_2623 = arith.mulf %mul3A_2622, %add3A_2620 : vector<16xf32>
    %min3A_2624 = arith.constant 3.000000e+38 : f32
    %min3A_2625 = vector.broadcast %min3A_2624 : f32 to vector<16xf32>
    %min3A_2626 = arith.minimumf %mul3A_2623, %min3A_2625 : vector<16xf32>
    %bitcast_convert_type3A_2627 = tpu.bitcast %min3A_2626 : vector<16xf32> -> vector<16xi32>
    %shift_right_arithmetic3A_2628 = arith.constant 1 : i32
    %shift_right_arithmetic3A_2629 = vector.broadcast %shift_right_arithmetic3A_2628 : i32 to vector<16xi32>
    %shift_right_arithmetic3A_2630 = arith.shrsi %bitcast_convert_type3A_2627, %shift_right_arithmetic3A_2629 : vector<16xi32>
    %sub3A_2631 = arith.constant 1597463007 : i32
    %sub3A_2632 = vector.broadcast %sub3A_2631 : i32 to vector<16xi32>
    %sub3A_2633 = arith.subi %sub3A_2632, %shift_right_arithmetic3A_2630 : vector<16xi32>
    %bitcast_convert_type3A_2634 = tpu.bitcast %sub3A_2633 : vector<16xi32> -> vector<16xf32>
    %mul3A_2635 = arith.constant 5.000000e-01 : f32
    %mul3A_2636 = vector.broadcast %mul3A_2635 : f32 to vector<16xf32>
    %mul3A_2637 = arith.mulf %mul3A_2636, %min3A_2626 : vector<16xf32>
    %mul3A_2638 = arith.mulf %mul3A_2637, %bitcast_convert_type3A_2634 : vector<16xf32>
    %mul3A_2639 = arith.mulf %mul3A_2638, %bitcast_convert_type3A_2634 : vector<16xf32>
    %sub3A_2640 = arith.constant 1.500000e+00 : f32
    %sub3A_2641 = vector.broadcast %sub3A_2640 : f32 to vector<16xf32>
    %sub3A_2642 = arith.subf %sub3A_2641, %mul3A_2639 : vector<16xf32>
    %mul3A_2643 = arith.mulf %bitcast_convert_type3A_2634, %sub3A_2642 : vector<16xf32>
    %mul3A_2644 = arith.constant 5.000000e-01 : f32
    %mul3A_2645 = vector.broadcast %mul3A_2644 : f32 to vector<16xf32>
    %mul3A_2646 = arith.mulf %mul3A_2645, %min3A_2626 : vector<16xf32>
    %mul3A_2647 = arith.mulf %mul3A_2646, %mul3A_2643 : vector<16xf32>
    %mul3A_2648 = arith.mulf %mul3A_2647, %mul3A_2643 : vector<16xf32>
    %sub3A_2649 = arith.constant 1.500000e+00 : f32
    %sub3A_2650 = vector.broadcast %sub3A_2649 : f32 to vector<16xf32>
    %sub3A_2651 = arith.subf %sub3A_2650, %mul3A_2648 : vector<16xf32>
    %mul3A_2652 = arith.mulf %mul3A_2643, %sub3A_2651 : vector<16xf32>
    %mul3A_2653 = arith.constant 5.000000e-01 : f32
    %mul3A_2654 = vector.broadcast %mul3A_2653 : f32 to vector<16xf32>
    %mul3A_2655 = arith.mulf %mul3A_2654, %min3A_2626 : vector<16xf32>
    %mul3A_2656 = arith.mulf %mul3A_2655, %mul3A_2652 : vector<16xf32>
    %mul3A_2657 = arith.mulf %mul3A_2656, %mul3A_2652 : vector<16xf32>
    %sub3A_2658 = arith.constant 1.500000e+00 : f32
    %sub3A_2659 = vector.broadcast %sub3A_2658 : f32 to vector<16xf32>
    %sub3A_2660 = arith.subf %sub3A_2659, %mul3A_2657 : vector<16xf32>
    %mul3A_2661 = arith.mulf %mul3A_2652, %sub3A_2660 : vector<16xf32>
    %mul3A_2662 = arith.mulf %min3A_2626, %mul3A_2661 : vector<16xf32>
    %neg3A_2663 = arith.constant 0.000000e+00 : f32
    %neg3A_2664 = vector.broadcast %neg3A_2663 : f32 to vector<16xf32>
    %neg3A_2665 = arith.subf %neg3A_2664, %mul3A_2662 : vector<16xf32>
    %exp3A_2666 = math.exp %neg3A_2665 : vector<16xf32>
    %add3A_2667 = arith.constant 1.000000e+00 : f32
    %add3A_2668 = vector.broadcast %add3A_2667 : f32 to vector<16xf32>
    %add3A_2669 = arith.addf %add3A_2668, %exp3A_2666 : vector<16xf32>
    %div3A_2670 = arith.constant 1.000000e+00 : f32
    %div3A_2671 = vector.broadcast %div3A_2670 : f32 to vector<16xf32>
    %div3A_2672 = arith.divf %div3A_2671, %add3A_2669 : vector<16xf32>
    %swap3A_2673 = arith.constant 480 : index
    %swap3A_2674 = tpu.vector_load %arg9[%swap3A_2673] {strides = array<i32>} : memref<512xf32, #tpu.memory_space<vmem>>, vector<16xf32>,
    tpu.vector_store %arg9[%swap3A_2673], %div3A_2672 {strides = array<i32>} : memref<512xf32, #tpu.memory_space<vmem>>, vector<16xf32>,
    %get3A_2675 = arith.constant 0 : i32
    %get3A_2676 = arith.constant 3 : i32
    %get3A_2677 = arith.index_cast %get3A_2675 : i32 to index
    %get3A_2678 = arith.index_cast %get3A_2676 : i32 to index
    %get3A_2679 = arith.constant 112 : index
    %get3A_2680 = tpu.vector_load %arg8[%get3A_2677, %get3A_2678, %get3A_2679] {strides = array<i32>} : memref<3x4x128xf32, #tpu.memory_space<vmem>>, vector<16xf32>,
    %get3A_2681 = arith.constant 1 : i32
    %get3A_2682 = arith.constant 3 : i32
    %get3A_2683 = arith.index_cast %get3A_2681 : i32 to index
    %get3A_2684 = arith.index_cast %get3A_2682 : i32 to index
    %get3A_2685 = arith.constant 112 : index
    %get3A_2686 = tpu.vector_load %arg8[%get3A_2683, %get3A_2684, %get3A_2685] {strides = array<i32>} : memref<3x4x128xf32, #tpu.memory_space<vmem>>, vector<16xf32>,
    %get3A_2687 = arith.constant 2 : i32
    %get3A_2688 = arith.constant 3 : i32
    %get3A_2689 = arith.index_cast %get3A_2687 : i32 to index
    %get3A_2690 = arith.index_cast %get3A_2688 : i32 to index
    %get3A_2691 = arith.constant 112 : index
    %get3A_2692 = tpu.vector_load %arg8[%get3A_2689, %get3A_2690, %get3A_2691] {strides = array<i32>} : memref<3x4x128xf32, #tpu.memory_space<vmem>>, vector<16xf32>,
    %mul3A_2693 = arith.mulf %get3A_2680, %get3A_2680 : vector<16xf32>
    %mul3A_2694 = arith.mulf %get3A_2686, %get3A_2686 : vector<16xf32>
    %add3A_2695 = arith.addf %mul3A_2693, %mul3A_2694 : vector<16xf32>
    %mul3A_2696 = arith.mulf %get3A_2692, %get3A_2692 : vector<16xf32>
    %add3A_2697 = arith.addf %add3A_2695, %mul3A_2696 : vector<16xf32>
    %mul3A_2698 = arith.constant 3.000000e+00 : f32
    %mul3A_2699 = vector.broadcast %mul3A_2698 : f32 to vector<16xf32>
    %mul3A_2700 = arith.mulf %mul3A_2699, %add3A_2697 : vector<16xf32>
    %min3A_2701 = arith.constant 3.000000e+38 : f32
    %min3A_2702 = vector.broadcast %min3A_2701 : f32 to vector<16xf32>
    %min3A_2703 = arith.minimumf %mul3A_2700, %min3A_2702 : vector<16xf32>
    %bitcast_convert_type3A_2704 = tpu.bitcast %min3A_2703 : vector<16xf32> -> vector<16xi32>
    %shift_right_arithmetic3A_2705 = arith.constant 1 : i32
    %shift_right_arithmetic3A_2706 = vector.broadcast %shift_right_arithmetic3A_2705 : i32 to vector<16xi32>
    %shift_right_arithmetic3A_2707 = arith.shrsi %bitcast_convert_type3A_2704, %shift_right_arithmetic3A_2706 : vector<16xi32>
    %sub3A_2708 = arith.constant 1597463007 : i32
    %sub3A_2709 = vector.broadcast %sub3A_2708 : i32 to vector<16xi32>
    %sub3A_2710 = arith.subi %sub3A_2709, %shift_right_arithmetic3A_2707 : vector<16xi32>
    %bitcast_convert_type3A_2711 = tpu.bitcast %sub3A_2710 : vector<16xi32> -> vector<16xf32>
    %mul3A_2712 = arith.constant 5.000000e-01 : f32
    %mul3A_2713 = vector.broadcast %mul3A_2712 : f32 to vector<16xf32>
    %mul3A_2714 = arith.mulf %mul3A_2713, %min3A_2703 : vector<16xf32>
    %mul3A_2715 = arith.mulf %mul3A_2714, %bitcast_convert_type3A_2711 : vector<16xf32>
    %mul3A_2716 = arith.mulf %mul3A_2715, %bitcast_convert_type3A_2711 : vector<16xf32>
    %sub3A_2717 = arith.constant 1.500000e+00 : f32
    %sub3A_2718 = vector.broadcast %sub3A_2717 : f32 to vector<16xf32>
    %sub3A_2719 = arith.subf %sub3A_2718, %mul3A_2716 : vector<16xf32>
    %mul3A_2720 = arith.mulf %bitcast_convert_type3A_2711, %sub3A_2719 : vector<16xf32>
    %mul3A_2721 = arith.constant 5.000000e-01 : f32
    %mul3A_2722 = vector.broadcast %mul3A_2721 : f32 to vector<16xf32>
    %mul3A_2723 = arith.mulf %mul3A_2722, %min3A_2703 : vector<16xf32>
    %mul3A_2724 = arith.mulf %mul3A_2723, %mul3A_2720 : vector<16xf32>
    %mul3A_2725 = arith.mulf %mul3A_2724, %mul3A_2720 : vector<16xf32>
    %sub3A_2726 = arith.constant 1.500000e+00 : f32
    %sub3A_2727 = vector.broadcast %sub3A_2726 : f32 to vector<16xf32>
    %sub3A_2728 = arith.subf %sub3A_2727, %mul3A_2725 : vector<16xf32>
    %mul3A_2729 = arith.mulf %mul3A_2720, %sub3A_2728 : vector<16xf32>
    %mul3A_2730 = arith.constant 5.000000e-01 : f32
    %mul3A_2731 = vector.broadcast %mul3A_2730 : f32 to vector<16xf32>
    %mul3A_2732 = arith.mulf %mul3A_2731, %min3A_2703 : vector<16xf32>
    %mul3A_2733 = arith.mulf %mul3A_2732, %mul3A_2729 : vector<16xf32>
    %mul3A_2734 = arith.mulf %mul3A_2733, %mul3A_2729 : vector<16xf32>
    %sub3A_2735 = arith.constant 1.500000e+00 : f32
    %sub3A_2736 = vector.broadcast %sub3A_2735 : f32 to vector<16xf32>
    %sub3A_2737 = arith.subf %sub3A_2736, %mul3A_2734 : vector<16xf32>
    %mul3A_2738 = arith.mulf %mul3A_2729, %sub3A_2737 : vector<16xf32>
    %mul3A_2739 = arith.mulf %min3A_2703, %mul3A_2738 : vector<16xf32>
    %neg3A_2740 = arith.constant 0.000000e+00 : f32
    %neg3A_2741 = vector.broadcast %neg3A_2740 : f32 to vector<16xf32>
    %neg3A_2742 = arith.subf %neg3A_2741, %mul3A_2739 : vector<16xf32>
    %exp3A_2743 = math.exp %neg3A_2742 : vector<16xf32>
    %add3A_2744 = arith.constant 1.000000e+00 : f32
    %add3A_2745 = vector.broadcast %add3A_2744 : f32 to vector<16xf32>
    %add3A_2746 = arith.addf %add3A_2745, %exp3A_2743 : vector<16xf32>
    %div3A_2747 = arith.constant 1.000000e+00 : f32
    %div3A_2748 = vector.broadcast %div3A_2747 : f32 to vector<16xf32>
    %div3A_2749 = arith.divf %div3A_2748, %add3A_2746 : vector<16xf32>
    %swap3A_2750 = arith.constant 496 : index
    %swap3A_2751 = tpu.vector_load %arg9[%swap3A_2750] {strides = array<i32>} : memref<512xf32, #tpu.memory_space<vmem>>, vector<16xf32>,
    tpu.vector_store %arg9[%swap3A_2750], %div3A_2749 {strides = array<i32>} : memref<512xf32, #tpu.memory_space<vmem>>, vector<16xf32>,
    %add3A_2752 = arith.constant 384 : i32
    %add3A_2753 = arith.addi %mul3A_2, %add3A_2752 : i32
    %dma_start3A_2754 = arith.constant 384 : i32
    %dma_start3A_2755 = tpu.memref_slice %arg9[%dma_start3A_2754] : memref<512xf32, #tpu.memory_space<vmem>> -> memref<128xf32, #tpu.memory_space<vmem>>
    %dma_start3A_2756 = tpu.memref_slice %arg6[%add3A_2753] : memref<16384xf32, #tpu.memory_space<hbm>> -> memref<128xf32, #tpu.memory_space<hbm>>
    %dma_start3A_2757 = tpu.memref_slice %arg6[%add3A_2753] : memref<16384xf32, #tpu.memory_space<hbm>> -> memref<128xf32, #tpu.memory_space<hbm>>
    %dma_start3A_2758 = arith.constant 384 : i32
    %dma_start3A_2759 = tpu.memref_slice %arg9[%dma_start3A_2758] : memref<512xf32, #tpu.memory_space<vmem>> -> memref<128xf32, #tpu.memory_space<vmem>>
    tpu.enqueue_dma source(%dma_start3A_2759 : memref<128xf32, #tpu.memory_space<vmem>>) target(%dma_start3A_2757 : memref<128xf32, #tpu.memory_space<hbm>>) target_semaphore(%arg14 : memref<!tpu.dma_semaphore, #tpu.memory_space<semaphore_mem>>)
    %dma_wait3A_2760 = arith.constant 0 : i32
    %dma_wait3A_2761 = tpu.memref_slice %arg9[%dma_wait3A_2760] : memref<512xf32, #tpu.memory_space<vmem>> -> memref<128xf32, #tpu.memory_space<vmem>>
    %dma_wait3A_2762 = tpu.memref_slice %arg6[%add3A_800] : memref<16384xf32, #tpu.memory_space<hbm>> -> memref<128xf32, #tpu.memory_space<hbm>>
    %dma_wait3A_2763 = tpu.memref_slice %arg6[%add3A_800] : memref<16384xf32, #tpu.memory_space<hbm>> -> memref<128xf32, #tpu.memory_space<hbm>>
    %dma_wait3A_2764 = arith.constant 0 : i32
    %dma_wait3A_2765 = tpu.memref_slice %arg9[%dma_wait3A_2764] : memref<512xf32, #tpu.memory_space<vmem>> -> memref<128xf32, #tpu.memory_space<vmem>>
    tpu.wait_dma2 semaphore(%arg14 : memref<!tpu.dma_semaphore, #tpu.memory_space<semaphore_mem>>) src(%dma_wait3A_2765 : memref<128xf32, #tpu.memory_space<vmem>>) dst(%dma_wait3A_2763 : memref<128xf32, #tpu.memory_space<hbm>>)
    %dma_wait3A_2766 = arith.constant 128 : i32
    %dma_wait3A_2767 = tpu.memref_slice %arg9[%dma_wait3A_2766] : memref<512xf32, #tpu.memory_space<vmem>> -> memref<128xf32, #tpu.memory_space<vmem>>
    %dma_wait3A_2768 = tpu.memref_slice %arg6[%add3A_1451] : memref<16384xf32, #tpu.memory_space<hbm>> -> memref<128xf32, #tpu.memory_space<hbm>>
    %dma_wait3A_2769 = tpu.memref_slice %arg6[%add3A_1451] : memref<16384xf32, #tpu.memory_space<hbm>> -> memref<128xf32, #tpu.memory_space<hbm>>
    %dma_wait3A_2770 = arith.constant 128 : i32
    %dma_wait3A_2771 = tpu.memref_slice %arg9[%dma_wait3A_2770] : memref<512xf32, #tpu.memory_space<vmem>> -> memref<128xf32, #tpu.memory_space<vmem>>
    tpu.wait_dma2 semaphore(%arg14 : memref<!tpu.dma_semaphore, #tpu.memory_space<semaphore_mem>>) src(%dma_wait3A_2771 : memref<128xf32, #tpu.memory_space<vmem>>) dst(%dma_wait3A_2769 : memref<128xf32, #tpu.memory_space<hbm>>)
    %dma_wait3A_2772 = arith.constant 256 : i32
    %dma_wait3A_2773 = tpu.memref_slice %arg9[%dma_wait3A_2772] : memref<512xf32, #tpu.memory_space<vmem>> -> memref<128xf32, #tpu.memory_space<vmem>>
    %dma_wait3A_2774 = tpu.memref_slice %arg6[%add3A_2102] : memref<16384xf32, #tpu.memory_space<hbm>> -> memref<128xf32, #tpu.memory_space<hbm>>
    %dma_wait3A_2775 = tpu.memref_slice %arg6[%add3A_2102] : memref<16384xf32, #tpu.memory_space<hbm>> -> memref<128xf32, #tpu.memory_space<hbm>>
    %dma_wait3A_2776 = arith.constant 256 : i32
    %dma_wait3A_2777 = tpu.memref_slice %arg9[%dma_wait3A_2776] : memref<512xf32, #tpu.memory_space<vmem>> -> memref<128xf32, #tpu.memory_space<vmem>>
    tpu.wait_dma2 semaphore(%arg14 : memref<!tpu.dma_semaphore, #tpu.memory_space<semaphore_mem>>) src(%dma_wait3A_2777 : memref<128xf32, #tpu.memory_space<vmem>>) dst(%dma_wait3A_2775 : memref<128xf32, #tpu.memory_space<hbm>>)
    %dma_wait3A_2778 = arith.constant 384 : i32
    %dma_wait3A_2779 = tpu.memref_slice %arg9[%dma_wait3A_2778] : memref<512xf32, #tpu.memory_space<vmem>> -> memref<128xf32, #tpu.memory_space<vmem>>
    %dma_wait3A_2780 = tpu.memref_slice %arg6[%add3A_2753] : memref<16384xf32, #tpu.memory_space<hbm>> -> memref<128xf32, #tpu.memory_space<hbm>>
    %dma_wait3A_2781 = tpu.memref_slice %arg6[%add3A_2753] : memref<16384xf32, #tpu.memory_space<hbm>> -> memref<128xf32, #tpu.memory_space<hbm>>
    %dma_wait3A_2782 = arith.constant 384 : i32
    %dma_wait3A_2783 = tpu.memref_slice %arg9[%dma_wait3A_2782] : memref<512xf32, #tpu.memory_space<vmem>> -> memref<128xf32, #tpu.memory_space<vmem>>
    tpu.wait_dma2 semaphore(%arg14 : memref<!tpu.dma_semaphore, #tpu.memory_space<semaphore_mem>>) src(%dma_wait3A_2783 : memref<128xf32, #tpu.memory_space<vmem>>) dst(%dma_wait3A_2781 : memref<128xf32, #tpu.memory_space<hbm>>)
    return
  }
}

</mosaic_0001>

<sc_bundles>
// kernel: kernel.3.cloned.1.call-start
scs
__scs_entry_jumppad:
0x0: {  	(pc) =	sbr.rel $0x88, $3  }
0x1: {  	(tag) =	ssettag $0x0;
	lr =	simm.s32 $0x1  }
0x2: {  	[smem:$0x3F9F] =	sst lr;
	_ =	strace $0xD0000000  }
0x3: {  	_ = 	snop  }
0x4: {  	_ = 	snop  }
0x5: {  	_ = 	snop  }
0x6: {  	_ = 	snop  }
0x7: {  	_ = 	snop  }
__scs_overlays_trampoline_lowered:
0x8: {  	[smem:$0x3FAE] =	sst s0  }
0x9: {  	[smem:$0x3FAF] =	sst s1  }
0xa: {  	[smem:$0x3FB0] =	sst s2  }
0xb: {  	[smem:$0x3FB1] =	sst s3  }
0xc: {  	[smem:$0x3FB2] =	sst s4  }
0xd: {  	[smem:$0x3FB3] =	sst s5  }
0xe: {  	[smem:$0x3FB4] =	sst s6  }
0xf: {  	[smem:$0x3FB5] =	sst s7  }
0x10: {  	[smem:$0x3FB6] =	sst s8  }
0x11: {  	[smem:$0x3FB7] =	sst s9;
	s0 =	simm.s32 @!p0 $0x0  }
0x12: {  	s1 =	sld [smem:$0x3F9D];
	s0 =	simm.s32 @p0 $0x1  }
0x13: {  	[smem:$0x3FB8] =	sst s0;
	s0 =	simm.s32 @!p1 $0x0  }
0x14: {  	s2 =	sld [smem:$0x3F9C];
	s0 =	simm.s32 @p1 $0x1  }
0x15: {  	[smem:$0x3FB9] =	sst s0;
	s0 =	simm.s32 @!p2 $0x0  }
0x16: {  	s3 =	sld [smem:$0x3FDB];
	s0 =	simm.s32 @p2 $0x1  }
0x17: {  	s4 =	simm.s32 $0x1BF5;
	[smem:$0x3FBB] =	sst s0  }
0x18: {  	s0 =	sld [smem:$0x3F9E];
	_ =	swait.ge [sflag:s4], $0x0  }
0x19: {  	s7 =	sld [smem:$0x3F9F]  }
0x1a: {  	s8 =	sadd.s32 $0xFFFFE003, lr  }
0x1b: {  	s9 =	sadd.s32 $0xFFFFFEF7, lr;
	s5 =	simm.s32 $0xFFFFFFFF;
	p2 =	slt.u32 s8, $0xFFFFF086  }
0x1c: {  	p1 =	slt.u32 s9, $0xF7A;
	s5 =	simm.s32 @!p2 $0x0  }
0x1d: {  	s5 =	simm.s32 @p1 $0x1;
	p0 =	seq.s32 s7, s2  }
0x1e: {  	s7 =	smul.u32 @!p0 $0xF7A, s2;
	p2 =	seq.s32 @!p0 s5, $0x0  }
0x1f: {  	s9 =	smul.u32 $0xF7A, s1;
	s8 =	simm.s32 @!p0 $0x1BF5;
	p2 =	por !p2, p0  }
0x20: {  	[sflag:s8] =	ssyncset.s32 @!p0 $0xFFFFF086;
	s6 =	sadd.s32 @!p0 s3, s7;
	s7 =	simm.s32 @!p0 $0x108  }
0x21: {  	s3 =	sadd.s32 s3, s9;
	s6 =	sadd.s32 @!p0 $0x88, s6;
	s7 =	simm.s32 @p2 $0x1082  }
0x22: {  	[simem:s7], [sflag:s8] =	dma.local @!p0 [hbm:s6], $0xF7A  }
0x23: {  	s9 =	sor.u32 $0xD0000000, s2;
	s6 =	simm.s32 $0x108;
	_ =	swait.ge @!p0 [sflag:s8], $0x0  }
0x24: {  	s3 =	sadd.s32 $0x88, s3;
	s6 =	simm.s32 @!p1 $0x1082;
	[sflag:s4] =	ssyncset.s32 $0xFFFFF086  }
0x25: {  	[simem:s6], [sflag:s4] =	dma.local [hbm:s3], $0xF7A  }
0x26: {  	[smem:$0x3F9F] =	sst s1;
	(tag) =	ssettag s2;
	_ =	strace s9  }
0x27: {  	s1 =	sld [smem:$0x3FAF]  }
0x28: {  	s2 =	sld [smem:$0x3FB0]  }
0x29: {  	s4 =	sld [smem:$0x3FB2]  }
0x2a: {  	p0 =	seq.s32 s5, $0x0;
	s5 =	sld [smem:$0x3FB3]  }
0x2b: {  	s6 =	sld [smem:$0x3FB4]  }
0x2c: {  	s7 =	sld [smem:$0x3FB5]  }
0x2d: {  	s3 =	simm.s32 $0x108;
	s8 =	sld [smem:$0x3FB6]  }
0x2e: {  	s3 =	simm.s32 @!p0 $0x1082;
	s9 =	sld [smem:$0x3FB7]  }
0x2f: {  	lr =	sadd.s32 s0, s3;
	s0 =	sld [smem:$0x3FAE]  }
0x30: {  	s3 =	sld [smem:$0x3FB1]  }
0x31: {  	[smem:$0x3FBA] =	sst s10  }
0x32: {  	s10 =	sld [smem:$0x3FB8];
	_ =	sdelay $0x3  }
0x33: {  	p0 =	seq.s32 s10, $0x1;
	s10 =	sld [smem:$0x3FBA];
	_ =	sdelay $0x3  }
0x34: {  	[smem:$0x3FBA] =	sst s10  }
0x35: {  	s10 =	sld [smem:$0x3FB9];
	_ =	sdelay $0x3  }
0x36: {  	p1 =	seq.s32 s10, $0x1;
	s10 =	sld [smem:$0x3FBA];
	_ =	sdelay $0x3  }
0x37: {  	[smem:$0x3FBA] =	sst s10  }
0x38: {  	s10 =	sld [smem:$0x3FBB]  }
0x39: {  	_ = 	snop;
	(pc) =	sbr.ind lr, $3  }
0x3a: {  	_ = 	snop  }
0x3b: {  	_ = 	snop  }
0x3c: {  	p2 =	seq.s32 s10, $0x1;
	s10 =	sld [smem:$0x3FBA]  }
0x3d: {  	_ =	shalt  }
0x3e: {  	_ =	shalt  }
0x3f: {  	_ =	shalt  }
0x40: {  	_ =	shalt  }
0x41: {  	_ =	shalt  }
0x42: {  	_ =	shalt  }
0x43: {  	_ =	shalt  }
0x44: {  	_ =	shalt  }
0x45: {  	_ =	shalt  }
0x46: {  	_ =	shalt  }
0x47: {  	_ =	shalt  }
0x48: {  	_ =	shalt  }
0x49: {  	_ =	shalt  }
0x4a: {  	_ =	shalt  }
0x4b: {  	_ =	shalt  }
0x4c: {  	_ =	shalt  }
0x4d: {  	_ =	shalt  }
0x4e: {  	_ =	shalt  }
0x4f: {  	_ =	shalt  }
0x50: {  	_ =	shalt  }
0x51: {  	_ =	shalt  }
0x52: {  	_ =	shalt  }
0x53: {  	_ =	shalt  }
0x54: {  	_ =	shalt  }
0x55: {  	_ =	shalt  }
0x56: {  	_ =	shalt  }
0x57: {  	_ =	shalt  }
0x58: {  	_ =	shalt  }
0x59: {  	_ =	shalt  }
0x5a: {  	_ =	shalt  }
0x5b: {  	_ =	shalt  }
0x5c: {  	_ =	shalt  }
0x5d: {  	_ =	shalt  }
0x5e: {  	_ =	shalt  }
0x5f: {  	_ =	shalt  }
0x60: {  	_ =	shalt  }
0x61: {  	_ =	shalt  }
0x62: {  	_ =	shalt  }
0x63: {  	_ =	shalt  }
0x64: {  	_ =	shalt  }
0x65: {  	_ =	shalt  }
0x66: {  	_ =	shalt  }
0x67: {  	_ =	shalt  }
0x68: {  	_ =	shalt  }
0x69: {  	_ =	shalt  }
0x6a: {  	_ =	shalt  }
0x6b: {  	_ =	shalt  }
0x6c: {  	_ =	shalt  }
0x6d: {  	_ =	shalt  }
0x6e: {  	_ =	shalt  }
0x6f: {  	_ =	shalt  }
0x70: {  	_ =	shalt  }
0x71: {  	_ =	shalt  }
0x72: {  	_ =	shalt  }
0x73: {  	_ =	shalt  }
0x74: {  	_ =	shalt  }
0x75: {  	_ =	shalt  }
0x76: {  	_ =	shalt  }
0x77: {  	_ =	shalt  }
0x78: {  	_ =	shalt  }
0x79: {  	_ =	shalt  }
0x7a: {  	_ =	shalt  }
0x7b: {  	_ =	shalt  }
0x7c: {  	_ =	shalt  }
0x7d: {  	_ =	shalt  }
0x7e: {  	_ =	shalt  }
0x7f: {  	_ =	shalt  }
0x80: {  	_ =	shalt  }
0x81: {  	_ =	shalt  }
0x82: {  	_ =	shalt  }
0x83: {  	_ =	shalt  }
0x84: {  	_ =	shalt  }
0x85: {  	_ =	shalt  }
0x86: {  	_ =	shalt  }
0x87: {  	_ =	shalt  }
.Lfunc_end0:
.L_simem_size_0:
called_computation_lowered:
.L_overlay_start_0:
0x88: {  	s2 =	sld [smem:$0x3FD9]  }
0x89: {  	s3 =	sld [smem:$0x3FFE];
	_ =	sdelay $0x1  }
0x8a: {  	s1 =	srdreg.scid  }
0x8b: {  	s0 =	sand.u32 $0x1, s1  }
0x8c: {  	s17 =	sshll.u32 s0, $0xA;
	s2 =	sadd.s32 s3, s2  }
0x8d: {  	s2 =	sadd.s32 s2, s17  }
0x8e: {  	[smem:$0x3FC6] =	sst s2  }
0x8f: {  	_ = 	snop  }
0x90: {  	s2 =	sld [smem:$0x3FC9]  }
0x91: {  	s18 =	sld [smem:$0x3FD0];
	(tm) =	ssettm $0x1  }
0x92: {  	s4 =	sld [smem:$0x3FFB];
	_ =	sdelay $0x3  }
0x93: {  	_ =	strace s4  }
0x94: {  	s4 =	sld [smem:$0x3FFC];
	_ =	sdelay $0x3  }
0x95: {  	_ =	strace s4  }
0x96: {  	s4 =	sld [smem:$0x3FFD];
	_ =	sdelay $0x3  }
0x97: {  	_ =	strace s4  }
0x98: {  	_ =	strace $0x8FFFFFFF  }
0x99: {  	s19 =	sld [smem:$0x3FDB];
	_ =	sdelay $0x1  }
0x9a: {  	s5 =	simm.s32 $_scs_section_size  }
0x9b: {  	s6 =	simm.s32 $_size__tile_overlayer_lowered;
	s7 =	simm.s32 $_tile_overlayer_lowered  }
0x9c: {  	s22 =	simm.s32 $0x1BFF;
	s21 =	sshll.u32 s7, $0x1;
	s4 =	sadd.s32 s5, s19  }
0x9d: {  	s8 =	simm.s32 $0x0;
	s20 =	sshll.u32 s6, $0x1;
	s6 =	sadd.s32 s21, s4  }
0x9e: {  	[timem:s8], [sflag:s22] =	dma.local [hbm:s6], s20  }
0x9f: {  	_ =	swait.ge [sflag:s22], s20  }
0xa0: {  	s5 =	ssub.s32 $0x0, s20;
	[sflag:s22] =	ssyncset.done $0x0  }
0xa1: {  	[sflag:s22] =	ssyncadd.s32 s5;
	_ =	sdelay $0x1  }
0xa2: {  	s23 =	simm.s32 $0x1B8B  }
0xa3: {  	_ =	swait.ge [sflag:s23], $0x1  }
0xa4: {  	[sflag:s23] =	ssyncset.done $0x0  }
0xa5: {  	s25 =	simm.s32 $0x1B8E;
	s24 =	sld [smem:$0x3FFE];
	[sflag:s23] =	ssyncadd.s32 $0xFFFFFFFF  }
0xa6: {  	s26 =	simm.s32 $execute0_lowered;
	[smem:$0x3FD2] =	sst s25  }
0xa7: {  	s6 =	sshll.u32 s26, $0x1;
	_ =	strace $0x80000046;
	[dreg:$0x1] =	wrdreg $0xFFFFFFFF  }
0xa8: {  	s28 =	simm.s32 $_size_execute0_lowered;
	s4 =	sadd.s32 s4, s6;
	[dreg:$0x0] =	wrdreg $0x0  }
0xa9: {  	s6 =	sshll.u32 s28, $0x1;
	[dreg:$0x2] =	wrdreg s4  }
0xaa: {  	[dreg:$0x3] =	wrdreg s6  }
0xab: {  	[dreg:$0x4] =	wrdreg $0xC0  }
0xac: {  	_ =	task [dreg:s8], $0x5FFFF  }
0xad: {  	[dreg:$0x1] =	wrdreg $0xFFFFFFFF  }
0xae: {  	[dreg:$0x0] =	wrdreg $0x60  }
0xaf: {  	[dreg:$0x2] =	wrdreg s2  }
0xb0: {  	[dreg:$0x3] =	wrdreg s24  }
0xb1: {  	[dreg:$0x4] =	wrdreg s18  }
0xb2: {  	[dreg:$0x5] =	wrdreg $0x9  }
0xb3: {  	_ =	task.clear_ibuf [dreg:s8], $0x6FFFF;
	_ =	strace $0x90000046  }
0xb4: {  	s29 =	simm.s32 $0x9;
	_ =	strace $0x80000048  }
0xb5: {  	_ =	swait.ge [sflag:s29], $0x1  }
0xb6: {  	[sflag:s29] =	ssyncadd.s32 $0xFFFFFFFF  }
0xb7: {  	_ =	strace $0x90000048  }
0xb8: {  	_ =	sfence  }
0xb9: {  	s30 =	sld [smem:$0x0];
	_ =	sdelay $0x2  }
0xba: {  	s31 =	sshll.u32 s1, $0xD;
	s1 =	sshrl.u32 s1, $0x2  }
0xbb: {  	s3 =	sand.u32 $0x4000, s31;
	s1 =	sadd.s32 s1, s30  }
0xbc: {  	s0 =	sor.u32 s3, s0;
	s1 =	sshll.u32 s1, $0x11  }
0xbd: {  	s0 =	sor.u32 s1, s0  }
0xbe: {  	s0 =	sadd.s32 $0x8F2B, s0  }
0xbf: {  	[sflag:s0] =	ssyncadd.remote.s32 $0x1  }
0xc0: {  	_ =	sfence.sel $0xFFFF  }
0xc1: {  	[dreg:$0x0] =	wrdreg $0xFFFFFFFF;
	(pc) =	sbr.abs _section_cstart, $3  }
0xc2: {  	[dreg:$0x1] =	wrdreg $0xFFFFFFFF  }
0xc3: {  	_ =	task.clear_ibuf [dreg:s8], $0x2FFFF;
	_ =	strace $0x9FFFFFFF  }
0xc4: {  	(tm) =	ssettm $0x7FFFFFFF  }
0xc5: {  	_ =	shalt  }
tec
execute0_lowered:
.L_overlay_start_1:
0x0: {  	(tag) =	ssettag $0x1  }
0x1: {  	s0 =	rddreg [dreg:$0x0]  }
0x2: {  	s1 =	rddreg [dreg:$0x1]  }
0x3: {  	s6 =	rddreg [dreg:$0x2];
	s4 =	srdreg.scid;
	s3 =	simm.s32 $0x0  }
0x4: {  	s2 =	stileid.u32;
	s13 =	simm.s32 $0x400;
	s14 =	simm.s32 $0x600  }
0x5: {  	s15 =	simm.s32 $0x2;
	s16 =	simm.s32 $0x280;
	s17 =	simm.s32 $0x480  }
0x6: {  	s18 =	simm.s32 $0x680;
	s19 =	simm.s32 $0x3;
	s20 =	simm.s32 $0x300  }
0x7: {  	s28 =	simm.s32 $0x800;
	s29 =	simm.s32 $0x880;
	s30 =	simm.s32 $0x900  }
0x8: {  	s31 =	simm.s32 $0x980;
	s7 =	sand.u32 $0x1, s4;
	[smem:$0x7FF] =	sst s3  }
0x9: {  	s21 =	sshll.u32 s2, $0x7;
	s4 =	sadd.s32 $0x6400, s1;
	s5 =	sshll.u32 s7, $0x6  }
0xa: {  	_ =	strace $0x80000047;
	s7 =	ssub.s32 $0x2, s7;
	s8 =	sor.u32 s5, s21  }
0xb: {  	s24 =	sshrl.u32 s7, $0x1;
	s21 =	simm.s32 $0x500;
	s5 =	sadd.s32 s0, s8  }
0xc: {  	s9 =	sor.u32 $0x10, s8;
	s10 =	sor.u32 $0x20, s8;
	s12 =	sor.u32 $0x30, s8  }
0xd: {  	s23 =	sadd.s32 s6, s8;
	s7 =	ssub.s32 s7, s24;
	s8 =	simm.s32 $0x80  }
0xe: {  	s24 =	simm.s32 $0x380;
	[dreg:$0x4] =	wrdreg s5;
	s22 =	sadd.s32 s0, s9  }
0xf: {  	s11 =	sadd.s32 s0, s10;
	s5 =	sadd.s32 $0x3200, s1;
	[dreg:$0x8] =	wrdreg s23  }
0x10: {  	s0 =	sadd.s32 s0, s12;
	s25 =	sadd.s32 s6, s9;
	[dreg:$0x5] =	wrdreg s22  }
0x11: {  	s26 =	sadd.s32 s6, s10;
	s6 =	sadd.s32 s6, s12;
	[dreg:$0x6] =	wrdreg s11  }
0x12: {  	s7 =	smax.u32 s7, $0x1;
	s9 =	simm.s32 $0x100;
	[dreg:$0x7] =	wrdreg s0  }
0x13: {  	s10 =	simm.s32 $0x180;
	s23 =	simm.s32 $0x4;
	[dreg:$0x9] =	wrdreg s25  }
0x14: {  	[dreg:$0xa] =	wrdreg s26;
	s11 =	simm.s32 $0x1;
	s22 =	simm.s32 $0x700  }
0x15: {  	s25 =	simm.s32 $0x580;
	s26 =	simm.s32 $0x780;
	s0 =	simm.s32 $0x5  }
.LBB2_1:
0x16: {  	s2 =	rddreg [dreg:$0x4]  }
0x17: {  	[tilespmem:s3], [sflag:$0x1] =	stream.linear.gather [hbm4b:s2+s3], $0x80, $0x38;
	[tilespmem:$0xA00] =	vst v63  }
0x18: {  	s12 =	rddreg [dreg:$0x5]  }
0x19: {  	[tilespmem:s8], [sflag:$0x2] =	stream.linear.gather [hbm4b:s12+s3], $0x80, $0x38;
	[tilespmem:$0xA00] =	vst v63  }
0x1a: {  	s2 =	rddreg [dreg:$0x6]  }
0x1b: {  	[tilespmem:s9], [sflag:$0x3] =	stream.linear.gather [hbm4b:s2+s3], $0x80, $0x38;
	[tilespmem:$0xA00] =	vst v63  }
0x1c: {  	s12 =	rddreg [dreg:$0x7]  }
0x1d: {  	[tilespmem:s10], [sflag:$0x4] =	stream.linear.gather [hbm4b:s12+s3], $0x80, $0x38;
	[tilespmem:$0xA00] =	vst v63  }
0x1e: {  	_ =	swait.ge [sflag:s11], $0x80  }
0x1f: {  	[sflag:s11] =	ssyncset.done $0x0  }
0x20: {  	s12 =	simm.s32 $0x200;
	[sflag:s11] =	ssyncadd.s32 $0xFFFFFF80  }
0x21: {  	[tilespmem:s12], [sflag:$0x1] =	stream.indirect.gather [hbm4b:s4+s8], $0x1, s3, s8, $0xb8;
	[tilespmem:$0xA00] =	vst v63  }
0x22: {  	_ = 	snop  }
0x23: {  	[tilespmem:s13], [sflag:$0x1] =	stream.indirect.gather [hbm4b:s5+s8], $0x1, s3, s8, $0xb8;
	[tilespmem:$0xA00] =	vst v63  }
0x24: {  	_ = 	snop  }
0x25: {  	[tilespmem:s14], [sflag:$0x1] =	stream.indirect.gather [hbm4b:s1+s8], $0x1, s3, s8, $0xb8;
	[tilespmem:$0xA00] =	vst v63  }
0x26: {  	_ =	swait.ge [sflag:s15], $0x80  }
0x27: {  	[sflag:s15] =	ssyncset.done $0x0  }
0x28: {  	[sflag:s15] =	ssyncadd.s32 $0xFFFFFF80  }
0x29: {  	[tilespmem:s16], [sflag:$0x2] =	stream.indirect.gather [hbm4b:s4+s8], $0x1, s8, s8, $0xb8;
	[tilespmem:$0xA00] =	vst v63  }
0x2a: {  	_ = 	snop  }
0x2b: {  	[tilespmem:s17], [sflag:$0x2] =	stream.indirect.gather [hbm4b:s5+s8], $0x1, s8, s8, $0xb8;
	[tilespmem:$0xA00] =	vst v63  }
0x2c: {  	_ = 	snop  }
0x2d: {  	[tilespmem:s18], [sflag:$0x2] =	stream.indirect.gather [hbm4b:s1+s8], $0x1, s8, s8, $0xb8;
	[tilespmem:$0xA00] =	vst v63  }
0x2e: {  	_ =	swait.ge [sflag:s19], $0x80  }
0x2f: {  	[sflag:s19] =	ssyncset.done $0x0  }
0x30: {  	[sflag:s19] =	ssyncadd.s32 $0xFFFFFF80  }
0x31: {  	[tilespmem:s20], [sflag:$0x3] =	stream.indirect.gather [hbm4b:s4+s8], $0x1, s9, s8, $0xb8;
	[tilespmem:$0xA00] =	vst v63  }
0x32: {  	_ = 	snop  }
0x33: {  	[tilespmem:s21], [sflag:$0x3] =	stream.indirect.gather [hbm4b:s5+s8], $0x1, s9, s8, $0xb8;
	[tilespmem:$0xA00] =	vst v63  }
0x34: {  	_ = 	snop  }
0x35: {  	[tilespmem:s22], [sflag:$0x3] =	stream.indirect.gather [hbm4b:s1+s8], $0x1, s9, s8, $0xb8;
	[tilespmem:$0xA00] =	vst v63  }
0x36: {  	_ =	swait.ge [sflag:s23], $0x80  }
0x37: {  	[sflag:s23] =	ssyncset.done $0x0  }
0x38: {  	[sflag:s23] =	ssyncadd.s32 $0xFFFFFF80  }
0x39: {  	[tilespmem:s24], [sflag:$0x4] =	stream.indirect.gather [hbm4b:s4+s8], $0x1, s10, s8, $0xb8;
	[tilespmem:$0xA00] =	vst v63  }
0x3a: {  	_ = 	snop  }
0x3b: {  	[tilespmem:s25], [sflag:$0x4] =	stream.indirect.gather [hbm4b:s5+s8], $0x1, s10, s8, $0xb8;
	[tilespmem:$0xA00] =	vst v63  }
0x3c: {  	_ = 	snop  }
0x3d: {  	[tilespmem:s26], [sflag:$0x4] =	stream.indirect.gather [hbm4b:s1+s8], $0x1, s10, s8, $0xb8;
	[tilespmem:$0xA00] =	vst v63  }
0x3e: {  	_ =	swait.ge [sflag:s11], $0x80  }
0x3f: {  	[sflag:s11] =	ssyncset.done $0x0  }
0x40: {  	[sflag:s11] =	ssyncadd.s32 $0xFFFFFF80  }
0x41: {  	_ =	swait.ge [sflag:s11], $0x80  }
0x42: {  	[sflag:s11] =	ssyncset.done $0x0  }
0x43: {  	[sflag:s11] =	ssyncadd.s32 $0xFFFFFF80  }
0x44: {  	_ =	swait.ge [sflag:s11], $0x80  }
0x45: {  	[sflag:s11] =	ssyncset.done $0x0  }
0x46: {  	[sflag:s11] =	ssyncadd.s32 $0xFFFFFF80  }
0x47: {  	v0 =	vld [tilespmem:$0x200]  }
0x48: {  	v1 =	vld [tilespmem:$0x400];
	_ =	sdelay $0x1  }
0x49: {  	v2 =	vld [tilespmem:$0x600];
	_ =	sdelay $0x2  }
0x4a: {  	v0 =	vmul.f32 v0, v0;
	v1 =	vmul.f32 v1, v1;
	_ =	sdelay $0x1  }
0x4b: {  	v48 =	vmul.f32 v2, v2;
	v0 =	vadd.f32 v1, v0;
	_ =	sdelay $0x1  }
0x4c: {  	v0 =	vadd.f32 v48, v0;
	_ =	sdelay $0x1  }
0x4d: {  	v0 =	vmul.f32 $3.000000000e+00, v0  }
0x4e: {  	v50 =	vld [tilespmem:$0x410]  }
0x4f: {  	v49 =	vld [tilespmem:$0x210];
	v0 =	vmin.f32 v0, $3.000000010e+38  }
0x50: {  	v3 =	vshra.s32 v0, $0x1;
	v4 =	vmul.f32 $5.000000000e-01, v0  }
0x51: {  	v5 =	vld [tilespmem:$0x610];
	v3 =	vsub.s32 $0x5F3759DF, v3  }
0x52: {  	v6 =	vmul.f32 v3, v4  }
0x53: {  	v2 =	vmul.f32 v50, v50  }
0x54: {  	v1 =	vmul.f32 v49, v49;
	v6 =	vmul.f32 v3, v6;
	_ =	sdelay $0x1  }
0x55: {  	v51 =	vmul.f32 v5, v5;
	v1 =	vadd.f32 v2, v1;
	v52 =	vsub.f32 $1.500000000e+00, v6;
	_ =	sdelay $0x1  }
0x56: {  	v1 =	vadd.f32 v51, v1;
	v53 =	vmul.f32 v3, v52  }
0x57: {  	v54 =	vld [tilespmem:$0x220]  }
0x58: {  	v8 =	vld [tilespmem:$0x420];
	v1 =	vmul.f32 $3.000000000e+00, v1;
	v3 =	vmul.f32 v53, v4;
	_ =	sdelay $0x1  }
0x59: {  	v10 =	vld [tilespmem:$0x620];
	v1 =	vmin.f32 v1, $3.000000010e+38;
	v3 =	vmul.f32 v3, v53  }
0x5a: {  	v55 =	vshra.s32 v1, $0x1;
	v7 =	vmul.f32 $5.000000000e-01, v1  }
0x5b: {  	v5 =	vmul.f32 v54, v54;
	v6 =	vsub.s32 $0x5F3759DF, v55;
	v3 =	vsub.f32 $1.500000000e+00, v3  }
0x5c: {  	v8 =	vmul.f32 v8, v8;
	v9 =	vmul.f32 v6, v7  }
0x5d: {  	v2 =	vmul.f32 v3, v53  }
0x5e: {  	v57 =	vmul.f32 v10, v10;
	v5 =	vadd.f32 v8, v5;
	v56 =	vmul.f32 v6, v9  }
0x5f: {  	v4 =	vmul.f32 v2, v4  }
0x60: {  	v5 =	vadd.f32 v57, v5;
	v3 =	vsub.f32 $1.500000000e+00, v56  }
0x61: {  	v4 =	vmul.f32 v4, v2  }
0x62: {  	v5 =	vmul.f32 $3.000000000e+00, v5;
	v3 =	vmul.f32 v6, v3  }
0x63: {  	v4 =	vsub.f32 $1.500000000e+00, v4  }
0x64: {  	v61 =	vld [tilespmem:$0x230];
	v5 =	vmin.f32 v5, $3.000000010e+38;
	v6 =	vmul.f32 v3, v7  }
0x65: {  	v12 =	vld [tilespmem:$0x430];
	v59 =	vshra.s32 v5, $0x1;
	v60 =	vmul.f32 $5.000000000e-01, v5;
	v2 =	vmul.f32 v4, v2  }
0x66: {  	v63 =	vsub.s32 $0x5F3759DF, v59;
	v58 =	vmul.f32 v6, v3  }
0x67: {  	v14 =	vld [tilespmem:$0x630];
	v13 =	vmul.f32 v63, v60;
	v0 =	vmul.f32 v2, v0  }
0x68: {  	v62 =	vsub.f32 $1.500000000e+00, v58  }
0x69: {  	v10 =	vmul.f32 v63, v13;
	v9 =	vmul.f32 v61, v61;
	v0 =	vsub.f32 $0.0e+00, v0  }
0x6a: {  	v6 =	vmul.f32 v12, v12;
	v2 =	vmul.f32 v62, v3  }
0x6b: {  	v10 =	vsub.f32 $1.500000000e+00, v10;
	v0 =	vmul.f32 $1.442695020e+00, v0  }
0x6c: {  	v6 =	vadd.f32 v6, v9;
	v3 =	vmul.f32 v14, v14;
	v7 =	vmul.f32 v2, v7  }
0x6d: {  	(erf) = vpow2.f32 v0  }
0x6e: {  	v4 =	vmul.f32 v63, v10;
	v3 =	vadd.f32 v3, v6;
	v15 =	vmul.f32 v7, v2;
	_ =	sdelay $0x1  }
0x6f: {  	v16 =	vmul.f32 v4, v60;
	v3 =	vmul.f32 $3.000000000e+00, v3;
	v0 =	vsub.f32 $1.500000000e+00, v15  }
0x70: {  	v21 =	vld [tilespmem:$0x240]  }
0x71: {  	v23 =	vld [tilespmem:$0x440];
	v17 =	vmul.f32 v16, v4;
	v19 =	vmin.f32 v3, $3.000000010e+38;
	v0 =	vmul.f32 v0, v2  }
0x72: {  	v3 =	vshra.s32 v19, $0x1;
	v20 =	vmul.f32 $5.000000000e-01, v19  }
0x73: {  	v11 =	vld [tilespmem:$0x640];
	v18 =	vsub.f32 $1.500000000e+00, v17;
	v3 =	vsub.s32 $0x5F3759DF, v3;
	v0 =	vmul.f32 v0, v1  }
0x74: {  	v24 =	vmul.f32 v3, v20  }
0x75: {  	v7 =	vmul.f32 v21, v21;
	v1 =	vmul.f32 v18, v4;
	v0 =	vsub.f32 $0.0e+00, v0;
	v22 =	vpop (erf)  }
0x76: {  	v4 =	vmul.f32 v23, v23;
	v25 =	vmul.f32 v3, v24;
	v9 =	vadd.f32 $1.000000000e+00, v22  }
0x77: {  	v8 =	vmul.f32 v1, v60;
	v0 =	vmul.f32 $1.442695020e+00, v0  }
0x78: {  	v28 =	vmul.f32 v11, v11;
	v4 =	vadd.f32 v4, v7;
	(erf) = vrcp.f32 v9  }
0x79: {  	v27 =	vsub.f32 $1.500000000e+00, v25;
	v26 =	vmul.f32 v8, v1;
	(erf) = vpow2.f32 v0  }
0x7a: {  	v4 =	vadd.f32 v28, v4  }
0x7b: {  	v3 =	vmul.f32 v3, v27;
	v0 =	vsub.f32 $1.500000000e+00, v26  }
0x7c: {  	v39 =	vld [tilespmem:$0x650];
	v4 =	vmul.f32 $3.000000000e+00, v4  }
0x7d: {  	v36 =	vld [tilespmem:$0x450];
	v29 =	vmul.f32 v3, v20;
	v0 =	vmul.f32 v0, v1  }
0x7e: {  	v34 =	vld [tilespmem:$0x250]  }
0x7f: {  	v4 =	vmin.f32 v4, $3.000000010e+38;
	v1 =	vmul.f32 v29, v3  }
0x80: {  	v31 =	vshra.s32 v4, $0x1;
	v32 =	vmul.f32 $5.000000000e-01, v4;
	v5 =	vmul.f32 v0, v5  }
0x81: {  	v41 =	vmul.f32 v39, v39;
	v33 =	vsub.s32 $0x5F3759DF, v31;
	v1 =	vsub.f32 $1.500000000e+00, v1;
	v0 =	vpop (erf)  }
0x82: {  	v10 =	vmul.f32 v36, v36;
	v35 =	vmul.f32 v33, v32;
	v5 =	vsub.f32 $0.0e+00, v5;
	v30 =	vpop (erf)  }
0x83: {  	v8 =	vmul.f32 v34, v34;
	v1 =	vmul.f32 v1, v3;
	v7 =	vadd.f32 $1.000000000e+00, v30  }
0x84: {  	v38 =	vmul.f32 v33, v35;
	v5 =	vmul.f32 $1.442695020e+00, v5  }
0x85: {  	v37 =	vmul.f32 v1, v20;
	(erf) = vrcp.f32 v7  }
0x86: {  	v40 =	vadd.f32 v10, v8;
	v6 =	vsub.f32 $1.500000000e+00, v38;
	(erf) = vpow2.f32 v5  }
0x87: {  	v5 =	vmul.f32 v37, v1  }
0x88: {  	v44 =	vadd.f32 v41, v40;
	v3 =	vmul.f32 v33, v6  }
0x89: {  	v51 =	vld [tilespmem:$0x660];
	v5 =	vsub.f32 $1.500000000e+00, v5  }
0x8a: {  	v48 =	vld [tilespmem:$0x460];
	v2 =	vmul.f32 $3.000000000e+00, v44;
	v42 =	vmul.f32 v3, v32  }
0x8b: {  	v47 =	vld [tilespmem:$0x260];
	v1 =	vmul.f32 v5, v1  }
0x8c: {  	v2 =	vmin.f32 v2, $3.000000010e+38;
	v46 =	vmul.f32 v42, v3  }
0x8d: {  	v49 =	vshra.s32 v2, $0x1;
	v50 =	vmul.f32 $5.000000000e-01, v2;
	v1 =	vmul.f32 v1, v19  }
0x8e: {  	v55 =	vmul.f32 v51, v51;
	v52 =	vsub.s32 $0x5F3759DF, v49;
	v6 =	vsub.f32 $1.500000000e+00, v46;
	v43 =	vpop (erf)  }
0x8f: {  	v10 =	vmul.f32 v48, v48;
	v54 =	vmul.f32 v52, v50;
	v1 =	vsub.f32 $0.0e+00, v1;
	v45 =	vpop (erf)  }
0x90: {  	v7 =	vmul.f32 v47, v47;
	v3 =	vmul.f32 v6, v3;
	v5 =	vadd.f32 $1.000000000e+00, v45  }
0x91: {  	v9 =	vmul.f32 v52, v54;
	v1 =	vmul.f32 $1.442695020e+00, v1  }
0x92: {  	v7 =	vadd.f32 v10, v7;
	v53 =	vmul.f32 v3, v32;
	(erf) = vrcp.f32 v5  }
0x93: {  	v9 =	vsub.f32 $1.500000000e+00, v9;
	(erf) = vpow2.f32 v1  }
0x94: {  	v7 =	vadd.f32 v55, v7;
	v5 =	vmul.f32 v53, v3  }
0x95: {  	v1 =	vmul.f32 v52, v9  }
0x96: {  	v13 =	vld [tilespmem:$0x470];
	v56 =	vmul.f32 $3.000000000e+00, v7;
	v5 =	vsub.f32 $1.500000000e+00, v5  }
0x97: {  	v15 =	vld [tilespmem:$0x670];
	v57 =	vmul.f32 v1, v50  }
0x98: {  	v59 =	vmin.f32 v56, $3.000000010e+38;
	v3 =	vmul.f32 v5, v3  }
0x99: {  	v60 =	vld [tilespmem:$0x270];
	v62 =	vshra.s32 v59, $0x1;
	v12 =	vmul.f32 $5.000000000e-01, v59;
	v7 =	vmul.f32 v57, v1  }
0x9a: {  	v11 =	vsub.s32 $0x5F3759DF, v62;
	v3 =	vmul.f32 v3, v4  }
0x9b: {  	v14 =	vmul.f32 v11, v12;
	v7 =	vsub.f32 $1.500000000e+00, v7;
	v58 =	vpop (erf)  }
0x9c: {  	v13 =	vmul.f32 v13, v13;
	v17 =	vmul.f32 v15, v15;
	v3 =	vsub.f32 $0.0e+00, v3;
	v61 =	vpop (erf)  }
0x9d: {  	v63 =	vmul.f32 v11, v14;
	v1 =	vmul.f32 v7, v1;
	v10 =	vadd.f32 $1.000000000e+00, v61  }
0x9e: {  	v5 =	vmul.f32 v60, v60;
	v3 =	vmul.f32 $1.442695020e+00, v3  }
0x9f: {  	v14 =	vmul.f32 v1, v50;
	(erf) = vrcp.f32 v10  }
0xa0: {  	v16 =	vsub.f32 $1.500000000e+00, v63;
	v5 =	vadd.f32 v13, v5;
	(erf) = vpow2.f32 v3  }
0xa1: {  	v3 =	vmul.f32 v14, v1  }
0xa2: {  	v6 =	vmul.f32 v11, v16;
	v5 =	vadd.f32 v17, v5  }
0xa3: {  	v3 =	vsub.f32 $1.500000000e+00, v3  }
0xa4: {  	v18 =	vmul.f32 v6, v12;
	v5 =	vmul.f32 $3.000000000e+00, v5  }
0xa5: {  	v1 =	vmul.f32 v3, v1  }
0xa6: {  	v19 =	vmul.f32 v18, v6;
	v5 =	vmin.f32 v5, $3.000000010e+38  }
0xa7: {  	v20 =	vshra.s32 v5, $0x1;
	v21 =	vmul.f32 $5.000000000e-01, v5;
	v1 =	vmul.f32 v1, v2  }
0xa8: {  	v3 =	vsub.f32 $1.500000000e+00, v19;
	v2 =	vsub.s32 $0x5F3759DF, v20;
	v22 =	vpop (erf)  }
0xa9: {  	v24 =	vmul.f32 v2, v21;
	v1 =	vsub.f32 $0.0e+00, v1;
	v23 =	vpop (erf)  }
0xaa: {  	v3 =	vmul.f32 v3, v6;
	v11 =	vadd.f32 $1.000000000e+00, v23  }
0xab: {  	v25 =	vmul.f32 v2, v24;
	v1 =	vmul.f32 $1.442695020e+00, v1  }
0xac: {  	v26 =	vmul.f32 v3, v12;
	(erf) = vrcp.f32 v11  }
0xad: {  	v27 =	vsub.f32 $1.500000000e+00, v25;
	(erf) = vpow2.f32 v1  }
0xae: {  	v28 =	vmul.f32 v26, v3  }
0xaf: {  	v1 =	vmul.f32 v2, v27  }
0xb0: {  	v29 =	vsub.f32 $1.500000000e+00, v28  }
0xb1: {  	v30 =	vmul.f32 v1, v21  }
0xb2: {  	v2 =	vmul.f32 v29, v3  }
0xb3: {  	v31 =	vmul.f32 v30, v1  }
0xb4: {  	v2 =	vmul.f32 v2, v59  }
0xb5: {  	v3 =	vsub.f32 $1.500000000e+00, v31;
	v32 =	vpop (erf)  }
0xb6: {  	v2 =	vsub.f32 $0.0e+00, v2;
	v33 =	vpop (erf)  }
0xb7: {  	v1 =	vmul.f32 v3, v1;
	v6 =	vadd.f32 $1.000000000e+00, v33  }
0xb8: {  	v2 =	vmul.f32 $1.442695020e+00, v2  }
0xb9: {  	v3 =	vmul.f32 v1, v21;
	(erf) = vrcp.f32 v6  }
0xba: {  	(erf) = vpow2.f32 v2  }
0xbb: {  	v34 =	vmul.f32 v3, v1;
	_ =	sdelay $0x1  }
0xbc: {  	v2 =	vsub.f32 $1.500000000e+00, v34;
	_ =	sdelay $0x1  }
0xbd: {  	v1 =	vmul.f32 v2, v1;
	_ =	sdelay $0x1  }
0xbe: {  	v1 =	vmul.f32 v1, v5  }
0xbf: {  	v35 =	vpop (erf)  }
0xc0: {  	v1 =	vsub.f32 $0.0e+00, v1;
	v36 =	vpop (erf)  }
0xc1: {  	v3 =	vadd.f32 $1.000000000e+00, v36  }
0xc2: {  	v1 =	vmul.f32 $1.442695020e+00, v1  }
0xc3: {  	(erf) = vrcp.f32 v3  }
0xc4: {  	(erf) = vpow2.f32 v1;
	_ =	sdelay $0x7  }
0xc5: {  	v37 =	vpop (erf)  }
0xc6: {  	v38 =	vpop (erf)  }
0xc7: {  	v3 =	vadd.f32 $1.000000000e+00, v38;
	_ =	sdelay $0x1  }
0xc8: {  	(erf) = vrcp.f32 v3;
	_ =	sdelay $0x2  }
0xc9: {  	[tilespmem:$0x800] =	vst v0  }
0xca: {  	[tilespmem:$0x810] =	vst v43  }
0xcb: {  	[tilespmem:$0x820] =	vst v58  }
0xcc: {  	[tilespmem:$0x830] =	vst v22  }
0xcd: {  	[tilespmem:$0x840] =	vst v32  }
0xce: {  	[tilespmem:$0x850] =	vst v35  }
0xcf: {  	[tilespmem:$0x860] =	vst v37;
	v39 =	vpop (erf)  }
0xd0: {  	s12 =	rddreg [dreg:$0x8];
	[tilespmem:$0x870] =	vst v39  }
0xd1: {  	[hbm4b:s12+s3] =	stream.linear.scatter [tilespmem:s28], [sflag:$0x5], $0x80, $0x38;
	[tilespmem:$0xA00] =	vst v63  }
0xd2: {  	_ =	swait.ge [sflag:s15], $0x80  }
0xd3: {  	[sflag:s15] =	ssyncset.done $0x0  }
0xd4: {  	[sflag:s15] =	ssyncadd.s32 $0xFFFFFF80  }
0xd5: {  	_ =	swait.ge [sflag:s15], $0x80  }
0xd6: {  	[sflag:s15] =	ssyncset.done $0x0  }
0xd7: {  	[sflag:s15] =	ssyncadd.s32 $0xFFFFFF80  }
0xd8: {  	_ =	swait.ge [sflag:s15], $0x80  }
0xd9: {  	[sflag:s15] =	ssyncset.done $0x0  }
0xda: {  	[sflag:s15] =	ssyncadd.s32 $0xFFFFFF80  }
0xdb: {  	v40 =	vld [tilespmem:$0x280]  }
0xdc: {  	v41 =	vld [tilespmem:$0x480];
	_ =	sdelay $0x1  }
0xdd: {  	v42 =	vld [tilespmem:$0x680];
	_ =	sdelay $0x2  }
0xde: {  	v0 =	vmul.f32 v40, v40;
	v1 =	vmul.f32 v41, v41;
	_ =	sdelay $0x1  }
0xdf: {  	v43 =	vmul.f32 v42, v42;
	v0 =	vadd.f32 v1, v0;
	_ =	sdelay $0x1  }
0xe0: {  	v0 =	vadd.f32 v43, v0;
	_ =	sdelay $0x1  }
0xe1: {  	v0 =	vmul.f32 $3.000000000e+00, v0  }
0xe2: {  	v45 =	vld [tilespmem:$0x490]  }
0xe3: {  	v44 =	vld [tilespmem:$0x290];
	v0 =	vmin.f32 v0, $3.000000010e+38  }
0xe4: {  	v46 =	vshra.s32 v0, $0x1;
	v47 =	vmul.f32 $5.000000000e-01, v0  }
0xe5: {  	v48 =	vld [tilespmem:$0x690];
	v3 =	vsub.s32 $0x5F3759DF, v46  }
0xe6: {  	v49 =	vmul.f32 v3, v47  }
0xe7: {  	v2 =	vmul.f32 v45, v45  }
0xe8: {  	v1 =	vmul.f32 v44, v44;
	v6 =	vmul.f32 v3, v49;
	_ =	sdelay $0x1  }
0xe9: {  	v50 =	vmul.f32 v48, v48;
	v1 =	vadd.f32 v2, v1;
	v51 =	vsub.f32 $1.500000000e+00, v6;
	_ =	sdelay $0x1  }
0xea: {  	v1 =	vadd.f32 v50, v1;
	v52 =	vmul.f32 v3, v51  }
0xeb: {  	v53 =	vld [tilespmem:$0x2A0]  }
0xec: {  	v56 =	vld [tilespmem:$0x4A0];
	v1 =	vmul.f32 $3.000000000e+00, v1;
	v3 =	vmul.f32 v52, v47;
	_ =	sdelay $0x1  }
0xed: {  	v58 =	vld [tilespmem:$0x6A0];
	v1 =	vmin.f32 v1, $3.000000010e+38;
	v3 =	vmul.f32 v3, v52  }
0xee: {  	v54 =	vshra.s32 v1, $0x1;
	v55 =	vmul.f32 $5.000000000e-01, v1  }
0xef: {  	v5 =	vmul.f32 v53, v53;
	v6 =	vsub.s32 $0x5F3759DF, v54;
	v3 =	vsub.f32 $1.500000000e+00, v3  }
0xf0: {  	v8 =	vmul.f32 v56, v56;
	v57 =	vmul.f32 v6, v55  }
0xf1: {  	v2 =	vmul.f32 v3, v52  }
0xf2: {  	v60 =	vmul.f32 v58, v58;
	v5 =	vadd.f32 v8, v5;
	v59 =	vmul.f32 v6, v57  }
0xf3: {  	v4 =	vmul.f32 v2, v47  }
0xf4: {  	v5 =	vadd.f32 v60, v5;
	v3 =	vsub.f32 $1.500000000e+00, v59  }
0xf5: {  	v4 =	vmul.f32 v4, v2  }
0xf6: {  	v5 =	vmul.f32 $3.000000000e+00, v5;
	v3 =	vmul.f32 v6, v3  }
0xf7: {  	v4 =	vsub.f32 $1.500000000e+00, v4  }
0xf8: {  	v12 =	vld [tilespmem:$0x2B0];
	v5 =	vmin.f32 v5, $3.000000010e+38;
	v6 =	vmul.f32 v3, v55  }
0xf9: {  	v15 =	vld [tilespmem:$0x4B0];
	v62 =	vshra.s32 v5, $0x1;
	v63 =	vmul.f32 $5.000000000e-01, v5;
	v2 =	vmul.f32 v4, v2  }
0xfa: {  	v14 =	vsub.s32 $0x5F3759DF, v62;
	v61 =	vmul.f32 v6, v3  }
0xfb: {  	v17 =	vld [tilespmem:$0x6B0];
	v16 =	vmul.f32 v14, v63;
	v0 =	vmul.f32 v2, v0  }
0xfc: {  	v13 =	vsub.f32 $1.500000000e+00, v61  }
0xfd: {  	v9 =	vmul.f32 v12, v12;
	v10 =	vmul.f32 v14, v16;
	v0 =	vsub.f32 $0.0e+00, v0  }
0xfe: {  	v6 =	vmul.f32 v15, v15;
	v2 =	vmul.f32 v13, v3  }
0xff: {  	v10 =	vsub.f32 $1.500000000e+00, v10;
	v0 =	vmul.f32 $1.442695020e+00, v0  }
0x100: {  	v6 =	vadd.f32 v6, v9;
	v3 =	vmul.f32 v17, v17;
	v7 =	vmul.f32 v2, v55  }
0x101: {  	(erf) = vpow2.f32 v0  }
0x102: {  	v4 =	vmul.f32 v14, v10;
	v3 =	vadd.f32 v3, v6;
	v18 =	vmul.f32 v7, v2;
	_ =	sdelay $0x1  }
0x103: {  	v19 =	vmul.f32 v4, v63;
	v3 =	vmul.f32 $3.000000000e+00, v3;
	v0 =	vsub.f32 $1.500000000e+00, v18  }
0x104: {  	v24 =	vld [tilespmem:$0x2C0]  }
0x105: {  	v26 =	vld [tilespmem:$0x4C0];
	v20 =	vmul.f32 v19, v4;
	v22 =	vmin.f32 v3, $3.000000010e+38;
	v0 =	vmul.f32 v0, v2  }
0x106: {  	v3 =	vshra.s32 v22, $0x1;
	v23 =	vmul.f32 $5.000000000e-01, v22  }
0x107: {  	v28 =	vld [tilespmem:$0x6C0];
	v21 =	vsub.f32 $1.500000000e+00, v20;
	v3 =	vsub.s32 $0x5F3759DF, v3;
	v0 =	vmul.f32 v0, v1  }
0x108: {  	v27 =	vmul.f32 v3, v23  }
0x109: {  	v7 =	vmul.f32 v24, v24;
	v1 =	vmul.f32 v21, v4;
	v0 =	vsub.f32 $0.0e+00, v0;
	v25 =	vpop (erf)  }
0x10a: {  	v4 =	vmul.f32 v26, v26;
	v29 =	vmul.f32 v3, v27;
	v9 =	vadd.f32 $1.000000000e+00, v25  }
0x10b: {  	v8 =	vmul.f32 v1, v63;
	v0 =	vmul.f32 $1.442695020e+00, v0  }
0x10c: {  	v32 =	vmul.f32 v28, v28;
	v4 =	vadd.f32 v4, v7;
	(erf) = vrcp.f32 v9  }
0x10d: {  	v31 =	vsub.f32 $1.500000000e+00, v29;
	v30 =	vmul.f32 v8, v1;
	(erf) = vpow2.f32 v0  }
0x10e: {  	v4 =	vadd.f32 v32, v4  }
0x10f: {  	v3 =	vmul.f32 v3, v31;
	v0 =	vsub.f32 $1.500000000e+00, v30  }
0x110: {  	v43 =	vld [tilespmem:$0x6D0];
	v4 =	vmul.f32 $3.000000000e+00, v4  }
0x111: {  	v40 =	vld [tilespmem:$0x4D0];
	v33 =	vmul.f32 v3, v23;
	v0 =	vmul.f32 v0, v1  }
0x112: {  	v38 =	vld [tilespmem:$0x2D0]  }
0x113: {  	v4 =	vmin.f32 v4, $3.000000010e+38;
	v1 =	vmul.f32 v33, v3  }
0x114: {  	v35 =	vshra.s32 v4, $0x1;
	v36 =	vmul.f32 $5.000000000e-01, v4;
	v5 =	vmul.f32 v0, v5  }
0x115: {  	v45 =	vmul.f32 v43, v43;
	v37 =	vsub.s32 $0x5F3759DF, v35;
	v1 =	vsub.f32 $1.500000000e+00, v1;
	v0 =	vpop (erf)  }
0x116: {  	v10 =	vmul.f32 v40, v40;
	v39 =	vmul.f32 v37, v36;
	v5 =	vsub.f32 $0.0e+00, v5;
	v34 =	vpop (erf)  }
0x117: {  	v8 =	vmul.f32 v38, v38;
	v1 =	vmul.f32 v1, v3;
	v7 =	vadd.f32 $1.000000000e+00, v34  }
0x118: {  	v42 =	vmul.f32 v37, v39;
	v5 =	vmul.f32 $1.442695020e+00, v5  }
0x119: {  	v41 =	vmul.f32 v1, v23;
	(erf) = vrcp.f32 v7  }
0x11a: {  	v44 =	vadd.f32 v10, v8;
	v6 =	vsub.f32 $1.500000000e+00, v42;
	(erf) = vpow2.f32 v5  }
0x11b: {  	v5 =	vmul.f32 v41, v1  }
0x11c: {  	v47 =	vadd.f32 v45, v44;
	v3 =	vmul.f32 v37, v6  }
0x11d: {  	v54 =	vld [tilespmem:$0x6E0];
	v5 =	vsub.f32 $1.500000000e+00, v5  }
0x11e: {  	v51 =	vld [tilespmem:$0x4E0];
	v2 =	vmul.f32 $3.000000000e+00, v47;
	v46 =	vmul.f32 v3, v36  }
0x11f: {  	v50 =	vld [tilespmem:$0x2E0];
	v1 =	vmul.f32 v5, v1  }
0x120: {  	v2 =	vmin.f32 v2, $3.000000010e+38;
	v49 =	vmul.f32 v46, v3  }
0x121: {  	v52 =	vshra.s32 v2, $0x1;
	v53 =	vmul.f32 $5.000000000e-01, v2;
	v1 =	vmul.f32 v1, v22  }
0x122: {  	v58 =	vmul.f32 v54, v54;
	v55 =	vsub.s32 $0x5F3759DF, v52;
	v6 =	vsub.f32 $1.500000000e+00, v49;
	v8 =	vpop (erf)  }
0x123: {  	v10 =	vmul.f32 v51, v51;
	v57 =	vmul.f32 v55, v53;
	v1 =	vsub.f32 $0.0e+00, v1;
	v48 =	vpop (erf)  }
0x124: {  	v7 =	vmul.f32 v50, v50;
	v3 =	vmul.f32 v6, v3;
	v5 =	vadd.f32 $1.000000000e+00, v48  }
0x125: {  	v9 =	vmul.f32 v55, v57;
	v1 =	vmul.f32 $1.442695020e+00, v1  }
0x126: {  	v7 =	vadd.f32 v10, v7;
	v56 =	vmul.f32 v3, v36;
	(erf) = vrcp.f32 v5  }
0x127: {  	v9 =	vsub.f32 $1.500000000e+00, v9;
	(erf) = vpow2.f32 v1  }
0x128: {  	v7 =	vadd.f32 v58, v7;
	v5 =	vmul.f32 v56, v3  }
0x129: {  	v1 =	vmul.f32 v55, v9  }
0x12a: {  	v19 =	vld [tilespmem:$0x4F0];
	v59 =	vmul.f32 $3.000000000e+00, v7;
	v5 =	vsub.f32 $1.500000000e+00, v5  }
0x12b: {  	v21 =	vld [tilespmem:$0x6F0];
	v60 =	vmul.f32 v1, v53  }
0x12c: {  	v62 =	vmin.f32 v59, $3.000000010e+38;
	v3 =	vmul.f32 v5, v3  }
0x12d: {  	v63 =	vld [tilespmem:$0x2F0];
	v17 =	vshra.s32 v62, $0x1;
	v18 =	vmul.f32 $5.000000000e-01, v62;
	v7 =	vmul.f32 v60, v1  }
0x12e: {  	v11 =	vsub.s32 $0x5F3759DF, v17;
	v3 =	vmul.f32 v3, v4  }
0x12f: {  	v20 =	vmul.f32 v11, v18;
	v7 =	vsub.f32 $1.500000000e+00, v7;
	v61 =	vpop (erf)  }
0x130: {  	v26 =	vmul.f32 v21, v21;
	v23 =	vmul.f32 v19, v19;
	v3 =	vsub.f32 $0.0e+00, v3;
	v16 =	vpop (erf)  }
0x131: {  	v22 =	vmul.f32 v11, v20;
	v1 =	vmul.f32 v7, v1;
	v10 =	vadd.f32 $1.000000000e+00, v16  }
0x132: {  	v5 =	vmul.f32 v63, v63;
	v3 =	vmul.f32 $1.442695020e+00, v3  }
0x133: {  	v24 =	vmul.f32 v1, v53;
	(erf) = vrcp.f32 v10  }
0x134: {  	v25 =	vsub.f32 $1.500000000e+00, v22;
	v5 =	vadd.f32 v23, v5;
	(erf) = vpow2.f32 v3  }
0x135: {  	v3 =	vmul.f32 v24, v1  }
0x136: {  	v6 =	vmul.f32 v11, v25;
	v5 =	vadd.f32 v26, v5  }
0x137: {  	v3 =	vsub.f32 $1.500000000e+00, v3  }
0x138: {  	v27 =	vmul.f32 v6, v18;
	v5 =	vmul.f32 $3.000000000e+00, v5  }
0x139: {  	v1 =	vmul.f32 v3, v1  }
0x13a: {  	v28 =	vmul.f32 v27, v6;
	v5 =	vmin.f32 v5, $3.000000010e+38  }
0x13b: {  	v29 =	vshra.s32 v5, $0x1;
	v30 =	vmul.f32 $5.000000000e-01, v5;
	v1 =	vmul.f32 v1, v2  }
0x13c: {  	v3 =	vsub.f32 $1.500000000e+00, v28;
	v2 =	vsub.s32 $0x5F3759DF, v29;
	v31 =	vpop (erf)  }
0x13d: {  	v33 =	vmul.f32 v2, v30;
	v1 =	vsub.f32 $0.0e+00, v1;
	v32 =	vpop (erf)  }
0x13e: {  	v3 =	vmul.f32 v3, v6;
	v11 =	vadd.f32 $1.000000000e+00, v32  }
0x13f: {  	v34 =	vmul.f32 v2, v33;
	v1 =	vmul.f32 $1.442695020e+00, v1  }
0x140: {  	v35 =	vmul.f32 v3, v18;
	(erf) = vrcp.f32 v11  }
0x141: {  	v36 =	vsub.f32 $1.500000000e+00, v34;
	(erf) = vpow2.f32 v1  }
0x142: {  	v37 =	vmul.f32 v35, v3  }
0x143: {  	v1 =	vmul.f32 v2, v36  }
0x144: {  	v38 =	vsub.f32 $1.500000000e+00, v37  }
0x145: {  	v39 =	vmul.f32 v1, v30  }
0x146: {  	v2 =	vmul.f32 v38, v3  }
0x147: {  	v40 =	vmul.f32 v39, v1  }
0x148: {  	v2 =	vmul.f32 v2, v62  }
0x149: {  	v3 =	vsub.f32 $1.500000000e+00, v40;
	v41 =	vpop (erf)  }
0x14a: {  	v2 =	vsub.f32 $0.0e+00, v2;
	v42 =	vpop (erf)  }
0x14b: {  	v1 =	vmul.f32 v3, v1;
	v6 =	vadd.f32 $1.000000000e+00, v42  }
0x14c: {  	v2 =	vmul.f32 $1.442695020e+00, v2  }
0x14d: {  	v3 =	vmul.f32 v1, v30;
	(erf) = vrcp.f32 v6  }
0x14e: {  	(erf) = vpow2.f32 v2  }
0x14f: {  	v43 =	vmul.f32 v3, v1;
	_ =	sdelay $0x1  }
0x150: {  	v2 =	vsub.f32 $1.500000000e+00, v43;
	_ =	sdelay $0x1  }
0x151: {  	v1 =	vmul.f32 v2, v1;
	_ =	sdelay $0x1  }
0x152: {  	v1 =	vmul.f32 v1, v5  }
0x153: {  	v44 =	vpop (erf)  }
0x154: {  	v1 =	vsub.f32 $0.0e+00, v1;
	v45 =	vpop (erf)  }
0x155: {  	v3 =	vadd.f32 $1.000000000e+00, v45  }
0x156: {  	v1 =	vmul.f32 $1.442695020e+00, v1  }
0x157: {  	(erf) = vrcp.f32 v3  }
0x158: {  	(erf) = vpow2.f32 v1;
	_ =	sdelay $0x7  }
0x159: {  	v46 =	vpop (erf)  }
0x15a: {  	v47 =	vpop (erf)  }
0x15b: {  	v3 =	vadd.f32 $1.000000000e+00, v47;
	_ =	sdelay $0x1  }
0x15c: {  	(erf) = vrcp.f32 v3;
	_ =	sdelay $0x2  }
0x15d: {  	[tilespmem:$0x880] =	vst v0  }
0x15e: {  	[tilespmem:$0x890] =	vst v8  }
0x15f: {  	[tilespmem:$0x8A0] =	vst v61  }
0x160: {  	[tilespmem:$0x8B0] =	vst v31  }
0x161: {  	[tilespmem:$0x8C0] =	vst v41  }
0x162: {  	[tilespmem:$0x8D0] =	vst v44  }
0x163: {  	[tilespmem:$0x8E0] =	vst v46;
	v48 =	vpop (erf)  }
0x164: {  	s12 =	rddreg [dreg:$0x9];
	[tilespmem:$0x8F0] =	vst v48  }
0x165: {  	[hbm4b:s12+s3] =	stream.linear.scatter [tilespmem:s29], [sflag:$0x5], $0x80, $0x38;
	[tilespmem:$0xA00] =	vst v63  }
0x166: {  	_ =	swait.ge [sflag:s19], $0x80  }
0x167: {  	[sflag:s19] =	ssyncset.done $0x0  }
0x168: {  	[sflag:s19] =	ssyncadd.s32 $0xFFFFFF80  }
0x169: {  	_ =	swait.ge [sflag:s19], $0x80  }
0x16a: {  	[sflag:s19] =	ssyncset.done $0x0  }
0x16b: {  	[sflag:s19] =	ssyncadd.s32 $0xFFFFFF80  }
0x16c: {  	_ =	swait.ge [sflag:s19], $0x80  }
0x16d: {  	[sflag:s19] =	ssyncset.done $0x0  }
0x16e: {  	[sflag:s19] =	ssyncadd.s32 $0xFFFFFF80  }
0x16f: {  	v49 =	vld [tilespmem:$0x300]  }
0x170: {  	v50 =	vld [tilespmem:$0x500];
	_ =	sdelay $0x1  }
0x171: {  	v51 =	vld [tilespmem:$0x700];
	_ =	sdelay $0x2  }
0x172: {  	v0 =	vmul.f32 v49, v49;
	v1 =	vmul.f32 v50, v50;
	_ =	sdelay $0x1  }
0x173: {  	v52 =	vmul.f32 v51, v51;
	v0 =	vadd.f32 v1, v0;
	_ =	sdelay $0x1  }
0x174: {  	v0 =	vadd.f32 v52, v0;
	_ =	sdelay $0x1  }
0x175: {  	v0 =	vmul.f32 $3.000000000e+00, v0  }
0x176: {  	v54 =	vld [tilespmem:$0x510]  }
0x177: {  	v53 =	vld [tilespmem:$0x310];
	v0 =	vmin.f32 v0, $3.000000010e+38  }
0x178: {  	v55 =	vshra.s32 v0, $0x1;
	v56 =	vmul.f32 $5.000000000e-01, v0  }
0x179: {  	v57 =	vld [tilespmem:$0x710];
	v3 =	vsub.s32 $0x5F3759DF, v55  }
0x17a: {  	v58 =	vmul.f32 v3, v56  }
0x17b: {  	v2 =	vmul.f32 v54, v54  }
0x17c: {  	v1 =	vmul.f32 v53, v53;
	v6 =	vmul.f32 v3, v58;
	_ =	sdelay $0x1  }
0x17d: {  	v59 =	vmul.f32 v57, v57;
	v1 =	vadd.f32 v2, v1;
	v60 =	vsub.f32 $1.500000000e+00, v6;
	_ =	sdelay $0x1  }
0x17e: {  	v1 =	vadd.f32 v59, v1;
	v61 =	vmul.f32 v3, v60  }
0x17f: {  	v62 =	vld [tilespmem:$0x320]  }
0x180: {  	v13 =	vld [tilespmem:$0x520];
	v1 =	vmul.f32 $3.000000000e+00, v1;
	v3 =	vmul.f32 v61, v56;
	_ =	sdelay $0x1  }
0x181: {  	v15 =	vld [tilespmem:$0x720];
	v1 =	vmin.f32 v1, $3.000000010e+38;
	v3 =	vmul.f32 v3, v61  }
0x182: {  	v63 =	vshra.s32 v1, $0x1;
	v12 =	vmul.f32 $5.000000000e-01, v1  }
0x183: {  	v5 =	vmul.f32 v62, v62;
	v6 =	vsub.s32 $0x5F3759DF, v63;
	v3 =	vsub.f32 $1.500000000e+00, v3  }
0x184: {  	v8 =	vmul.f32 v13, v13;
	v14 =	vmul.f32 v6, v12  }
0x185: {  	v2 =	vmul.f32 v3, v61  }
0x186: {  	v17 =	vmul.f32 v15, v15;
	v5 =	vadd.f32 v8, v5;
	v16 =	vmul.f32 v6, v14  }
0x187: {  	v4 =	vmul.f32 v2, v56  }
0x188: {  	v5 =	vadd.f32 v17, v5;
	v3 =	vsub.f32 $1.500000000e+00, v16  }
0x189: {  	v4 =	vmul.f32 v4, v2  }
0x18a: {  	v5 =	vmul.f32 $3.000000000e+00, v5;
	v3 =	vmul.f32 v6, v3  }
0x18b: {  	v4 =	vsub.f32 $1.500000000e+00, v4  }
0x18c: {  	v21 =	vld [tilespmem:$0x330];
	v5 =	vmin.f32 v5, $3.000000010e+38;
	v6 =	vmul.f32 v3, v12  }
0x18d: {  	v24 =	vld [tilespmem:$0x530];
	v19 =	vshra.s32 v5, $0x1;
	v20 =	vmul.f32 $5.000000000e-01, v5;
	v2 =	vmul.f32 v4, v2  }
0x18e: {  	v23 =	vsub.s32 $0x5F3759DF, v19;
	v18 =	vmul.f32 v6, v3  }
0x18f: {  	v26 =	vld [tilespmem:$0x730];
	v25 =	vmul.f32 v23, v20;
	v0 =	vmul.f32 v2, v0  }
0x190: {  	v22 =	vsub.f32 $1.500000000e+00, v18  }
0x191: {  	v9 =	vmul.f32 v21, v21;
	v10 =	vmul.f32 v23, v25;
	v0 =	vsub.f32 $0.0e+00, v0  }
0x192: {  	v6 =	vmul.f32 v24, v24;
	v2 =	vmul.f32 v22, v3  }
0x193: {  	v10 =	vsub.f32 $1.500000000e+00, v10;
	v0 =	vmul.f32 $1.442695020e+00, v0  }
0x194: {  	v6 =	vadd.f32 v6, v9;
	v3 =	vmul.f32 v26, v26;
	v7 =	vmul.f32 v2, v12  }
0x195: {  	(erf) = vpow2.f32 v0  }
0x196: {  	v4 =	vmul.f32 v23, v10;
	v3 =	vadd.f32 v3, v6;
	v27 =	vmul.f32 v7, v2;
	_ =	sdelay $0x1  }
0x197: {  	v28 =	vmul.f32 v4, v20;
	v3 =	vmul.f32 $3.000000000e+00, v3;
	v0 =	vsub.f32 $1.500000000e+00, v27  }
0x198: {  	v33 =	vld [tilespmem:$0x340]  }
0x199: {  	v35 =	vld [tilespmem:$0x540];
	v29 =	vmul.f32 v28, v4;
	v31 =	vmin.f32 v3, $3.000000010e+38;
	v0 =	vmul.f32 v0, v2  }
0x19a: {  	v3 =	vshra.s32 v31, $0x1;
	v32 =	vmul.f32 $5.000000000e-01, v31  }
0x19b: {  	v37 =	vld [tilespmem:$0x740];
	v30 =	vsub.f32 $1.500000000e+00, v29;
	v3 =	vsub.s32 $0x5F3759DF, v3;
	v0 =	vmul.f32 v0, v1  }
0x19c: {  	v36 =	vmul.f32 v3, v32  }
0x19d: {  	v7 =	vmul.f32 v33, v33;
	v1 =	vmul.f32 v30, v4;
	v0 =	vsub.f32 $0.0e+00, v0;
	v34 =	vpop (erf)  }
0x19e: {  	v4 =	vmul.f32 v35, v35;
	v38 =	vmul.f32 v3, v36;
	v9 =	vadd.f32 $1.000000000e+00, v34  }
0x19f: {  	v8 =	vmul.f32 v1, v20;
	v0 =	vmul.f32 $1.442695020e+00, v0  }
0x1a0: {  	v41 =	vmul.f32 v37, v37;
	v4 =	vadd.f32 v4, v7;
	(erf) = vrcp.f32 v9  }
0x1a1: {  	v40 =	vsub.f32 $1.500000000e+00, v38;
	v39 =	vmul.f32 v8, v1;
	(erf) = vpow2.f32 v0  }
0x1a2: {  	v4 =	vadd.f32 v41, v4  }
0x1a3: {  	v3 =	vmul.f32 v3, v40;
	v0 =	vsub.f32 $1.500000000e+00, v39  }
0x1a4: {  	v52 =	vld [tilespmem:$0x750];
	v4 =	vmul.f32 $3.000000000e+00, v4  }
0x1a5: {  	v49 =	vld [tilespmem:$0x550];
	v42 =	vmul.f32 v3, v32;
	v0 =	vmul.f32 v0, v1  }
0x1a6: {  	v47 =	vld [tilespmem:$0x350]  }
0x1a7: {  	v4 =	vmin.f32 v4, $3.000000010e+38;
	v1 =	vmul.f32 v42, v3  }
0x1a8: {  	v44 =	vshra.s32 v4, $0x1;
	v45 =	vmul.f32 $5.000000000e-01, v4;
	v5 =	vmul.f32 v0, v5  }
0x1a9: {  	v54 =	vmul.f32 v52, v52;
	v46 =	vsub.s32 $0x5F3759DF, v44;
	v1 =	vsub.f32 $1.500000000e+00, v1;
	v0 =	vpop (erf)  }
0x1aa: {  	v10 =	vmul.f32 v49, v49;
	v48 =	vmul.f32 v46, v45;
	v5 =	vsub.f32 $0.0e+00, v5;
	v43 =	vpop (erf)  }
0x1ab: {  	v8 =	vmul.f32 v47, v47;
	v1 =	vmul.f32 v1, v3;
	v7 =	vadd.f32 $1.000000000e+00, v43  }
0x1ac: {  	v51 =	vmul.f32 v46, v48;
	v5 =	vmul.f32 $1.442695020e+00, v5  }
0x1ad: {  	v50 =	vmul.f32 v1, v32;
	(erf) = vrcp.f32 v7  }
0x1ae: {  	v53 =	vadd.f32 v10, v8;
	v6 =	vsub.f32 $1.500000000e+00, v51;
	(erf) = vpow2.f32 v5  }
0x1af: {  	v5 =	vmul.f32 v50, v1  }
0x1b0: {  	v57 =	vadd.f32 v54, v53;
	v3 =	vmul.f32 v46, v6  }
0x1b1: {  	v13 =	vld [tilespmem:$0x760];
	v5 =	vsub.f32 $1.500000000e+00, v5  }
0x1b2: {  	v61 =	vld [tilespmem:$0x560];
	v2 =	vmul.f32 $3.000000000e+00, v57;
	v55 =	vmul.f32 v3, v45  }
0x1b3: {  	v60 =	vld [tilespmem:$0x360];
	v1 =	vmul.f32 v5, v1  }
0x1b4: {  	v2 =	vmin.f32 v2, $3.000000010e+38;
	v59 =	vmul.f32 v55, v3  }
0x1b5: {  	v62 =	vshra.s32 v2, $0x1;
	v63 =	vmul.f32 $5.000000000e-01, v2;
	v1 =	vmul.f32 v1, v31  }
0x1b6: {  	v17 =	vmul.f32 v13, v13;
	v14 =	vsub.s32 $0x5F3759DF, v62;
	v6 =	vsub.f32 $1.500000000e+00, v59;
	v56 =	vpop (erf)  }
0x1b7: {  	v10 =	vmul.f32 v61, v61;
	v16 =	vmul.f32 v14, v63;
	v1 =	vsub.f32 $0.0e+00, v1;
	v58 =	vpop (erf)  }
0x1b8: {  	v7 =	vmul.f32 v60, v60;
	v3 =	vmul.f32 v6, v3;
	v5 =	vadd.f32 $1.000000000e+00, v58  }
0x1b9: {  	v9 =	vmul.f32 v14, v16;
	v1 =	vmul.f32 $1.442695020e+00, v1  }
0x1ba: {  	v7 =	vadd.f32 v10, v7;
	v15 =	vmul.f32 v3, v45;
	(erf) = vrcp.f32 v5  }
0x1bb: {  	v9 =	vsub.f32 $1.500000000e+00, v9;
	(erf) = vpow2.f32 v1  }
0x1bc: {  	v7 =	vadd.f32 v17, v7;
	v5 =	vmul.f32 v15, v3  }
0x1bd: {  	v1 =	vmul.f32 v14, v9  }
0x1be: {  	v26 =	vld [tilespmem:$0x570];
	v18 =	vmul.f32 $3.000000000e+00, v7;
	v5 =	vsub.f32 $1.500000000e+00, v5  }
0x1bf: {  	v28 =	vld [tilespmem:$0x770];
	v19 =	vmul.f32 v1, v63  }
0x1c0: {  	v21 =	vmin.f32 v18, $3.000000010e+38;
	v3 =	vmul.f32 v5, v3  }
0x1c1: {  	v22 =	vld [tilespmem:$0x370];
	v24 =	vshra.s32 v21, $0x1;
	v25 =	vmul.f32 $5.000000000e-01, v21;
	v7 =	vmul.f32 v19, v1  }
0x1c2: {  	v11 =	vsub.s32 $0x5F3759DF, v24;
	v3 =	vmul.f32 v3, v4  }
0x1c3: {  	v27 =	vmul.f32 v11, v25;
	v7 =	vsub.f32 $1.500000000e+00, v7;
	v20 =	vpop (erf)  }
0x1c4: {  	v33 =	vmul.f32 v28, v28;
	v30 =	vmul.f32 v26, v26;
	v3 =	vsub.f32 $0.0e+00, v3;
	v23 =	vpop (erf)  }
0x1c5: {  	v29 =	vmul.f32 v11, v27;
	v1 =	vmul.f32 v7, v1;
	v10 =	vadd.f32 $1.000000000e+00, v23  }
0x1c6: {  	v5 =	vmul.f32 v22, v22;
	v3 =	vmul.f32 $1.442695020e+00, v3  }
0x1c7: {  	v31 =	vmul.f32 v1, v63;
	(erf) = vrcp.f32 v10  }
0x1c8: {  	v32 =	vsub.f32 $1.500000000e+00, v29;
	v5 =	vadd.f32 v30, v5;
	(erf) = vpow2.f32 v3  }
0x1c9: {  	v3 =	vmul.f32 v31, v1  }
0x1ca: {  	v6 =	vmul.f32 v11, v32;
	v5 =	vadd.f32 v33, v5  }
0x1cb: {  	v3 =	vsub.f32 $1.500000000e+00, v3  }
0x1cc: {  	v34 =	vmul.f32 v6, v25;
	v5 =	vmul.f32 $3.000000000e+00, v5  }
0x1cd: {  	v1 =	vmul.f32 v3, v1  }
0x1ce: {  	v35 =	vmul.f32 v34, v6;
	v5 =	vmin.f32 v5, $3.000000010e+38  }
0x1cf: {  	v36 =	vshra.s32 v5, $0x1;
	v37 =	vmul.f32 $5.000000000e-01, v5;
	v1 =	vmul.f32 v1, v2  }
0x1d0: {  	v3 =	vsub.f32 $1.500000000e+00, v35;
	v2 =	vsub.s32 $0x5F3759DF, v36;
	v38 =	vpop (erf)  }
0x1d1: {  	v40 =	vmul.f32 v2, v37;
	v1 =	vsub.f32 $0.0e+00, v1;
	v39 =	vpop (erf)  }
0x1d2: {  	v3 =	vmul.f32 v3, v6;
	v11 =	vadd.f32 $1.000000000e+00, v39  }
0x1d3: {  	v41 =	vmul.f32 v2, v40;
	v1 =	vmul.f32 $1.442695020e+00, v1  }
0x1d4: {  	v42 =	vmul.f32 v3, v25;
	(erf) = vrcp.f32 v11  }
0x1d5: {  	v43 =	vsub.f32 $1.500000000e+00, v41;
	(erf) = vpow2.f32 v1  }
0x1d6: {  	v44 =	vmul.f32 v42, v3  }
0x1d7: {  	v1 =	vmul.f32 v2, v43  }
0x1d8: {  	v45 =	vsub.f32 $1.500000000e+00, v44  }
0x1d9: {  	v46 =	vmul.f32 v1, v37  }
0x1da: {  	v2 =	vmul.f32 v45, v3  }
0x1db: {  	v47 =	vmul.f32 v46, v1  }
0x1dc: {  	v2 =	vmul.f32 v2, v21  }
0x1dd: {  	v3 =	vsub.f32 $1.500000000e+00, v47;
	v48 =	vpop (erf)  }
0x1de: {  	v2 =	vsub.f32 $0.0e+00, v2;
	v49 =	vpop (erf)  }
0x1df: {  	v1 =	vmul.f32 v3, v1;
	v6 =	vadd.f32 $1.000000000e+00, v49  }
0x1e0: {  	v2 =	vmul.f32 $1.442695020e+00, v2  }
0x1e1: {  	v3 =	vmul.f32 v1, v37;
	(erf) = vrcp.f32 v6  }
0x1e2: {  	(erf) = vpow2.f32 v2  }
0x1e3: {  	v50 =	vmul.f32 v3, v1;
	_ =	sdelay $0x1  }
0x1e4: {  	v2 =	vsub.f32 $1.500000000e+00, v50;
	_ =	sdelay $0x1  }
0x1e5: {  	v1 =	vmul.f32 v2, v1;
	_ =	sdelay $0x1  }
0x1e6: {  	v1 =	vmul.f32 v1, v5  }
0x1e7: {  	v51 =	vpop (erf)  }
0x1e8: {  	v1 =	vsub.f32 $0.0e+00, v1;
	v52 =	vpop (erf)  }
0x1e9: {  	v3 =	vadd.f32 $1.000000000e+00, v52  }
0x1ea: {  	v1 =	vmul.f32 $1.442695020e+00, v1  }
0x1eb: {  	(erf) = vrcp.f32 v3  }
0x1ec: {  	(erf) = vpow2.f32 v1;
	_ =	sdelay $0x7  }
0x1ed: {  	v53 =	vpop (erf)  }
0x1ee: {  	v54 =	vpop (erf)  }
0x1ef: {  	v3 =	vadd.f32 $1.000000000e+00, v54;
	_ =	sdelay $0x1  }
0x1f0: {  	(erf) = vrcp.f32 v3;
	_ =	sdelay $0x2  }
0x1f1: {  	[tilespmem:$0x900] =	vst v0  }
0x1f2: {  	[tilespmem:$0x910] =	vst v56  }
0x1f3: {  	[tilespmem:$0x920] =	vst v20  }
0x1f4: {  	[tilespmem:$0x930] =	vst v38  }
0x1f5: {  	[tilespmem:$0x940] =	vst v48  }
0x1f6: {  	[tilespmem:$0x950] =	vst v51  }
0x1f7: {  	[tilespmem:$0x960] =	vst v53;
	v55 =	vpop (erf)  }
0x1f8: {  	s12 =	rddreg [dreg:$0xa];
	[tilespmem:$0x970] =	vst v55  }
0x1f9: {  	[hbm4b:s12+s3] =	stream.linear.scatter [tilespmem:s30], [sflag:$0x5], $0x80, $0x38;
	[tilespmem:$0xA00] =	vst v63  }
0x1fa: {  	_ =	swait.ge [sflag:s23], $0x80  }
0x1fb: {  	[sflag:s23] =	ssyncset.done $0x0  }
0x1fc: {  	[sflag:s23] =	ssyncadd.s32 $0xFFFFFF80  }
0x1fd: {  	_ =	swait.ge [sflag:s23], $0x80  }
0x1fe: {  	[sflag:s23] =	ssyncset.done $0x0  }
0x1ff: {  	[sflag:s23] =	ssyncadd.s32 $0xFFFFFF80  }
0x200: {  	_ =	swait.ge [sflag:s23], $0x80  }
0x201: {  	[sflag:s23] =	ssyncset.done $0x0  }
0x202: {  	[sflag:s23] =	ssyncadd.s32 $0xFFFFFF80  }
0x203: {  	v56 =	vld [tilespmem:$0x380]  }
0x204: {  	v57 =	vld [tilespmem:$0x580];
	_ =	sdelay $0x1  }
0x205: {  	v58 =	vld [tilespmem:$0x780];
	_ =	sdelay $0x2  }
0x206: {  	v0 =	vmul.f32 v56, v56;
	v1 =	vmul.f32 v57, v57;
	_ =	sdelay $0x1  }
0x207: {  	v59 =	vmul.f32 v58, v58;
	v0 =	vadd.f32 v1, v0;
	_ =	sdelay $0x1  }
0x208: {  	v0 =	vadd.f32 v59, v0;
	_ =	sdelay $0x1  }
0x209: {  	v0 =	vmul.f32 $3.000000000e+00, v0  }
0x20a: {  	v63 =	vld [tilespmem:$0x590]  }
0x20b: {  	v60 =	vld [tilespmem:$0x390];
	v0 =	vmin.f32 v0, $3.000000010e+38  }
0x20c: {  	v61 =	vshra.s32 v0, $0x1;
	v62 =	vmul.f32 $5.000000000e-01, v0  }
0x20d: {  	v10 =	vld [tilespmem:$0x790];
	v2 =	vsub.s32 $0x5F3759DF, v61  }
0x20e: {  	v9 =	vmul.f32 v2, v62  }
0x20f: {  	v4 =	vmul.f32 v63, v63  }
0x210: {  	v1 =	vmul.f32 v60, v60;
	v5 =	vmul.f32 v2, v9;
	_ =	sdelay $0x1  }
0x211: {  	v11 =	vmul.f32 v10, v10;
	v1 =	vadd.f32 v4, v1;
	v5 =	vsub.f32 $1.500000000e+00, v5;
	_ =	sdelay $0x1  }
0x212: {  	v1 =	vadd.f32 v11, v1;
	v2 =	vmul.f32 v2, v5;
	_ =	sdelay $0x1  }
0x213: {  	v16 =	vld [tilespmem:$0x5A0];
	v1 =	vmul.f32 $3.000000000e+00, v1;
	v12 =	vmul.f32 v2, v62  }
0x214: {  	v13 =	vld [tilespmem:$0x3A0]  }
0x215: {  	v1 =	vmin.f32 v1, $3.000000010e+38;
	v4 =	vmul.f32 v12, v2  }
0x216: {  	v18 =	vld [tilespmem:$0x7A0];
	v14 =	vshra.s32 v1, $0x1;
	v15 =	vmul.f32 $5.000000000e-01, v1  }
0x217: {  	v6 =	vsub.s32 $0x5F3759DF, v14;
	v4 =	vsub.f32 $1.500000000e+00, v4  }
0x218: {  	v8 =	vmul.f32 v16, v16;
	v17 =	vmul.f32 v6, v15  }
0x219: {  	v5 =	vmul.f32 v13, v13;
	v2 =	vmul.f32 v4, v2  }
0x21a: {  	v4 =	vmul.f32 v6, v17  }
0x21b: {  	v19 =	vmul.f32 v18, v18;
	v5 =	vadd.f32 v8, v5;
	v3 =	vmul.f32 v2, v62  }
0x21c: {  	v4 =	vsub.f32 $1.500000000e+00, v4  }
0x21d: {  	v5 =	vadd.f32 v19, v5;
	v3 =	vmul.f32 v3, v2  }
0x21e: {  	v4 =	vmul.f32 v6, v4  }
0x21f: {  	v23 =	vld [tilespmem:$0x3B0];
	v20 =	vmul.f32 $3.000000000e+00, v5;
	v3 =	vsub.f32 $1.500000000e+00, v3  }
0x220: {  	v26 =	vld [tilespmem:$0x5B0];
	v6 =	vmul.f32 v4, v15  }
0x221: {  	v22 =	vmin.f32 v20, $3.000000010e+38;
	v2 =	vmul.f32 v3, v2  }
0x222: {  	v28 =	vld [tilespmem:$0x7B0];
	v24 =	vshra.s32 v22, $0x1;
	v25 =	vmul.f32 $5.000000000e-01, v22;
	v21 =	vmul.f32 v6, v4  }
0x223: {  	v6 =	vsub.s32 $0x5F3759DF, v24;
	v0 =	vmul.f32 v2, v0  }
0x224: {  	v27 =	vmul.f32 v6, v25;
	v5 =	vsub.f32 $1.500000000e+00, v21  }
0x225: {  	v9 =	vmul.f32 v26, v26;
	v3 =	vmul.f32 v23, v23;
	v0 =	vsub.f32 $0.0e+00, v0  }
0x226: {  	v4 =	vmul.f32 v5, v4;
	v5 =	vmul.f32 v6, v27  }
0x227: {  	v30 =	vmul.f32 v28, v28;
	v0 =	vmul.f32 $1.442695020e+00, v0  }
0x228: {  	v3 =	vadd.f32 v9, v3;
	v7 =	vmul.f32 v4, v15;
	v5 =	vsub.f32 $1.500000000e+00, v5  }
0x229: {  	(erf) = vpow2.f32 v0  }
0x22a: {  	v3 =	vadd.f32 v30, v3;
	v29 =	vmul.f32 v7, v4;
	v5 =	vmul.f32 v6, v5;
	_ =	sdelay $0x1  }
0x22b: {  	v39 =	vld [tilespmem:$0x5C0];
	v3 =	vmul.f32 $3.000000000e+00, v3;
	v0 =	vsub.f32 $1.500000000e+00, v29;
	v31 =	vmul.f32 v5, v25  }
0x22c: {  	v41 =	vld [tilespmem:$0x7C0]  }
0x22d: {  	v37 =	vld [tilespmem:$0x3C0];
	v3 =	vmin.f32 v3, $3.000000010e+38;
	v0 =	vmul.f32 v0, v4;
	v32 =	vmul.f32 v31, v5  }
0x22e: {  	v33 =	vshra.s32 v3, $0x1;
	v34 =	vmul.f32 $5.000000000e-01, v3  }
0x22f: {  	v4 =	vsub.s32 $0x5F3759DF, v33;
	v0 =	vmul.f32 v0, v1;
	v1 =	vsub.f32 $1.500000000e+00, v32  }
0x230: {  	v42 =	vmul.f32 v39, v39;
	v36 =	vmul.f32 v4, v34  }
0x231: {  	v44 =	vmul.f32 v41, v41;
	v0 =	vsub.f32 $0.0e+00, v0;
	v1 =	vmul.f32 v1, v5;
	v35 =	vpop (erf)  }
0x232: {  	v38 =	vmul.f32 v4, v36;
	v5 =	vmul.f32 v37, v37;
	v7 =	vadd.f32 $1.000000000e+00, v35  }
0x233: {  	v0 =	vmul.f32 $1.442695020e+00, v0;
	v40 =	vmul.f32 v1, v25  }
0x234: {  	v5 =	vadd.f32 v42, v5;
	(erf) = vrcp.f32 v7;
	v7 =	vsub.f32 $1.500000000e+00, v38  }
0x235: {  	(erf) = vpow2.f32 v0  }
0x236: {  	v46 =	vadd.f32 v44, v5;
	v0 =	vmul.f32 v40, v1;
	v4 =	vmul.f32 v4, v7;
	_ =	sdelay $0x1  }
0x237: {  	v2 =	vmul.f32 $3.000000000e+00, v46;
	v0 =	vsub.f32 $1.500000000e+00, v0;
	v43 =	vmul.f32 v4, v34  }
0x238: {  	v49 =	vld [tilespmem:$0x3D0]  }
0x239: {  	v50 =	vld [tilespmem:$0x5D0];
	v2 =	vmin.f32 v2, $3.000000010e+38;
	v1 =	vmul.f32 v0, v1;
	v45 =	vmul.f32 v43, v4  }
0x23a: {  	v52 =	vshra.s32 v2, $0x1;
	v53 =	vmul.f32 $5.000000000e-01, v2  }
0x23b: {  	v54 =	vld [tilespmem:$0x7D0];
	v55 =	vsub.s32 $0x5F3759DF, v52;
	v1 =	vmul.f32 v1, v22;
	v48 =	vsub.f32 $1.500000000e+00, v45  }
0x23c: {  	v6 =	vmul.f32 v55, v53;
	v0 =	vpop (erf)  }
0x23d: {  	v8 =	vmul.f32 v49, v49;
	v1 =	vsub.f32 $0.0e+00, v1;
	v47 =	vpop (erf);
	v4 =	vmul.f32 v48, v4  }
0x23e: {  	v7 =	vmul.f32 v50, v50;
	v6 =	vmul.f32 v55, v6;
	v5 =	vadd.f32 $1.000000000e+00, v47  }
0x23f: {  	v1 =	vmul.f32 $1.442695020e+00, v1;
	v51 =	vmul.f32 v4, v34  }
0x240: {  	v56 =	vmul.f32 v54, v54;
	v7 =	vadd.f32 v7, v8;
	(erf) = vrcp.f32 v5  }
0x241: {  	v6 =	vsub.f32 $1.500000000e+00, v6;
	(erf) = vpow2.f32 v1;
	v5 =	vmul.f32 v51, v4  }
0x242: {  	v57 =	vadd.f32 v56, v7  }
0x243: {  	v1 =	vmul.f32 v55, v6;
	v5 =	vsub.f32 $1.500000000e+00, v5  }
0x244: {  	v61 =	vld [tilespmem:$0x3E0];
	v58 =	vmul.f32 $3.000000000e+00, v57  }
0x245: {  	v18 =	vld [tilespmem:$0x5E0];
	v60 =	vmul.f32 v1, v53;
	v4 =	vmul.f32 v5, v4  }
0x246: {  	v21 =	vld [tilespmem:$0x7E0]  }
0x247: {  	v7 =	vmul.f32 v60, v1;
	v3 =	vmul.f32 v4, v3;
	v4 =	vmin.f32 v58, $3.000000010e+38  }
0x248: {  	v62 =	vshra.s32 v4, $0x1;
	v63 =	vmul.f32 $5.000000000e-01, v4  }
0x249: {  	v23 =	vmul.f32 v61, v61;
	v19 =	vsub.f32 $1.500000000e+00, v7;
	v6 =	vpop (erf);
	v10 =	vsub.s32 $0x5F3759DF, v62  }
0x24a: {  	v24 =	vmul.f32 v18, v18;
	v3 =	vsub.f32 $0.0e+00, v3;
	v59 =	vpop (erf);
	v20 =	vmul.f32 v10, v63  }
0x24b: {  	v26 =	vmul.f32 v21, v21;
	v1 =	vmul.f32 v19, v1;
	v5 =	vadd.f32 $1.000000000e+00, v59  }
0x24c: {  	v3 =	vmul.f32 $1.442695020e+00, v3;
	v22 =	vmul.f32 v10, v20  }
0x24d: {  	v25 =	vmul.f32 v1, v53;
	(erf) = vrcp.f32 v5  }
0x24e: {  	v5 =	vadd.f32 v24, v23;
	(erf) = vpow2.f32 v3;
	v3 =	vsub.f32 $1.500000000e+00, v22  }
0x24f: {  	v8 =	vmul.f32 v25, v1  }
0x250: {  	v5 =	vadd.f32 v26, v5;
	v3 =	vmul.f32 v10, v3  }
0x251: {  	v30 =	vld [tilespmem:$0x3F0];
	v27 =	vsub.f32 $1.500000000e+00, v8  }
0x252: {  	v36 =	vld [tilespmem:$0x7F0];
	v5 =	vmul.f32 $3.000000000e+00, v5;
	v28 =	vmul.f32 v3, v63  }
0x253: {  	v34 =	vld [tilespmem:$0x5F0];
	v1 =	vmul.f32 v27, v1  }
0x254: {  	v5 =	vmin.f32 v5, $3.000000010e+38;
	v8 =	vmul.f32 v28, v3  }
0x255: {  	v1 =	vmul.f32 v1, v2;
	v32 =	vshra.s32 v5, $0x1;
	v33 =	vmul.f32 $5.000000000e-01, v5  }
0x256: {  	v9 =	vmul.f32 v30, v30;
	v2 =	vsub.s32 $0x5F3759DF, v32;
	v29 =	vpop (erf);
	v8 =	vsub.f32 $1.500000000e+00, v8  }
0x257: {  	v40 =	vmul.f32 v36, v36;
	v1 =	vsub.f32 $0.0e+00, v1;
	v35 =	vmul.f32 v2, v33;
	v31 =	vpop (erf)  }
0x258: {  	v38 =	vmul.f32 v34, v34;
	v10 =	vadd.f32 $1.000000000e+00, v31;
	v3 =	vmul.f32 v8, v3  }
0x259: {  	v1 =	vmul.f32 $1.442695020e+00, v1;
	v37 =	vmul.f32 v2, v35  }
0x25a: {  	(erf) = vrcp.f32 v10;
	v39 =	vmul.f32 v3, v63  }
0x25b: {  	v9 =	vadd.f32 v38, v9;
	v8 =	vsub.f32 $1.500000000e+00, v37;
	(erf) = vpow2.f32 v1  }
0x25c: {  	v1 =	vmul.f32 v39, v3  }
0x25d: {  	v41 =	vadd.f32 v40, v9;
	v2 =	vmul.f32 v2, v8  }
0x25e: {  	v1 =	vsub.f32 $1.500000000e+00, v1  }
0x25f: {  	v8 =	vmul.f32 $3.000000000e+00, v41;
	v42 =	vmul.f32 v2, v33  }
0x260: {  	v1 =	vmul.f32 v1, v3  }
0x261: {  	v8 =	vmin.f32 v8, $3.000000010e+38;
	v43 =	vmul.f32 v42, v2  }
0x262: {  	v44 =	vshra.s32 v8, $0x1;
	v45 =	vmul.f32 $5.000000000e-01, v8;
	v1 =	vmul.f32 v1, v4  }
0x263: {  	v3 =	vsub.f32 $1.500000000e+00, v43;
	v4 =	vsub.s32 $0x5F3759DF, v44;
	v46 =	vpop (erf)  }
0x264: {  	v48 =	vmul.f32 v4, v45;
	v47 =	vpop (erf);
	v1 =	vsub.f32 $0.0e+00, v1  }
0x265: {  	v2 =	vmul.f32 v3, v2;
	v49 =	vadd.f32 $1.000000000e+00, v47  }
0x266: {  	v50 =	vmul.f32 v4, v48;
	v1 =	vmul.f32 $1.442695020e+00, v1  }
0x267: {  	v51 =	vmul.f32 v2, v33;
	(erf) = vrcp.f32 v49  }
0x268: {  	v52 =	vsub.f32 $1.500000000e+00, v50;
	(erf) = vpow2.f32 v1  }
0x269: {  	v3 =	vmul.f32 v51, v2  }
0x26a: {  	v1 =	vmul.f32 v4, v52  }
0x26b: {  	v3 =	vsub.f32 $1.500000000e+00, v3  }
0x26c: {  	v4 =	vmul.f32 v1, v45  }
0x26d: {  	v2 =	vmul.f32 v3, v2  }
0x26e: {  	v53 =	vmul.f32 v4, v1  }
0x26f: {  	v2 =	vmul.f32 v2, v5  }
0x270: {  	v3 =	vsub.f32 $1.500000000e+00, v53;
	v54 =	vpop (erf)  }
0x271: {  	v2 =	vsub.f32 $0.0e+00, v2;
	v55 =	vpop (erf)  }
0x272: {  	v1 =	vmul.f32 v3, v1;
	v56 =	vadd.f32 $1.000000000e+00, v55  }
0x273: {  	v2 =	vmul.f32 $1.442695020e+00, v2  }
0x274: {  	v57 =	vmul.f32 v1, v45;
	(erf) = vrcp.f32 v56  }
0x275: {  	(erf) = vpow2.f32 v2  }
0x276: {  	v58 =	vmul.f32 v57, v1;
	_ =	sdelay $0x1  }
0x277: {  	v2 =	vsub.f32 $1.500000000e+00, v58;
	_ =	sdelay $0x1  }
0x278: {  	v1 =	vmul.f32 v2, v1;
	_ =	sdelay $0x1  }
0x279: {  	v1 =	vmul.f32 v1, v8  }
0x27a: {  	v59 =	vpop (erf)  }
0x27b: {  	v1 =	vsub.f32 $0.0e+00, v1;
	v60 =	vpop (erf)  }
0x27c: {  	v3 =	vadd.f32 $1.000000000e+00, v60  }
0x27d: {  	v1 =	vmul.f32 $1.442695020e+00, v1  }
0x27e: {  	(erf) = vrcp.f32 v3  }
0x27f: {  	(erf) = vpow2.f32 v1;
	_ =	sdelay $0x7  }
0x280: {  	v61 =	vpop (erf)  }
0x281: {  	v62 =	vpop (erf)  }
0x282: {  	v3 =	vadd.f32 $1.000000000e+00, v62;
	_ =	sdelay $0x1  }
0x283: {  	(erf) = vrcp.f32 v3;
	_ =	sdelay $0x2  }
0x284: {  	[tilespmem:$0x980] =	vst v0  }
0x285: {  	[tilespmem:$0x990] =	vst v6  }
0x286: {  	[tilespmem:$0x9A0] =	vst v29  }
0x287: {  	[tilespmem:$0x9B0] =	vst v46  }
0x288: {  	[tilespmem:$0x9C0] =	vst v54  }
0x289: {  	[tilespmem:$0x9D0] =	vst v59  }
0x28a: {  	[tilespmem:$0x9E0] =	vst v61;
	v63 =	vpop (erf)  }
0x28b: {  	[tilespmem:$0x9F0] =	vst v63  }
0x28c: {  	[hbm4b:s6+s3] =	stream.linear.scatter [tilespmem:s31], [sflag:$0x5], $0x80, $0x38;
	[tilespmem:$0xA00] =	vst v63  }
0x28d: {  	_ =	swait.ge [sflag:s0], $0x80  }
0x28e: {  	[sflag:s0] =	ssyncset.done $0x0  }
0x28f: {  	[sflag:s0] =	ssyncadd.s32 $0xFFFFFF80  }
0x290: {  	_ =	swait.ge [sflag:s0], $0x80  }
0x291: {  	[sflag:s0] =	ssyncset.done $0x0  }
0x292: {  	[sflag:s0] =	ssyncadd.s32 $0xFFFFFF80  }
0x293: {  	p0 =	sne.s32 s7, $0x1;
	_ =	swait.ge [sflag:s0], $0x80  }
.Ltmp0:
0x294: {  	[sflag:s0] =	ssyncset.done $0x0;
	(pc) =	sbr.rel @p0 .LBB2_1-.Ltmp0, $4  }
0x295: {  	[sflag:s0] =	ssyncadd.s32 $0xFFFFFF80  }
0x296: {  	_ =	swait.ge [sflag:s0], $0x80  }
0x297: {  	[sflag:s0] =	ssyncset.done $0x0  }
0x298: {  	s7 =	sadd.s32 $0xFFFFFFFF, s7;
	[sflag:s0] =	ssyncadd.s32 $0xFFFFFF80  }
0x299: {  	_ =	sfence.sel $0x180000  }
0x29a: {  	[bflag:$0x0] =	sbarrier.arrive $0xFFFF  }
0x29b: {  	_ =	strace $0x90000047  }
0x29c: {  	s0 =	stileid.u32;
	[bflag:$0x2] =	sbarrier.arrive $0xFFFF  }
0x29d: {  	p0 =	sne.s32 s0, $0x0;
	s0 =	rddreg [dreg:$0x3]  }
0x29e: {  	s0 =	sadd.s32 @!p0 $0x100000, s0  }
0x29f: {  	[sflag:s0] =	ssyncadd.tile.s32 @!p0 $0x1;
	_ =	shalt  }
.Lfunc_end2:
_tile_overlayer_lowered:
.L_overlay_start_2:
0x2a0: {  	(tag) =	ssettag $0x2  }
0x2a1: {  	s0 =	rddreg [dreg:$0x0];
	s2 =	stileid.u32  }
0x2a2: {  	s1 =	rddreg [dreg:$0x1];
	p0 =	sne.s32 s2, $0x0  }
0x2a3: {  	s3 =	rddreg [dreg:$0x2];
	[bflag:$0x3] =	sbarrier.arrive $0xFFFF;
	s2 =	simm.s32 @!p0 $0x1C06  }
0x2a4: {  	[timem:s3], [sflag:s2] =	dma.local @!p0 [hbm:s0], s1  }
0x2a5: {  	s0 =	simm.s32 @!p0 $0x6  }
0x2a6: {  	_ =	swait.ge @!p0 [sflag:s0], s1  }
0x2a7: {  	s1 =	ssub.s32 @!p0 $0x0, s1;
	[sflag:s0] =	ssyncset.done @!p0 $0x0  }
0x2a8: {  	[sflag:s0] =	ssyncadd.s32 @!p0 s1  }
0x2a9: {  	[bflag:$0x3] =	sbarrier.arrive $0xFFFF  }
0x2aa: {  	_ =	shalt  }

</sc_bundles>
